<compile_context>
chip_gen: v7x
topology: tpu7x:2x2x1
jax: 0.10.2.dev20260603
libtpu: 0.0.44.dev20260713+nightly
codegen_flags: <defaults>
</compile_context>

<pallas_src>
import functools

import jax
import jax.numpy as jnp
from jax import lax
from jax.experimental import pallas as pl
from jax.experimental.pallas import tpu as pltpu
from jax.experimental.pallas import tpu_sc as plsc

N = 10000
E = 320000
D = 128

NC = 2
NS = 16
NW = NC * NS
CH = 128
NCHUNK = E // CH
NP_ = 10240
RPT = NP_ // NS
STG = 128
NHOP = RPT // STG

_mesh = plsc.VectorSubcoreMesh(core_axis_name="c", subcore_axis_name="s")


@functools.partial(
    pl.kernel,
    out_type=[
        jax.ShapeDtypeStruct((NC, NS, RPT, D), jnp.float32),
        jax.ShapeDtypeStruct((NC, NS, RPT, D), jnp.float32),
    ],
    mesh=_mesh,
    scratch_types=[
        pltpu.VMEM((2, 2, CH), jnp.int32),
        pltpu.VMEM((2, CH, D), jnp.float32),
        pltpu.VMEM_SHARED((NP_, D), jnp.float32),
        pltpu.SemaphoreType.DMA,
        pltpu.SemaphoreType.DMA,
        pltpu.SemaphoreType.DMA,
        pltpu.SemaphoreType.DMA,
    ],
)
def _sc_aggregate(ei_hbm, x_hbm, zrow_hbm, ones_hbm,
                  out_sum, out_cnt,
                  idx_v, rows_v, acc_sh, sg0, sg1, ss0, ss1):
    c = lax.axis_index("c")
    s = lax.axis_index("s")
    wid = s * NC + c
    nt = jnp.where(wid < 4, (NCHUNK // NW) + 1, NCHUNK // NW)

    pltpu.sync_copy(zrow_hbm, rows_v.at[0])
    for k in range(NHOP):
        pltpu.sync_copy(rows_v.at[0], acc_sh.at[pl.ds(s * RPT + k * STG, STG)])
    plsc.subcore_barrier()

    def _gather_start(t, b):
        pltpu.sync_copy(ei_hbm.at[wid + t * NW], idx_v.at[b])

        @pl.when(b == 0)
        def _():
            pltpu.async_copy(x_hbm.at[idx_v.at[0, 0]], rows_v.at[0], sg0)

        @pl.when(b == 1)
        def _():
            pltpu.async_copy(x_hbm.at[idx_v.at[1, 0]], rows_v.at[1], sg1)

    def _gather_wait(b):
        @pl.when(b == 0)
        def _():
            pltpu.make_async_copy(x_hbm.at[idx_v.at[0, 0]], rows_v.at[0],
                                  sg0).wait()

        @pl.when(b == 1)
        def _():
            pltpu.make_async_copy(x_hbm.at[idx_v.at[1, 0]], rows_v.at[1],
                                  sg1).wait()

    _gather_start(0, 0)

    def body(t, carry):
        b = t & 1

        @pl.when(t + 1 < nt)
        def _():
            _gather_start(t + 1, 1 - b)

        _gather_wait(b)
        pltpu.sync_copy(rows_v.at[b], acc_sh.at[idx_v.at[b, 1]], add=True)
        return carry

    lax.fori_loop(0, nt, body, 0)
    plsc.subcore_barrier()

    pltpu.sync_copy(zrow_hbm, rows_v.at[1])
    for k in range(NHOP):
        pltpu.sync_copy(acc_sh.at[pl.ds(s * RPT + k * STG, STG)], rows_v.at[0])
        pltpu.sync_copy(rows_v.at[0], out_sum.at[c, s, pl.ds(k * STG, STG)])
        pltpu.sync_copy(rows_v.at[1], acc_sh.at[pl.ds(s * RPT + k * STG, STG)])
    plsc.subcore_barrier()

    pltpu.sync_copy(ones_hbm, rows_v.at[0])
    pltpu.sync_copy(ei_hbm.at[wid], idx_v.at[0])

    def _cnt_scatter_start(b):
        @pl.when(b == 0)
        def _():
            pltpu.async_copy(rows_v.at[0], acc_sh.at[idx_v.at[0, 1]], ss0,
                             add=True)

        @pl.when(b == 1)
        def _():
            pltpu.async_copy(rows_v.at[0], acc_sh.at[idx_v.at[1, 1]], ss1,
                             add=True)

    def _cnt_scatter_wait(b):
        @pl.when(b == 0)
        def _():
            pltpu.make_async_copy(rows_v.at[0], acc_sh.at[idx_v.at[0, 1]],
                                  ss0).wait()

        @pl.when(b == 1)
        def _():
            pltpu.make_async_copy(rows_v.at[0], acc_sh.at[idx_v.at[1, 1]],
                                  ss1).wait()

    def body_cnt(t, carry):
        b = t & 1

        @pl.when(t >= 1)
        def _():
            _cnt_scatter_wait(1 - b)

        @pl.when(t + 1 < nt)
        def _():
            pltpu.sync_copy(ei_hbm.at[wid + (t + 1) * NW], idx_v.at[1 - b])

        _cnt_scatter_start(b)
        return carry

    lax.fori_loop(0, nt, body_cnt, 0)
    _cnt_scatter_wait((nt - 1) & 1)
    plsc.subcore_barrier()

    for k in range(NHOP):
        pltpu.sync_copy(acc_sh.at[pl.ds(s * RPT + k * STG, STG)], rows_v.at[0])
        pltpu.sync_copy(rows_v.at[0], out_cnt.at[c, s, pl.ds(k * STG, STG)])


_BR = 1024
_NB = NP_ // _BR


def _tc_dense(psum_ref, pcnt_ref, x_ref, wl_ref, wr_ref, b_ref,
              h_ref, st_ref):
    summed = psum_ref[0] + psum_ref[1]
    cnt = pcnt_ref[0, :, 0:1] + pcnt_ref[1, :, 0:1]
    mean = summed / jnp.maximum(cnt, 1.0)
    h = jnp.dot(mean, wl_ref[...], preferred_element_type=jnp.float32)
    h = h + jnp.dot(x_ref[...], wr_ref[...], preferred_element_type=jnp.float32)
    h = jnp.maximum(h + b_ref[...], 0.0)
    h_ref[...] = h
    rows = lax.broadcasted_iota(jnp.int32, (_BR, 1), 0) + pl.program_id(0) * _BR
    hm = jnp.where(rows < N, h, 0.0)
    st_ref[...] = jnp.concatenate(
        [jnp.sum(hm, axis=0, keepdims=True),
         jnp.sum(hm * hm, axis=0, keepdims=True)], axis=0)[None]


def _tc_norm(h_ref, st_ref, g_ref, be_ref, o_ref):
    st = st_ref[...]
    mu = jnp.sum(st[:, 0, :], axis=0, keepdims=True) * (1.0 / N)
    ex2 = jnp.sum(st[:, 1, :], axis=0, keepdims=True) * (1.0 / N)
    var = ex2 - mu * mu
    scale = g_ref[...] * lax.rsqrt(var + 1e-5)
    o_ref[...] = (h_ref[...] - mu) * scale + be_ref[...]


def kernel(x, edge_index, W_l, b_l, W_r, gamma, beta):
    ei = jnp.transpose(edge_index.reshape(2, NCHUNK, CH), (1, 0, 2))
    zrow = jnp.zeros((STG, D), jnp.float32)
    ones = jnp.ones((CH, D), jnp.float32)

    psum, pcnt = _sc_aggregate(ei, x, zrow, ones)
    psum = psum.reshape(NC, NP_, D)
    pcnt = pcnt.reshape(NC, NP_, D)

    h, stats = pl.pallas_call(
        _tc_dense,
        grid=(_NB,),
        in_specs=[
            pl.BlockSpec((NC, _BR, D), lambda i: (0, i, 0)),
            pl.BlockSpec((NC, _BR, D), lambda i: (0, i, 0)),
            pl.BlockSpec((_BR, D), lambda i: (i, 0)),
            pl.BlockSpec((D, D), lambda i: (0, 0)),
            pl.BlockSpec((D, D), lambda i: (0, 0)),
            pl.BlockSpec((1, D), lambda i: (0, 0)),
        ],
        out_specs=[
            pl.BlockSpec((_BR, D), lambda i: (i, 0)),
            pl.BlockSpec((1, 2, D), lambda i: (i, 0, 0)),
        ],
        out_shape=[
            jax.ShapeDtypeStruct((N, D), jnp.float32),
            jax.ShapeDtypeStruct((_NB, 2, D), jnp.float32),
        ],
    )(psum, pcnt, x, W_l.T, W_r.T, b_l.reshape(1, D))

    out = pl.pallas_call(
        _tc_norm,
        grid=(_NB,),
        in_specs=[
            pl.BlockSpec((_BR, D), lambda i: (i, 0)),
            pl.BlockSpec((_NB, 2, D), lambda i: (0, 0, 0)),
            pl.BlockSpec((1, D), lambda i: (0, 0)),
            pl.BlockSpec((1, D), lambda i: (0, 0)),
        ],
        out_specs=pl.BlockSpec((_BR, D), lambda i: (i, 0)),
        out_shape=jax.ShapeDtypeStruct((N, D), jnp.float32),
    )(h, stats, gamma.reshape(1, D), beta.reshape(1, D))
    return out

# --- scband reference (transcript-rebuilt; emitter-appended) ---
"""Pipeline reference for scband-sageconv-layer-76166950027377 (READ-ONLY COPY).

The authoritative reference and input builder live on the scoring server;
editing this copy changes nothing except your own understanding.
"""

import jax, jax.numpy as jnp
import numpy as np

N = 10000
E = 320000
D_IN = 128
D_OUT = 128


def setup_inputs(seed: int = 0) -> dict:
    key = jax.random.key(seed)
    ks = jax.random.split(key, 6)
    x = jax.random.normal(ks[0], (N, D_IN), dtype=jnp.float32)
    edge_index = jax.random.randint(ks[1], (2, E), 0, N, dtype=jnp.int32)
    # SAGEConv parameters: lin_l (applied to aggregated neighbors, with bias),
    # lin_r (applied to root, no bias)
    W_l = jax.random.normal(ks[2], (D_OUT, D_IN), dtype=jnp.float32) * (1.0 / np.sqrt(D_IN))
    b_l = jnp.zeros((D_OUT,), dtype=jnp.float32)
    W_r = jax.random.normal(ks[3], (D_OUT, D_IN), dtype=jnp.float32) * (1.0 / np.sqrt(D_IN))
    # BatchNorm affine params (training-mode batch statistics)
    gamma = jnp.ones((D_OUT,), dtype=jnp.float32)
    beta = jnp.zeros((D_OUT,), dtype=jnp.float32)
    return {"x": x, "edge_index": edge_index, "W_l": W_l, "b_l": b_l, "W_r": W_r, "gamma": gamma, "beta": beta}


def reference(x, edge_index, W_l, b_l, W_r, gamma, beta):
    # Single node-type / single edge-type instantiation of the HeteroConv dict
    src = edge_index[0]
    dst = edge_index[1]
    # SAGEConv with mean aggregation: out = lin_l(mean_j x_j) + lin_r(x_i)
    msgs = jnp.take(x, src, axis=0)
    summed = jax.ops.segment_sum(msgs, dst, num_segments=N)
    counts = jax.ops.segment_sum(jnp.ones((E,), dtype=jnp.float32), dst, num_segments=N)
    mean_aggr = summed / jnp.clip(counts, 1.0)[:, None]
    h = mean_aggr @ W_l.T + b_l + x @ W_r.T
    # dropout p=0.0 -> identity, then ReLU, then BatchNorm (training mode)
    h = jax.nn.relu(h)
    mu = jnp.mean(h, axis=0)
    var = jnp.var(h, axis=0)  # biased variance, matches torch BatchNorm1d normalization
    h = (h - mu) / jnp.sqrt(var + 1e-5) * gamma + beta
    return h

if __name__ == "__main__":
    import jax
    _d = setup_inputs()
    print(jax.jit(kernel)(*tuple(_d.values())))

</pallas_src>

<mosaic_0001>
#map = affine_map<(d0, d1) -> (0, 0, 0)>
#map1 = affine_map<(d0, d1) -> (0, 0)>
#map2 = affine_map<(d0, d1) -> (0, 0, 0, 0)>
module attributes {stable_mosaic.version = 14 : i64} {
  func.func @_sc_aggregate(%arg0: i32, %arg1: i32, %arg2: memref<2500x2x128xi32, #tpu.memory_space<hbm>>, %arg3: memref<10000x128xf32, #tpu.memory_space<hbm>>, %arg4: memref<128x128xf32, #tpu.memory_space<hbm>>, %arg5: memref<128x128xf32, #tpu.memory_space<hbm>>, %arg6: memref<2x16x640x128xf32, #tpu.memory_space<hbm>>, %arg7: memref<2x16x640x128xf32, #tpu.memory_space<hbm>>, %arg8: memref<2x2x128xi32, #tpu.memory_space<vmem>>, %arg9: memref<2x128x128xf32, #tpu.memory_space<vmem>>, %arg10: memref<10240x128xf32, #tpu.memory_space<vmem_shared>>, %arg11: memref<!tpu.dma_semaphore, #tpu.memory_space<semaphore_mem>>, %arg12: memref<!tpu.dma_semaphore, #tpu.memory_space<semaphore_mem>>, %arg13: memref<!tpu.dma_semaphore, #tpu.memory_space<semaphore_mem>>, %arg14: memref<!tpu.dma_semaphore, #tpu.memory_space<semaphore_mem>>) attributes {dimension_semantics = [#tpu.dimension_semantics<core_parallel>, #tpu.dimension_semantics<subcore_parallel>], iteration_bounds = array<i64: 2, 16>, scalar_prefetch = 0 : i64, scratch_operands = 7 : i64, tpu.core_type = #tpu.core_type<sc_vector_subcore>, window_params = [{transform_indices = #map}, {transform_indices = #map1}, {transform_indices = #map1}, {transform_indices = #map1}, {transform_indices = #map2}, {transform_indices = #map2}]} {
    %mul3A = arith.constant 2 : i32
    %mul3A_0 = arith.muli %arg1, %mul3A : i32
    %add3A = arith.addi %mul3A_0, %arg0 : i32
    %lt3A = arith.constant 4 : i32
    %lt3A_1 = arith.cmpi slt, %add3A, %lt3A : i32
    %jit3A = arith.constant 79 : i32
    %jit3A_2 = arith.constant 78 : i32
    %select_n3A = arith.select %lt3A_1, %jit3A, %jit3A_2 : i32
    %run_scoped3A = arith.constant 0 : i32
    "tpu.region"() ({
      %run_scoped3A_162 = tpu.sem_alloc : memref<!tpu.dma_semaphore, #tpu.memory_space<semaphore_mem>>
      %dma_start3A_163 = arith.constant 0 : i32
      %dma_start3A_164 = arith.constant 0 : i32
      %dma_start3A_165 = tpu.memref_slice %arg9[%run_scoped3A, %dma_start3A_163, %dma_start3A_164] : memref<2x128x128xf32, #tpu.memory_space<vmem>> -> memref<1x128x128xf32, #tpu.memory_space<vmem>>
      %dma_start3A_166 = tpu.memref_squeeze %dma_start3A_165 : memref<1x128x128xf32, #tpu.memory_space<vmem>> -> memref<128x128xf32, #tpu.memory_space<vmem>>
      %dma_start3A_167 = arith.constant 0 : i32
      %dma_start3A_168 = arith.constant 0 : i32
      %dma_start3A_169 = tpu.memref_slice %arg9[%run_scoped3A, %dma_start3A_167, %dma_start3A_168] : memref<2x128x128xf32, #tpu.memory_space<vmem>> -> memref<1x128x128xf32, #tpu.memory_space<vmem>>
      %dma_start3A_170 = tpu.memref_squeeze %dma_start3A_169 : memref<1x128x128xf32, #tpu.memory_space<vmem>> -> memref<128x128xf32, #tpu.memory_space<vmem>>
      tpu.enqueue_dma source(%arg4 : memref<128x128xf32, #tpu.memory_space<hbm>>) target(%dma_start3A_170 : memref<128x128xf32, #tpu.memory_space<vmem>>) target_semaphore(%run_scoped3A_162 : memref<!tpu.dma_semaphore, #tpu.memory_space<semaphore_mem>>)
      %dma_wait3A = arith.constant 0 : i32
      %dma_wait3A_171 = arith.constant 0 : i32
      %dma_wait3A_172 = tpu.memref_slice %arg9[%run_scoped3A, %dma_wait3A, %dma_wait3A_171] : memref<2x128x128xf32, #tpu.memory_space<vmem>> -> memref<1x128x128xf32, #tpu.memory_space<vmem>>
      %dma_wait3A_173 = tpu.memref_squeeze %dma_wait3A_172 : memref<1x128x128xf32, #tpu.memory_space<vmem>> -> memref<128x128xf32, #tpu.memory_space<vmem>>
      %dma_wait3A_174 = arith.constant 0 : i32
      %dma_wait3A_175 = arith.constant 0 : i32
      %dma_wait3A_176 = tpu.memref_slice %arg9[%run_scoped3A, %dma_wait3A_174, %dma_wait3A_175] : memref<2x128x128xf32, #tpu.memory_space<vmem>> -> memref<1x128x128xf32, #tpu.memory_space<vmem>>
      %dma_wait3A_177 = tpu.memref_squeeze %dma_wait3A_176 : memref<1x128x128xf32, #tpu.memory_space<vmem>> -> memref<128x128xf32, #tpu.memory_space<vmem>>
      tpu.wait_dma2 semaphore(%run_scoped3A_162 : memref<!tpu.dma_semaphore, #tpu.memory_space<semaphore_mem>>) src(%arg4 : memref<128x128xf32, #tpu.memory_space<hbm>>) dst(%dma_wait3A_177 : memref<128x128xf32, #tpu.memory_space<vmem>>)
      tpu.yield
    }) : () -> ()
    %mul3A_3 = arith.constant 640 : i32
    %mul3A_4 = arith.muli %arg1, %mul3A_3 : i32
    %add3A_5 = arith.constant 0 : i32
    %add3A_6 = arith.addi %mul3A_4, %add3A_5 : i32
    %run_scoped3A_7 = arith.constant 0 : i32
    "tpu.region"() ({
      %run_scoped3A_162 = tpu.sem_alloc : memref<!tpu.dma_semaphore, #tpu.memory_space<semaphore_mem>>
      %dma_start3A_163 = arith.constant 0 : i32
      %dma_start3A_164 = arith.constant 0 : i32
      %dma_start3A_165 = tpu.memref_slice %arg9[%run_scoped3A_7, %dma_start3A_163, %dma_start3A_164] : memref<2x128x128xf32, #tpu.memory_space<vmem>> -> memref<1x128x128xf32, #tpu.memory_space<vmem>>
      %dma_start3A_166 = tpu.memref_squeeze %dma_start3A_165 : memref<1x128x128xf32, #tpu.memory_space<vmem>> -> memref<128x128xf32, #tpu.memory_space<vmem>>
      %dma_start3A_167 = arith.constant 0 : i32
      %dma_start3A_168 = tpu.memref_slice %arg10[%add3A_6, %dma_start3A_167] : memref<10240x128xf32, #tpu.memory_space<vmem_shared>> -> memref<128x128xf32, #tpu.memory_space<vmem_shared>>
      %dma_start3A_169 = arith.constant 0 : i32
      %dma_start3A_170 = tpu.memref_slice %arg10[%add3A_6, %dma_start3A_169] : memref<10240x128xf32, #tpu.memory_space<vmem_shared>> -> memref<128x128xf32, #tpu.memory_space<vmem_shared>>
      %dma_start3A_171 = arith.constant 0 : i32
      %dma_start3A_172 = arith.constant 0 : i32
      %dma_start3A_173 = tpu.memref_slice %arg9[%run_scoped3A_7, %dma_start3A_171, %dma_start3A_172] : memref<2x128x128xf32, #tpu.memory_space<vmem>> -> memref<1x128x128xf32, #tpu.memory_space<vmem>>
      %dma_start3A_174 = tpu.memref_squeeze %dma_start3A_173 : memref<1x128x128xf32, #tpu.memory_space<vmem>> -> memref<128x128xf32, #tpu.memory_space<vmem>>
      tpu.enqueue_dma source(%dma_start3A_174 : memref<128x128xf32, #tpu.memory_space<vmem>>) target(%dma_start3A_170 : memref<128x128xf32, #tpu.memory_space<vmem_shared>>) target_semaphore(%run_scoped3A_162 : memref<!tpu.dma_semaphore, #tpu.memory_space<semaphore_mem>>)
      %dma_wait3A = arith.constant 0 : i32
      %dma_wait3A_175 = arith.constant 0 : i32
      %dma_wait3A_176 = tpu.memref_slice %arg9[%run_scoped3A_7, %dma_wait3A, %dma_wait3A_175] : memref<2x128x128xf32, #tpu.memory_space<vmem>> -> memref<1x128x128xf32, #tpu.memory_space<vmem>>
      %dma_wait3A_177 = tpu.memref_squeeze %dma_wait3A_176 : memref<1x128x128xf32, #tpu.memory_space<vmem>> -> memref<128x128xf32, #tpu.memory_space<vmem>>
      %dma_wait3A_178 = arith.constant 0 : i32
      %dma_wait3A_179 = tpu.memref_slice %arg10[%add3A_6, %dma_wait3A_178] : memref<10240x128xf32, #tpu.memory_space<vmem_shared>> -> memref<128x128xf32, #tpu.memory_space<vmem_shared>>
      %dma_wait3A_180 = arith.constant 0 : i32
      %dma_wait3A_181 = tpu.memref_slice %arg10[%add3A_6, %dma_wait3A_180] : memref<10240x128xf32, #tpu.memory_space<vmem_shared>> -> memref<128x128xf32, #tpu.memory_space<vmem_shared>>
      %dma_wait3A_182 = arith.constant 0 : i32
      %dma_wait3A_183 = arith.constant 0 : i32
      %dma_wait3A_184 = tpu.memref_slice %arg9[%run_scoped3A_7, %dma_wait3A_182, %dma_wait3A_183] : memref<2x128x128xf32, #tpu.memory_space<vmem>> -> memref<1x128x128xf32, #tpu.memory_space<vmem>>
      %dma_wait3A_185 = tpu.memref_squeeze %dma_wait3A_184 : memref<1x128x128xf32, #tpu.memory_space<vmem>> -> memref<128x128xf32, #tpu.memory_space<vmem>>
      tpu.wait_dma2 semaphore(%run_scoped3A_162 : memref<!tpu.dma_semaphore, #tpu.memory_space<semaphore_mem>>) src(%dma_wait3A_185 : memref<128x128xf32, #tpu.memory_space<vmem>>) dst(%dma_wait3A_181 : memref<128x128xf32, #tpu.memory_space<vmem_shared>>)
      tpu.yield
    }) : () -> ()
    %mul3A_8 = arith.constant 640 : i32
    %mul3A_9 = arith.muli %arg1, %mul3A_8 : i32
    %add3A_10 = arith.constant 128 : i32
    %add3A_11 = arith.addi %mul3A_9, %add3A_10 : i32
    %run_scoped3A_12 = arith.constant 0 : i32
    "tpu.region"() ({
      %run_scoped3A_162 = tpu.sem_alloc : memref<!tpu.dma_semaphore, #tpu.memory_space<semaphore_mem>>
      %dma_start3A_163 = arith.constant 0 : i32
      %dma_start3A_164 = arith.constant 0 : i32
      %dma_start3A_165 = tpu.memref_slice %arg9[%run_scoped3A_12, %dma_start3A_163, %dma_start3A_164] : memref<2x128x128xf32, #tpu.memory_space<vmem>> -> memref<1x128x128xf32, #tpu.memory_space<vmem>>
      %dma_start3A_166 = tpu.memref_squeeze %dma_start3A_165 : memref<1x128x128xf32, #tpu.memory_space<vmem>> -> memref<128x128xf32, #tpu.memory_space<vmem>>
      %dma_start3A_167 = arith.constant 0 : i32
      %dma_start3A_168 = tpu.memref_slice %arg10[%add3A_11, %dma_start3A_167] : memref<10240x128xf32, #tpu.memory_space<vmem_shared>> -> memref<128x128xf32, #tpu.memory_space<vmem_shared>>
      %dma_start3A_169 = arith.constant 0 : i32
      %dma_start3A_170 = tpu.memref_slice %arg10[%add3A_11, %dma_start3A_169] : memref<10240x128xf32, #tpu.memory_space<vmem_shared>> -> memref<128x128xf32, #tpu.memory_space<vmem_shared>>
      %dma_start3A_171 = arith.constant 0 : i32
      %dma_start3A_172 = arith.constant 0 : i32
      %dma_start3A_173 = tpu.memref_slice %arg9[%run_scoped3A_12, %dma_start3A_171, %dma_start3A_172] : memref<2x128x128xf32, #tpu.memory_space<vmem>> -> memref<1x128x128xf32, #tpu.memory_space<vmem>>
      %dma_start3A_174 = tpu.memref_squeeze %dma_start3A_173 : memref<1x128x128xf32, #tpu.memory_space<vmem>> -> memref<128x128xf32, #tpu.memory_space<vmem>>
      tpu.enqueue_dma source(%dma_start3A_174 : memref<128x128xf32, #tpu.memory_space<vmem>>) target(%dma_start3A_170 : memref<128x128xf32, #tpu.memory_space<vmem_shared>>) target_semaphore(%run_scoped3A_162 : memref<!tpu.dma_semaphore, #tpu.memory_space<semaphore_mem>>)
      %dma_wait3A = arith.constant 0 : i32
      %dma_wait3A_175 = arith.constant 0 : i32
      %dma_wait3A_176 = tpu.memref_slice %arg9[%run_scoped3A_12, %dma_wait3A, %dma_wait3A_175] : memref<2x128x128xf32, #tpu.memory_space<vmem>> -> memref<1x128x128xf32, #tpu.memory_space<vmem>>
      %dma_wait3A_177 = tpu.memref_squeeze %dma_wait3A_176 : memref<1x128x128xf32, #tpu.memory_space<vmem>> -> memref<128x128xf32, #tpu.memory_space<vmem>>
      %dma_wait3A_178 = arith.constant 0 : i32
      %dma_wait3A_179 = tpu.memref_slice %arg10[%add3A_11, %dma_wait3A_178] : memref<10240x128xf32, #tpu.memory_space<vmem_shared>> -> memref<128x128xf32, #tpu.memory_space<vmem_shared>>
      %dma_wait3A_180 = arith.constant 0 : i32
      %dma_wait3A_181 = tpu.memref_slice %arg10[%add3A_11, %dma_wait3A_180] : memref<10240x128xf32, #tpu.memory_space<vmem_shared>> -> memref<128x128xf32, #tpu.memory_space<vmem_shared>>
      %dma_wait3A_182 = arith.constant 0 : i32
      %dma_wait3A_183 = arith.constant 0 : i32
      %dma_wait3A_184 = tpu.memref_slice %arg9[%run_scoped3A_12, %dma_wait3A_182, %dma_wait3A_183] : memref<2x128x128xf32, #tpu.memory_space<vmem>> -> memref<1x128x128xf32, #tpu.memory_space<vmem>>
      %dma_wait3A_185 = tpu.memref_squeeze %dma_wait3A_184 : memref<1x128x128xf32, #tpu.memory_space<vmem>> -> memref<128x128xf32, #tpu.memory_space<vmem>>
      tpu.wait_dma2 semaphore(%run_scoped3A_162 : memref<!tpu.dma_semaphore, #tpu.memory_space<semaphore_mem>>) src(%dma_wait3A_185 : memref<128x128xf32, #tpu.memory_space<vmem>>) dst(%dma_wait3A_181 : memref<128x128xf32, #tpu.memory_space<vmem_shared>>)
      tpu.yield
    }) : () -> ()
    %mul3A_13 = arith.constant 640 : i32
    %mul3A_14 = arith.muli %arg1, %mul3A_13 : i32
    %add3A_15 = arith.constant 256 : i32
    %add3A_16 = arith.addi %mul3A_14, %add3A_15 : i32
    %run_scoped3A_17 = arith.constant 0 : i32
    "tpu.region"() ({
      %run_scoped3A_162 = tpu.sem_alloc : memref<!tpu.dma_semaphore, #tpu.memory_space<semaphore_mem>>
      %dma_start3A_163 = arith.constant 0 : i32
      %dma_start3A_164 = arith.constant 0 : i32
      %dma_start3A_165 = tpu.memref_slice %arg9[%run_scoped3A_17, %dma_start3A_163, %dma_start3A_164] : memref<2x128x128xf32, #tpu.memory_space<vmem>> -> memref<1x128x128xf32, #tpu.memory_space<vmem>>
      %dma_start3A_166 = tpu.memref_squeeze %dma_start3A_165 : memref<1x128x128xf32, #tpu.memory_space<vmem>> -> memref<128x128xf32, #tpu.memory_space<vmem>>
      %dma_start3A_167 = arith.constant 0 : i32
      %dma_start3A_168 = tpu.memref_slice %arg10[%add3A_16, %dma_start3A_167] : memref<10240x128xf32, #tpu.memory_space<vmem_shared>> -> memref<128x128xf32, #tpu.memory_space<vmem_shared>>
      %dma_start3A_169 = arith.constant 0 : i32
      %dma_start3A_170 = tpu.memref_slice %arg10[%add3A_16, %dma_start3A_169] : memref<10240x128xf32, #tpu.memory_space<vmem_shared>> -> memref<128x128xf32, #tpu.memory_space<vmem_shared>>
      %dma_start3A_171 = arith.constant 0 : i32
      %dma_start3A_172 = arith.constant 0 : i32
      %dma_start3A_173 = tpu.memref_slice %arg9[%run_scoped3A_17, %dma_start3A_171, %dma_start3A_172] : memref<2x128x128xf32, #tpu.memory_space<vmem>> -> memref<1x128x128xf32, #tpu.memory_space<vmem>>
      %dma_start3A_174 = tpu.memref_squeeze %dma_start3A_173 : memref<1x128x128xf32, #tpu.memory_space<vmem>> -> memref<128x128xf32, #tpu.memory_space<vmem>>
      tpu.enqueue_dma source(%dma_start3A_174 : memref<128x128xf32, #tpu.memory_space<vmem>>) target(%dma_start3A_170 : memref<128x128xf32, #tpu.memory_space<vmem_shared>>) target_semaphore(%run_scoped3A_162 : memref<!tpu.dma_semaphore, #tpu.memory_space<semaphore_mem>>)
      %dma_wait3A = arith.constant 0 : i32
      %dma_wait3A_175 = arith.constant 0 : i32
      %dma_wait3A_176 = tpu.memref_slice %arg9[%run_scoped3A_17, %dma_wait3A, %dma_wait3A_175] : memref<2x128x128xf32, #tpu.memory_space<vmem>> -> memref<1x128x128xf32, #tpu.memory_space<vmem>>
      %dma_wait3A_177 = tpu.memref_squeeze %dma_wait3A_176 : memref<1x128x128xf32, #tpu.memory_space<vmem>> -> memref<128x128xf32, #tpu.memory_space<vmem>>
      %dma_wait3A_178 = arith.constant 0 : i32
      %dma_wait3A_179 = tpu.memref_slice %arg10[%add3A_16, %dma_wait3A_178] : memref<10240x128xf32, #tpu.memory_space<vmem_shared>> -> memref<128x128xf32, #tpu.memory_space<vmem_shared>>
      %dma_wait3A_180 = arith.constant 0 : i32
      %dma_wait3A_181 = tpu.memref_slice %arg10[%add3A_16, %dma_wait3A_180] : memref<10240x128xf32, #tpu.memory_space<vmem_shared>> -> memref<128x128xf32, #tpu.memory_space<vmem_shared>>
      %dma_wait3A_182 = arith.constant 0 : i32
      %dma_wait3A_183 = arith.constant 0 : i32
      %dma_wait3A_184 = tpu.memref_slice %arg9[%run_scoped3A_17, %dma_wait3A_182, %dma_wait3A_183] : memref<2x128x128xf32, #tpu.memory_space<vmem>> -> memref<1x128x128xf32, #tpu.memory_space<vmem>>
      %dma_wait3A_185 = tpu.memref_squeeze %dma_wait3A_184 : memref<1x128x128xf32, #tpu.memory_space<vmem>> -> memref<128x128xf32, #tpu.memory_space<vmem>>
      tpu.wait_dma2 semaphore(%run_scoped3A_162 : memref<!tpu.dma_semaphore, #tpu.memory_space<semaphore_mem>>) src(%dma_wait3A_185 : memref<128x128xf32, #tpu.memory_space<vmem>>) dst(%dma_wait3A_181 : memref<128x128xf32, #tpu.memory_space<vmem_shared>>)
      tpu.yield
    }) : () -> ()
    %mul3A_18 = arith.constant 640 : i32
    %mul3A_19 = arith.muli %arg1, %mul3A_18 : i32
    %add3A_20 = arith.constant 384 : i32
    %add3A_21 = arith.addi %mul3A_19, %add3A_20 : i32
    %run_scoped3A_22 = arith.constant 0 : i32
    "tpu.region"() ({
      %run_scoped3A_162 = tpu.sem_alloc : memref<!tpu.dma_semaphore, #tpu.memory_space<semaphore_mem>>
      %dma_start3A_163 = arith.constant 0 : i32
      %dma_start3A_164 = arith.constant 0 : i32
      %dma_start3A_165 = tpu.memref_slice %arg9[%run_scoped3A_22, %dma_start3A_163, %dma_start3A_164] : memref<2x128x128xf32, #tpu.memory_space<vmem>> -> memref<1x128x128xf32, #tpu.memory_space<vmem>>
      %dma_start3A_166 = tpu.memref_squeeze %dma_start3A_165 : memref<1x128x128xf32, #tpu.memory_space<vmem>> -> memref<128x128xf32, #tpu.memory_space<vmem>>
      %dma_start3A_167 = arith.constant 0 : i32
      %dma_start3A_168 = tpu.memref_slice %arg10[%add3A_21, %dma_start3A_167] : memref<10240x128xf32, #tpu.memory_space<vmem_shared>> -> memref<128x128xf32, #tpu.memory_space<vmem_shared>>
      %dma_start3A_169 = arith.constant 0 : i32
      %dma_start3A_170 = tpu.memref_slice %arg10[%add3A_21, %dma_start3A_169] : memref<10240x128xf32, #tpu.memory_space<vmem_shared>> -> memref<128x128xf32, #tpu.memory_space<vmem_shared>>
      %dma_start3A_171 = arith.constant 0 : i32
      %dma_start3A_172 = arith.constant 0 : i32
      %dma_start3A_173 = tpu.memref_slice %arg9[%run_scoped3A_22, %dma_start3A_171, %dma_start3A_172] : memref<2x128x128xf32, #tpu.memory_space<vmem>> -> memref<1x128x128xf32, #tpu.memory_space<vmem>>
      %dma_start3A_174 = tpu.memref_squeeze %dma_start3A_173 : memref<1x128x128xf32, #tpu.memory_space<vmem>> -> memref<128x128xf32, #tpu.memory_space<vmem>>
      tpu.enqueue_dma source(%dma_start3A_174 : memref<128x128xf32, #tpu.memory_space<vmem>>) target(%dma_start3A_170 : memref<128x128xf32, #tpu.memory_space<vmem_shared>>) target_semaphore(%run_scoped3A_162 : memref<!tpu.dma_semaphore, #tpu.memory_space<semaphore_mem>>)
      %dma_wait3A = arith.constant 0 : i32
      %dma_wait3A_175 = arith.constant 0 : i32
      %dma_wait3A_176 = tpu.memref_slice %arg9[%run_scoped3A_22, %dma_wait3A, %dma_wait3A_175] : memref<2x128x128xf32, #tpu.memory_space<vmem>> -> memref<1x128x128xf32, #tpu.memory_space<vmem>>
      %dma_wait3A_177 = tpu.memref_squeeze %dma_wait3A_176 : memref<1x128x128xf32, #tpu.memory_space<vmem>> -> memref<128x128xf32, #tpu.memory_space<vmem>>
      %dma_wait3A_178 = arith.constant 0 : i32
      %dma_wait3A_179 = tpu.memref_slice %arg10[%add3A_21, %dma_wait3A_178] : memref<10240x128xf32, #tpu.memory_space<vmem_shared>> -> memref<128x128xf32, #tpu.memory_space<vmem_shared>>
      %dma_wait3A_180 = arith.constant 0 : i32
      %dma_wait3A_181 = tpu.memref_slice %arg10[%add3A_21, %dma_wait3A_180] : memref<10240x128xf32, #tpu.memory_space<vmem_shared>> -> memref<128x128xf32, #tpu.memory_space<vmem_shared>>
      %dma_wait3A_182 = arith.constant 0 : i32
      %dma_wait3A_183 = arith.constant 0 : i32
      %dma_wait3A_184 = tpu.memref_slice %arg9[%run_scoped3A_22, %dma_wait3A_182, %dma_wait3A_183] : memref<2x128x128xf32, #tpu.memory_space<vmem>> -> memref<1x128x128xf32, #tpu.memory_space<vmem>>
      %dma_wait3A_185 = tpu.memref_squeeze %dma_wait3A_184 : memref<1x128x128xf32, #tpu.memory_space<vmem>> -> memref<128x128xf32, #tpu.memory_space<vmem>>
      tpu.wait_dma2 semaphore(%run_scoped3A_162 : memref<!tpu.dma_semaphore, #tpu.memory_space<semaphore_mem>>) src(%dma_wait3A_185 : memref<128x128xf32, #tpu.memory_space<vmem>>) dst(%dma_wait3A_181 : memref<128x128xf32, #tpu.memory_space<vmem_shared>>)
      tpu.yield
    }) : () -> ()
    %mul3A_23 = arith.constant 640 : i32
    %mul3A_24 = arith.muli %arg1, %mul3A_23 : i32
    %add3A_25 = arith.constant 512 : i32
    %add3A_26 = arith.addi %mul3A_24, %add3A_25 : i32
    %run_scoped3A_27 = arith.constant 0 : i32
    "tpu.region"() ({
      %run_scoped3A_162 = tpu.sem_alloc : memref<!tpu.dma_semaphore, #tpu.memory_space<semaphore_mem>>
      %dma_start3A_163 = arith.constant 0 : i32
      %dma_start3A_164 = arith.constant 0 : i32
      %dma_start3A_165 = tpu.memref_slice %arg9[%run_scoped3A_27, %dma_start3A_163, %dma_start3A_164] : memref<2x128x128xf32, #tpu.memory_space<vmem>> -> memref<1x128x128xf32, #tpu.memory_space<vmem>>
      %dma_start3A_166 = tpu.memref_squeeze %dma_start3A_165 : memref<1x128x128xf32, #tpu.memory_space<vmem>> -> memref<128x128xf32, #tpu.memory_space<vmem>>
      %dma_start3A_167 = arith.constant 0 : i32
      %dma_start3A_168 = tpu.memref_slice %arg10[%add3A_26, %dma_start3A_167] : memref<10240x128xf32, #tpu.memory_space<vmem_shared>> -> memref<128x128xf32, #tpu.memory_space<vmem_shared>>
      %dma_start3A_169 = arith.constant 0 : i32
      %dma_start3A_170 = tpu.memref_slice %arg10[%add3A_26, %dma_start3A_169] : memref<10240x128xf32, #tpu.memory_space<vmem_shared>> -> memref<128x128xf32, #tpu.memory_space<vmem_shared>>
      %dma_start3A_171 = arith.constant 0 : i32
      %dma_start3A_172 = arith.constant 0 : i32
      %dma_start3A_173 = tpu.memref_slice %arg9[%run_scoped3A_27, %dma_start3A_171, %dma_start3A_172] : memref<2x128x128xf32, #tpu.memory_space<vmem>> -> memref<1x128x128xf32, #tpu.memory_space<vmem>>
      %dma_start3A_174 = tpu.memref_squeeze %dma_start3A_173 : memref<1x128x128xf32, #tpu.memory_space<vmem>> -> memref<128x128xf32, #tpu.memory_space<vmem>>
      tpu.enqueue_dma source(%dma_start3A_174 : memref<128x128xf32, #tpu.memory_space<vmem>>) target(%dma_start3A_170 : memref<128x128xf32, #tpu.memory_space<vmem_shared>>) target_semaphore(%run_scoped3A_162 : memref<!tpu.dma_semaphore, #tpu.memory_space<semaphore_mem>>)
      %dma_wait3A = arith.constant 0 : i32
      %dma_wait3A_175 = arith.constant 0 : i32
      %dma_wait3A_176 = tpu.memref_slice %arg9[%run_scoped3A_27, %dma_wait3A, %dma_wait3A_175] : memref<2x128x128xf32, #tpu.memory_space<vmem>> -> memref<1x128x128xf32, #tpu.memory_space<vmem>>
      %dma_wait3A_177 = tpu.memref_squeeze %dma_wait3A_176 : memref<1x128x128xf32, #tpu.memory_space<vmem>> -> memref<128x128xf32, #tpu.memory_space<vmem>>
      %dma_wait3A_178 = arith.constant 0 : i32
      %dma_wait3A_179 = tpu.memref_slice %arg10[%add3A_26, %dma_wait3A_178] : memref<10240x128xf32, #tpu.memory_space<vmem_shared>> -> memref<128x128xf32, #tpu.memory_space<vmem_shared>>
      %dma_wait3A_180 = arith.constant 0 : i32
      %dma_wait3A_181 = tpu.memref_slice %arg10[%add3A_26, %dma_wait3A_180] : memref<10240x128xf32, #tpu.memory_space<vmem_shared>> -> memref<128x128xf32, #tpu.memory_space<vmem_shared>>
      %dma_wait3A_182 = arith.constant 0 : i32
      %dma_wait3A_183 = arith.constant 0 : i32
      %dma_wait3A_184 = tpu.memref_slice %arg9[%run_scoped3A_27, %dma_wait3A_182, %dma_wait3A_183] : memref<2x128x128xf32, #tpu.memory_space<vmem>> -> memref<1x128x128xf32, #tpu.memory_space<vmem>>
      %dma_wait3A_185 = tpu.memref_squeeze %dma_wait3A_184 : memref<1x128x128xf32, #tpu.memory_space<vmem>> -> memref<128x128xf32, #tpu.memory_space<vmem>>
      tpu.wait_dma2 semaphore(%run_scoped3A_162 : memref<!tpu.dma_semaphore, #tpu.memory_space<semaphore_mem>>) src(%dma_wait3A_185 : memref<128x128xf32, #tpu.memory_space<vmem>>) dst(%dma_wait3A_181 : memref<128x128xf32, #tpu.memory_space<vmem_shared>>)
      tpu.yield
    }) : () -> ()
    %barrier3A = arith.constant 0 : index
    tpu.barrier barrier_id(%barrier3A)
    %add3A_28 = arith.constant 0 : i32
    %add3A_29 = arith.addi %add3A, %add3A_28 : i32
    %run_scoped3A_30 = arith.constant 0 : i32
    "tpu.region"() ({
      %run_scoped3A_162 = tpu.sem_alloc : memref<!tpu.dma_semaphore, #tpu.memory_space<semaphore_mem>>
      %dma_start3A_163 = arith.constant 0 : i32
      %dma_start3A_164 = arith.constant 0 : i32
      %dma_start3A_165 = tpu.memref_slice %arg8[%run_scoped3A_30, %dma_start3A_163, %dma_start3A_164] : memref<2x2x128xi32, #tpu.memory_space<vmem>> -> memref<1x2x128xi32, #tpu.memory_space<vmem>>
      %dma_start3A_166 = tpu.memref_squeeze %dma_start3A_165 : memref<1x2x128xi32, #tpu.memory_space<vmem>> -> memref<2x128xi32, #tpu.memory_space<vmem>>
      %dma_start3A_167 = arith.constant 0 : i32
      %dma_start3A_168 = arith.constant 0 : i32
      %dma_start3A_169 = tpu.memref_slice %arg2[%add3A_29, %dma_start3A_167, %dma_start3A_168] : memref<2500x2x128xi32, #tpu.memory_space<hbm>> -> memref<1x2x128xi32, #tpu.memory_space<hbm>>
      %dma_start3A_170 = tpu.memref_squeeze %dma_start3A_169 : memref<1x2x128xi32, #tpu.memory_space<hbm>> -> memref<2x128xi32, #tpu.memory_space<hbm>>
      %dma_start3A_171 = arith.constant 0 : i32
      %dma_start3A_172 = arith.constant 0 : i32
      %dma_start3A_173 = tpu.memref_slice %arg8[%run_scoped3A_30, %dma_start3A_171, %dma_start3A_172] : memref<2x2x128xi32, #tpu.memory_space<vmem>> -> memref<1x2x128xi32, #tpu.memory_space<vmem>>
      %dma_start3A_174 = tpu.memref_squeeze %dma_start3A_173 : memref<1x2x128xi32, #tpu.memory_space<vmem>> -> memref<2x128xi32, #tpu.memory_space<vmem>>
      %dma_start3A_175 = arith.constant 0 : i32
      %dma_start3A_176 = arith.constant 0 : i32
      %dma_start3A_177 = tpu.memref_slice %arg2[%add3A_29, %dma_start3A_175, %dma_start3A_176] : memref<2500x2x128xi32, #tpu.memory_space<hbm>> -> memref<1x2x128xi32, #tpu.memory_space<hbm>>
      %dma_start3A_178 = tpu.memref_squeeze %dma_start3A_177 : memref<1x2x128xi32, #tpu.memory_space<hbm>> -> memref<2x128xi32, #tpu.memory_space<hbm>>
      tpu.enqueue_dma source(%dma_start3A_178 : memref<2x128xi32, #tpu.memory_space<hbm>>) target(%dma_start3A_174 : memref<2x128xi32, #tpu.memory_space<vmem>>) target_semaphore(%run_scoped3A_162 : memref<!tpu.dma_semaphore, #tpu.memory_space<semaphore_mem>>)
      %dma_wait3A = arith.constant 0 : i32
      %dma_wait3A_179 = arith.constant 0 : i32
      %dma_wait3A_180 = tpu.memref_slice %arg8[%run_scoped3A_30, %dma_wait3A, %dma_wait3A_179] : memref<2x2x128xi32, #tpu.memory_space<vmem>> -> memref<1x2x128xi32, #tpu.memory_space<vmem>>
      %dma_wait3A_181 = tpu.memref_squeeze %dma_wait3A_180 : memref<1x2x128xi32, #tpu.memory_space<vmem>> -> memref<2x128xi32, #tpu.memory_space<vmem>>
      %dma_wait3A_182 = arith.constant 0 : i32
      %dma_wait3A_183 = arith.constant 0 : i32
      %dma_wait3A_184 = tpu.memref_slice %arg2[%add3A_29, %dma_wait3A_182, %dma_wait3A_183] : memref<2500x2x128xi32, #tpu.memory_space<hbm>> -> memref<1x2x128xi32, #tpu.memory_space<hbm>>
      %dma_wait3A_185 = tpu.memref_squeeze %dma_wait3A_184 : memref<1x2x128xi32, #tpu.memory_space<hbm>> -> memref<2x128xi32, #tpu.memory_space<hbm>>
      %dma_wait3A_186 = arith.constant 0 : i32
      %dma_wait3A_187 = arith.constant 0 : i32
      %dma_wait3A_188 = tpu.memref_slice %arg8[%run_scoped3A_30, %dma_wait3A_186, %dma_wait3A_187] : memref<2x2x128xi32, #tpu.memory_space<vmem>> -> memref<1x2x128xi32, #tpu.memory_space<vmem>>
      %dma_wait3A_189 = tpu.memref_squeeze %dma_wait3A_188 : memref<1x2x128xi32, #tpu.memory_space<vmem>> -> memref<2x128xi32, #tpu.memory_space<vmem>>
      %dma_wait3A_190 = arith.constant 0 : i32
      %dma_wait3A_191 = arith.constant 0 : i32
      %dma_wait3A_192 = tpu.memref_slice %arg2[%add3A_29, %dma_wait3A_190, %dma_wait3A_191] : memref<2500x2x128xi32, #tpu.memory_space<hbm>> -> memref<1x2x128xi32, #tpu.memory_space<hbm>>
      %dma_wait3A_193 = tpu.memref_squeeze %dma_wait3A_192 : memref<1x2x128xi32, #tpu.memory_space<hbm>> -> memref<2x128xi32, #tpu.memory_space<hbm>>
      tpu.wait_dma2 semaphore(%run_scoped3A_162 : memref<!tpu.dma_semaphore, #tpu.memory_space<semaphore_mem>>) src(%dma_wait3A_193 : memref<2x128xi32, #tpu.memory_space<hbm>>) dst(%dma_wait3A_189 : memref<2x128xi32, #tpu.memory_space<vmem>>)
      tpu.yield
    }) : () -> ()
    %dma_start3A = arith.constant 0 : i32
    %dma_start3A_31 = arith.constant 0 : i32
    %dma_start3A_32 = arith.constant 0 : i32
    %dma_start3A_33 = arith.constant 0 : i32
    %dma_start3A_34 = arith.constant 0 : i32
    %dma_start3A_35 = tpu.memref_slice %arg9[%dma_start3A_32, %dma_start3A_33, %dma_start3A_34] : memref<2x128x128xf32, #tpu.memory_space<vmem>> -> memref<1x128x128xf32, #tpu.memory_space<vmem>>
    %dma_start3A_36 = tpu.memref_squeeze %dma_start3A_35 : memref<1x128x128xf32, #tpu.memory_space<vmem>> -> memref<128x128xf32, #tpu.memory_space<vmem>>
    %dma_start3A_37 = arith.constant 0 : i32
    %dma_start3A_38 = tpu.memref_slice %arg8[%dma_start3A, %dma_start3A_31, %dma_start3A_37] : memref<2x2x128xi32, #tpu.memory_space<vmem>> -> memref<1x1x128xi32, #tpu.memory_space<vmem>>
    %dma_start3A_39 = tpu.memref_squeeze %dma_start3A_38 : memref<1x1x128xi32, #tpu.memory_space<vmem>> -> memref<128xi32, #tpu.memory_space<vmem>>
    %dma_start3A_40 = arith.constant 0 : i32
    %dma_start3A_41 = arith.constant 0 : i32
    %dma_start3A_42 = tpu.memref_slice %arg3[%dma_start3A_40, %dma_start3A_41] : memref<10000x128xf32, #tpu.memory_space<hbm>> -> memref<10000x128xf32, #tpu.memory_space<hbm>>
    tpu.enqueue_indirect_dma source(%dma_start3A_42 : memref<10000x128xf32, #tpu.memory_space<hbm>>) target(%dma_start3A_36 : memref<128x128xf32, #tpu.memory_space<vmem>>) offsets(%dma_start3A_39 : memref<128xi32, #tpu.memory_space<vmem>>) semaphore(%arg11 : memref<!tpu.dma_semaphore, #tpu.memory_space<semaphore_mem>>)
    %while3A = arith.constant 0 : i32
    %while3A_43 = arith.constant 0 : i32
    %while3A_44 = arith.subi %select_n3A, %while3A_43 : i32
    %while3A_45 = arith.addi %while3A_43, %while3A_44 : i32
    %while3A_46 = arith.constant 1 : i32
    %while3A_47 = arith.divsi %while3A_44, %while3A_46 : i32
    %while3A_48 = arith.muli %while3A_47, %while3A_46 : i32
    %while3A_49 = arith.addi %while3A_43, %while3A_48 : i32
    %while3A_50 = arith.constant 1 : i32
    scf.for %while3A_162 = %while3A_43 to %while3A_49 step %while3A_50  : i32 {
      %and3A_163 = arith.constant 1 : i32
      %and3A_164 = arith.andi %while3A_162, %and3A_163 : i32
      %add3A_165 = arith.constant 1 : i32
      %add3A_166 = arith.addi %while3A_162, %add3A_165 : i32
      %lt3A_167 = arith.cmpi slt, %add3A_166, %select_n3A : i32
      %convert_element_type3A_168 = arith.extui %lt3A_167 : i1 to i32
      %cond3A_169 = arith.constant 0 : i32
      %cond3A_170 = arith.cmpi ne, %convert_element_type3A_168, %cond3A_169 : i32
      scf.if %cond3A_170 {
        %add3A_182 = arith.constant 1 : i32
        %add3A_183 = arith.addi %while3A_162, %add3A_182 : i32
        %sub3A_184 = arith.constant 1 : i32
        %sub3A_185 = arith.subi %sub3A_184, %and3A_164 : i32
        %mul3A_186 = arith.constant 32 : i32
        %mul3A_187 = arith.muli %add3A_183, %mul3A_186 : i32
        %add3A_188 = arith.addi %add3A, %mul3A_187 : i32
        "tpu.region"() ({
          %run_scoped3A_199 = tpu.sem_alloc : memref<!tpu.dma_semaphore, #tpu.memory_space<semaphore_mem>>
          %dma_start3A_200 = arith.constant 0 : i32
          %dma_start3A_201 = arith.constant 0 : i32
          %dma_start3A_202 = tpu.memref_slice %arg8[%sub3A_185, %dma_start3A_200, %dma_start3A_201] : memref<2x2x128xi32, #tpu.memory_space<vmem>> -> memref<1x2x128xi32, #tpu.memory_space<vmem>>
          %dma_start3A_203 = tpu.memref_squeeze %dma_start3A_202 : memref<1x2x128xi32, #tpu.memory_space<vmem>> -> memref<2x128xi32, #tpu.memory_space<vmem>>
          %dma_start3A_204 = arith.constant 0 : i32
          %dma_start3A_205 = arith.constant 0 : i32
          %dma_start3A_206 = tpu.memref_slice %arg2[%add3A_188, %dma_start3A_204, %dma_start3A_205] : memref<2500x2x128xi32, #tpu.memory_space<hbm>> -> memref<1x2x128xi32, #tpu.memory_space<hbm>>
          %dma_start3A_207 = tpu.memref_squeeze %dma_start3A_206 : memref<1x2x128xi32, #tpu.memory_space<hbm>> -> memref<2x128xi32, #tpu.memory_space<hbm>>
          %dma_start3A_208 = arith.constant 0 : i32
          %dma_start3A_209 = arith.constant 0 : i32
          %dma_start3A_210 = tpu.memref_slice %arg8[%sub3A_185, %dma_start3A_208, %dma_start3A_209] : memref<2x2x128xi32, #tpu.memory_space<vmem>> -> memref<1x2x128xi32, #tpu.memory_space<vmem>>
          %dma_start3A_211 = tpu.memref_squeeze %dma_start3A_210 : memref<1x2x128xi32, #tpu.memory_space<vmem>> -> memref<2x128xi32, #tpu.memory_space<vmem>>
          %dma_start3A_212 = arith.constant 0 : i32
          %dma_start3A_213 = arith.constant 0 : i32
          %dma_start3A_214 = tpu.memref_slice %arg2[%add3A_188, %dma_start3A_212, %dma_start3A_213] : memref<2500x2x128xi32, #tpu.memory_space<hbm>> -> memref<1x2x128xi32, #tpu.memory_space<hbm>>
          %dma_start3A_215 = tpu.memref_squeeze %dma_start3A_214 : memref<1x2x128xi32, #tpu.memory_space<hbm>> -> memref<2x128xi32, #tpu.memory_space<hbm>>
          tpu.enqueue_dma source(%dma_start3A_215 : memref<2x128xi32, #tpu.memory_space<hbm>>) target(%dma_start3A_211 : memref<2x128xi32, #tpu.memory_space<vmem>>) target_semaphore(%run_scoped3A_199 : memref<!tpu.dma_semaphore, #tpu.memory_space<semaphore_mem>>)
          %dma_wait3A = arith.constant 0 : i32
          %dma_wait3A_216 = arith.constant 0 : i32
          %dma_wait3A_217 = tpu.memref_slice %arg8[%sub3A_185, %dma_wait3A, %dma_wait3A_216] : memref<2x2x128xi32, #tpu.memory_space<vmem>> -> memref<1x2x128xi32, #tpu.memory_space<vmem>>
          %dma_wait3A_218 = tpu.memref_squeeze %dma_wait3A_217 : memref<1x2x128xi32, #tpu.memory_space<vmem>> -> memref<2x128xi32, #tpu.memory_space<vmem>>
          %dma_wait3A_219 = arith.constant 0 : i32
          %dma_wait3A_220 = arith.constant 0 : i32
          %dma_wait3A_221 = tpu.memref_slice %arg2[%add3A_188, %dma_wait3A_219, %dma_wait3A_220] : memref<2500x2x128xi32, #tpu.memory_space<hbm>> -> memref<1x2x128xi32, #tpu.memory_space<hbm>>
          %dma_wait3A_222 = tpu.memref_squeeze %dma_wait3A_221 : memref<1x2x128xi32, #tpu.memory_space<hbm>> -> memref<2x128xi32, #tpu.memory_space<hbm>>
          %dma_wait3A_223 = arith.constant 0 : i32
          %dma_wait3A_224 = arith.constant 0 : i32
          %dma_wait3A_225 = tpu.memref_slice %arg8[%sub3A_185, %dma_wait3A_223, %dma_wait3A_224] : memref<2x2x128xi32, #tpu.memory_space<vmem>> -> memref<1x2x128xi32, #tpu.memory_space<vmem>>
          %dma_wait3A_226 = tpu.memref_squeeze %dma_wait3A_225 : memref<1x2x128xi32, #tpu.memory_space<vmem>> -> memref<2x128xi32, #tpu.memory_space<vmem>>
          %dma_wait3A_227 = arith.constant 0 : i32
          %dma_wait3A_228 = arith.constant 0 : i32
          %dma_wait3A_229 = tpu.memref_slice %arg2[%add3A_188, %dma_wait3A_227, %dma_wait3A_228] : memref<2500x2x128xi32, #tpu.memory_space<hbm>> -> memref<1x2x128xi32, #tpu.memory_space<hbm>>
          %dma_wait3A_230 = tpu.memref_squeeze %dma_wait3A_229 : memref<1x2x128xi32, #tpu.memory_space<hbm>> -> memref<2x128xi32, #tpu.memory_space<hbm>>
          tpu.wait_dma2 semaphore(%run_scoped3A_199 : memref<!tpu.dma_semaphore, #tpu.memory_space<semaphore_mem>>) src(%dma_wait3A_230 : memref<2x128xi32, #tpu.memory_space<hbm>>) dst(%dma_wait3A_226 : memref<2x128xi32, #tpu.memory_space<vmem>>)
          tpu.yield
        }) : () -> ()
        %eq3A_189 = arith.constant 0 : i32
        %eq3A_190 = arith.cmpi eq, %sub3A_185, %eq3A_189 : i32
        %convert_element_type3A_191 = arith.extui %eq3A_190 : i1 to i32
        %cond3A_192 = arith.constant 0 : i32
        %cond3A_193 = arith.cmpi ne, %convert_element_type3A_191, %cond3A_192 : i32
        scf.if %cond3A_193 {
          %dma_start3A_199 = arith.constant 0 : i32
          %dma_start3A_200 = arith.constant 0 : i32
          %dma_start3A_201 = arith.constant 0 : i32
          %dma_start3A_202 = arith.constant 0 : i32
          %dma_start3A_203 = arith.constant 0 : i32
          %dma_start3A_204 = tpu.memref_slice %arg9[%dma_start3A_201, %dma_start3A_202, %dma_start3A_203] : memref<2x128x128xf32, #tpu.memory_space<vmem>> -> memref<1x128x128xf32, #tpu.memory_space<vmem>>
          %dma_start3A_205 = tpu.memref_squeeze %dma_start3A_204 : memref<1x128x128xf32, #tpu.memory_space<vmem>> -> memref<128x128xf32, #tpu.memory_space<vmem>>
          %dma_start3A_206 = arith.constant 0 : i32
          %dma_start3A_207 = tpu.memref_slice %arg8[%dma_start3A_199, %dma_start3A_200, %dma_start3A_206] : memref<2x2x128xi32, #tpu.memory_space<vmem>> -> memref<1x1x128xi32, #tpu.memory_space<vmem>>
          %dma_start3A_208 = tpu.memref_squeeze %dma_start3A_207 : memref<1x1x128xi32, #tpu.memory_space<vmem>> -> memref<128xi32, #tpu.memory_space<vmem>>
          %dma_start3A_209 = arith.constant 0 : i32
          %dma_start3A_210 = arith.constant 0 : i32
          %dma_start3A_211 = tpu.memref_slice %arg3[%dma_start3A_209, %dma_start3A_210] : memref<10000x128xf32, #tpu.memory_space<hbm>> -> memref<10000x128xf32, #tpu.memory_space<hbm>>
          tpu.enqueue_indirect_dma source(%dma_start3A_211 : memref<10000x128xf32, #tpu.memory_space<hbm>>) target(%dma_start3A_205 : memref<128x128xf32, #tpu.memory_space<vmem>>) offsets(%dma_start3A_208 : memref<128xi32, #tpu.memory_space<vmem>>) semaphore(%arg11 : memref<!tpu.dma_semaphore, #tpu.memory_space<semaphore_mem>>)
        } else {
        }
        %eq3A_194 = arith.constant 1 : i32
        %eq3A_195 = arith.cmpi eq, %sub3A_185, %eq3A_194 : i32
        %convert_element_type3A_196 = arith.extui %eq3A_195 : i1 to i32
        %cond3A_197 = arith.constant 0 : i32
        %cond3A_198 = arith.cmpi ne, %convert_element_type3A_196, %cond3A_197 : i32
        scf.if %cond3A_198 {
          %dma_start3A_199 = arith.constant 1 : i32
          %dma_start3A_200 = arith.constant 0 : i32
          %dma_start3A_201 = arith.constant 1 : i32
          %dma_start3A_202 = arith.constant 0 : i32
          %dma_start3A_203 = arith.constant 0 : i32
          %dma_start3A_204 = tpu.memref_slice %arg9[%dma_start3A_201, %dma_start3A_202, %dma_start3A_203] : memref<2x128x128xf32, #tpu.memory_space<vmem>> -> memref<1x128x128xf32, #tpu.memory_space<vmem>>
          %dma_start3A_205 = tpu.memref_squeeze %dma_start3A_204 : memref<1x128x128xf32, #tpu.memory_space<vmem>> -> memref<128x128xf32, #tpu.memory_space<vmem>>
          %dma_start3A_206 = arith.constant 0 : i32
          %dma_start3A_207 = tpu.memref_slice %arg8[%dma_start3A_199, %dma_start3A_200, %dma_start3A_206] : memref<2x2x128xi32, #tpu.memory_space<vmem>> -> memref<1x1x128xi32, #tpu.memory_space<vmem>>
          %dma_start3A_208 = tpu.memref_squeeze %dma_start3A_207 : memref<1x1x128xi32, #tpu.memory_space<vmem>> -> memref<128xi32, #tpu.memory_space<vmem>>
          %dma_start3A_209 = arith.constant 0 : i32
          %dma_start3A_210 = arith.constant 0 : i32
          %dma_start3A_211 = tpu.memref_slice %arg3[%dma_start3A_209, %dma_start3A_210] : memref<10000x128xf32, #tpu.memory_space<hbm>> -> memref<10000x128xf32, #tpu.memory_space<hbm>>
          tpu.enqueue_indirect_dma source(%dma_start3A_211 : memref<10000x128xf32, #tpu.memory_space<hbm>>) target(%dma_start3A_205 : memref<128x128xf32, #tpu.memory_space<vmem>>) offsets(%dma_start3A_208 : memref<128xi32, #tpu.memory_space<vmem>>) semaphore(%arg12 : memref<!tpu.dma_semaphore, #tpu.memory_space<semaphore_mem>>)
        } else {
        }
      } else {
      }
      %eq3A_171 = arith.constant 0 : i32
      %eq3A_172 = arith.cmpi eq, %and3A_164, %eq3A_171 : i32
      %convert_element_type3A_173 = arith.extui %eq3A_172 : i1 to i32
      %cond3A_174 = arith.constant 0 : i32
      %cond3A_175 = arith.cmpi ne, %convert_element_type3A_173, %cond3A_174 : i32
      scf.if %cond3A_175 {
        %dma_wait3A = arith.constant 0 : i32
        %dma_wait3A_182 = arith.constant 0 : i32
        %dma_wait3A_183 = arith.constant 0 : i32
        %dma_wait3A_184 = arith.constant 0 : i32
        %dma_wait3A_185 = arith.constant 0 : i32
        %dma_wait3A_186 = tpu.memref_slice %arg9[%dma_wait3A_183, %dma_wait3A_184, %dma_wait3A_185] : memref<2x128x128xf32, #tpu.memory_space<vmem>> -> memref<1x128x128xf32, #tpu.memory_space<vmem>>
        %dma_wait3A_187 = tpu.memref_squeeze %dma_wait3A_186 : memref<1x128x128xf32, #tpu.memory_space<vmem>> -> memref<128x128xf32, #tpu.memory_space<vmem>>
        %dma_wait3A_188 = arith.constant 0 : i32
        %dma_wait3A_189 = tpu.memref_slice %arg8[%dma_wait3A, %dma_wait3A_182, %dma_wait3A_188] : memref<2x2x128xi32, #tpu.memory_space<vmem>> -> memref<1x1x128xi32, #tpu.memory_space<vmem>>
        %dma_wait3A_190 = tpu.memref_squeeze %dma_wait3A_189 : memref<1x1x128xi32, #tpu.memory_space<vmem>> -> memref<128xi32, #tpu.memory_space<vmem>>
        %dma_wait3A_191 = arith.constant 0 : i32
        %dma_wait3A_192 = arith.constant 0 : i32
        %dma_wait3A_193 = tpu.memref_slice %arg3[%dma_wait3A_191, %dma_wait3A_192] : memref<10000x128xf32, #tpu.memory_space<hbm>> -> memref<10000x128xf32, #tpu.memory_space<hbm>>
        tpu.wait_indirect_dma semaphore(%arg11 : memref<!tpu.dma_semaphore, #tpu.memory_space<semaphore_mem>>) src(%dma_wait3A_193 : memref<10000x128xf32, #tpu.memory_space<hbm>>) dst(%dma_wait3A_187 : memref<128x128xf32, #tpu.memory_space<vmem>>)
      } else {
      }
      %eq3A_176 = arith.constant 1 : i32
      %eq3A_177 = arith.cmpi eq, %and3A_164, %eq3A_176 : i32
      %convert_element_type3A_178 = arith.extui %eq3A_177 : i1 to i32
      %cond3A_179 = arith.constant 0 : i32
      %cond3A_180 = arith.cmpi ne, %convert_element_type3A_178, %cond3A_179 : i32
      scf.if %cond3A_180 {
        %dma_wait3A = arith.constant 1 : i32
        %dma_wait3A_182 = arith.constant 0 : i32
        %dma_wait3A_183 = arith.constant 1 : i32
        %dma_wait3A_184 = arith.constant 0 : i32
        %dma_wait3A_185 = arith.constant 0 : i32
        %dma_wait3A_186 = tpu.memref_slice %arg9[%dma_wait3A_183, %dma_wait3A_184, %dma_wait3A_185] : memref<2x128x128xf32, #tpu.memory_space<vmem>> -> memref<1x128x128xf32, #tpu.memory_space<vmem>>
        %dma_wait3A_187 = tpu.memref_squeeze %dma_wait3A_186 : memref<1x128x128xf32, #tpu.memory_space<vmem>> -> memref<128x128xf32, #tpu.memory_space<vmem>>
        %dma_wait3A_188 = arith.constant 0 : i32
        %dma_wait3A_189 = tpu.memref_slice %arg8[%dma_wait3A, %dma_wait3A_182, %dma_wait3A_188] : memref<2x2x128xi32, #tpu.memory_space<vmem>> -> memref<1x1x128xi32, #tpu.memory_space<vmem>>
        %dma_wait3A_190 = tpu.memref_squeeze %dma_wait3A_189 : memref<1x1x128xi32, #tpu.memory_space<vmem>> -> memref<128xi32, #tpu.memory_space<vmem>>
        %dma_wait3A_191 = arith.constant 0 : i32
        %dma_wait3A_192 = arith.constant 0 : i32
        %dma_wait3A_193 = tpu.memref_slice %arg3[%dma_wait3A_191, %dma_wait3A_192] : memref<10000x128xf32, #tpu.memory_space<hbm>> -> memref<10000x128xf32, #tpu.memory_space<hbm>>
        tpu.wait_indirect_dma semaphore(%arg12 : memref<!tpu.dma_semaphore, #tpu.memory_space<semaphore_mem>>) src(%dma_wait3A_193 : memref<10000x128xf32, #tpu.memory_space<hbm>>) dst(%dma_wait3A_187 : memref<128x128xf32, #tpu.memory_space<vmem>>)
      } else {
      }
      %run_scoped3A_181 = arith.constant 1 : i32
      "tpu.region"() ({
        %run_scoped3A_182 = tpu.sem_alloc : memref<!tpu.dma_semaphore, #tpu.memory_space<semaphore_mem>>
        %dma_start3A_183 = arith.constant 0 : i32
        %dma_start3A_184 = arith.constant 0 : i32
        %dma_start3A_185 = tpu.memref_slice %arg9[%and3A_164, %dma_start3A_183, %dma_start3A_184] : memref<2x128x128xf32, #tpu.memory_space<vmem>> -> memref<1x128x128xf32, #tpu.memory_space<vmem>>
        %dma_start3A_186 = tpu.memref_squeeze %dma_start3A_185 : memref<1x128x128xf32, #tpu.memory_space<vmem>> -> memref<128x128xf32, #tpu.memory_space<vmem>>
        %dma_start3A_187 = arith.constant 0 : i32
        %dma_start3A_188 = tpu.memref_slice %arg8[%and3A_164, %run_scoped3A_181, %dma_start3A_187] : memref<2x2x128xi32, #tpu.memory_space<vmem>> -> memref<1x1x128xi32, #tpu.memory_space<vmem>>
        %dma_start3A_189 = tpu.memref_squeeze %dma_start3A_188 : memref<1x1x128xi32, #tpu.memory_space<vmem>> -> memref<128xi32, #tpu.memory_space<vmem>>
        %dma_start3A_190 = arith.constant 0 : i32
        %dma_start3A_191 = arith.constant 0 : i32
        %dma_start3A_192 = tpu.memref_slice %arg10[%dma_start3A_190, %dma_start3A_191] : memref<10240x128xf32, #tpu.memory_space<vmem_shared>> -> memref<10240x128xf32, #tpu.memory_space<vmem_shared>>
        tpu.enqueue_indirect_dma source(%dma_start3A_186 : memref<128x128xf32, #tpu.memory_space<vmem>>) target(%dma_start3A_192 : memref<10240x128xf32, #tpu.memory_space<vmem_shared>>) offsets(%dma_start3A_189 : memref<128xi32, #tpu.memory_space<vmem>>) semaphore(%run_scoped3A_182 : memref<!tpu.dma_semaphore, #tpu.memory_space<semaphore_mem>>) {add = true}
        %dma_wait3A = arith.constant 0 : i32
        %dma_wait3A_193 = arith.constant 0 : i32
        %dma_wait3A_194 = tpu.memref_slice %arg9[%and3A_164, %dma_wait3A, %dma_wait3A_193] : memref<2x128x128xf32, #tpu.memory_space<vmem>> -> memref<1x128x128xf32, #tpu.memory_space<vmem>>
        %dma_wait3A_195 = tpu.memref_squeeze %dma_wait3A_194 : memref<1x128x128xf32, #tpu.memory_space<vmem>> -> memref<128x128xf32, #tpu.memory_space<vmem>>
        %dma_wait3A_196 = arith.constant 0 : i32
        %dma_wait3A_197 = tpu.memref_slice %arg8[%and3A_164, %run_scoped3A_181, %dma_wait3A_196] : memref<2x2x128xi32, #tpu.memory_space<vmem>> -> memref<1x1x128xi32, #tpu.memory_space<vmem>>
        %dma_wait3A_198 = tpu.memref_squeeze %dma_wait3A_197 : memref<1x1x128xi32, #tpu.memory_space<vmem>> -> memref<128xi32, #tpu.memory_space<vmem>>
        %dma_wait3A_199 = arith.constant 0 : i32
        %dma_wait3A_200 = arith.constant 0 : i32
        %dma_wait3A_201 = tpu.memref_slice %arg10[%dma_wait3A_199, %dma_wait3A_200] : memref<10240x128xf32, #tpu.memory_space<vmem_shared>> -> memref<10240x128xf32, #tpu.memory_space<vmem_shared>>
        tpu.wait_indirect_dma semaphore(%run_scoped3A_182 : memref<!tpu.dma_semaphore, #tpu.memory_space<semaphore_mem>>) src(%dma_wait3A_195 : memref<128x128xf32, #tpu.memory_space<vmem>>) dst(%dma_wait3A_201 : memref<10240x128xf32, #tpu.memory_space<vmem_shared>>)
        tpu.yield
      }) : () -> ()
    }
    %while3A_51 = arith.constant 1 : i32
    scf.for %while3A_162 = %while3A_49 to %while3A_45 step %while3A_51  : i32 {
      %and3A_163 = arith.constant 1 : i32
      %and3A_164 = arith.andi %while3A_162, %and3A_163 : i32
      %add3A_165 = arith.constant 1 : i32
      %add3A_166 = arith.addi %while3A_162, %add3A_165 : i32
      %lt3A_167 = arith.cmpi slt, %add3A_166, %select_n3A : i32
      %convert_element_type3A_168 = arith.extui %lt3A_167 : i1 to i32
      %cond3A_169 = arith.constant 0 : i32
      %cond3A_170 = arith.cmpi ne, %convert_element_type3A_168, %cond3A_169 : i32
      scf.if %cond3A_170 {
        %add3A_182 = arith.constant 1 : i32
        %add3A_183 = arith.addi %while3A_162, %add3A_182 : i32
        %sub3A_184 = arith.constant 1 : i32
        %sub3A_185 = arith.subi %sub3A_184, %and3A_164 : i32
        %mul3A_186 = arith.constant 32 : i32
        %mul3A_187 = arith.muli %add3A_183, %mul3A_186 : i32
        %add3A_188 = arith.addi %add3A, %mul3A_187 : i32
        "tpu.region"() ({
          %run_scoped3A_199 = tpu.sem_alloc : memref<!tpu.dma_semaphore, #tpu.memory_space<semaphore_mem>>
          %dma_start3A_200 = arith.constant 0 : i32
          %dma_start3A_201 = arith.constant 0 : i32
          %dma_start3A_202 = tpu.memref_slice %arg8[%sub3A_185, %dma_start3A_200, %dma_start3A_201] : memref<2x2x128xi32, #tpu.memory_space<vmem>> -> memref<1x2x128xi32, #tpu.memory_space<vmem>>
          %dma_start3A_203 = tpu.memref_squeeze %dma_start3A_202 : memref<1x2x128xi32, #tpu.memory_space<vmem>> -> memref<2x128xi32, #tpu.memory_space<vmem>>
          %dma_start3A_204 = arith.constant 0 : i32
          %dma_start3A_205 = arith.constant 0 : i32
          %dma_start3A_206 = tpu.memref_slice %arg2[%add3A_188, %dma_start3A_204, %dma_start3A_205] : memref<2500x2x128xi32, #tpu.memory_space<hbm>> -> memref<1x2x128xi32, #tpu.memory_space<hbm>>
          %dma_start3A_207 = tpu.memref_squeeze %dma_start3A_206 : memref<1x2x128xi32, #tpu.memory_space<hbm>> -> memref<2x128xi32, #tpu.memory_space<hbm>>
          %dma_start3A_208 = arith.constant 0 : i32
          %dma_start3A_209 = arith.constant 0 : i32
          %dma_start3A_210 = tpu.memref_slice %arg8[%sub3A_185, %dma_start3A_208, %dma_start3A_209] : memref<2x2x128xi32, #tpu.memory_space<vmem>> -> memref<1x2x128xi32, #tpu.memory_space<vmem>>
          %dma_start3A_211 = tpu.memref_squeeze %dma_start3A_210 : memref<1x2x128xi32, #tpu.memory_space<vmem>> -> memref<2x128xi32, #tpu.memory_space<vmem>>
          %dma_start3A_212 = arith.constant 0 : i32
          %dma_start3A_213 = arith.constant 0 : i32
          %dma_start3A_214 = tpu.memref_slice %arg2[%add3A_188, %dma_start3A_212, %dma_start3A_213] : memref<2500x2x128xi32, #tpu.memory_space<hbm>> -> memref<1x2x128xi32, #tpu.memory_space<hbm>>
          %dma_start3A_215 = tpu.memref_squeeze %dma_start3A_214 : memref<1x2x128xi32, #tpu.memory_space<hbm>> -> memref<2x128xi32, #tpu.memory_space<hbm>>
          tpu.enqueue_dma source(%dma_start3A_215 : memref<2x128xi32, #tpu.memory_space<hbm>>) target(%dma_start3A_211 : memref<2x128xi32, #tpu.memory_space<vmem>>) target_semaphore(%run_scoped3A_199 : memref<!tpu.dma_semaphore, #tpu.memory_space<semaphore_mem>>)
          %dma_wait3A = arith.constant 0 : i32
          %dma_wait3A_216 = arith.constant 0 : i32
          %dma_wait3A_217 = tpu.memref_slice %arg8[%sub3A_185, %dma_wait3A, %dma_wait3A_216] : memref<2x2x128xi32, #tpu.memory_space<vmem>> -> memref<1x2x128xi32, #tpu.memory_space<vmem>>
          %dma_wait3A_218 = tpu.memref_squeeze %dma_wait3A_217 : memref<1x2x128xi32, #tpu.memory_space<vmem>> -> memref<2x128xi32, #tpu.memory_space<vmem>>
          %dma_wait3A_219 = arith.constant 0 : i32
          %dma_wait3A_220 = arith.constant 0 : i32
          %dma_wait3A_221 = tpu.memref_slice %arg2[%add3A_188, %dma_wait3A_219, %dma_wait3A_220] : memref<2500x2x128xi32, #tpu.memory_space<hbm>> -> memref<1x2x128xi32, #tpu.memory_space<hbm>>
          %dma_wait3A_222 = tpu.memref_squeeze %dma_wait3A_221 : memref<1x2x128xi32, #tpu.memory_space<hbm>> -> memref<2x128xi32, #tpu.memory_space<hbm>>
          %dma_wait3A_223 = arith.constant 0 : i32
          %dma_wait3A_224 = arith.constant 0 : i32
          %dma_wait3A_225 = tpu.memref_slice %arg8[%sub3A_185, %dma_wait3A_223, %dma_wait3A_224] : memref<2x2x128xi32, #tpu.memory_space<vmem>> -> memref<1x2x128xi32, #tpu.memory_space<vmem>>
          %dma_wait3A_226 = tpu.memref_squeeze %dma_wait3A_225 : memref<1x2x128xi32, #tpu.memory_space<vmem>> -> memref<2x128xi32, #tpu.memory_space<vmem>>
          %dma_wait3A_227 = arith.constant 0 : i32
          %dma_wait3A_228 = arith.constant 0 : i32
          %dma_wait3A_229 = tpu.memref_slice %arg2[%add3A_188, %dma_wait3A_227, %dma_wait3A_228] : memref<2500x2x128xi32, #tpu.memory_space<hbm>> -> memref<1x2x128xi32, #tpu.memory_space<hbm>>
          %dma_wait3A_230 = tpu.memref_squeeze %dma_wait3A_229 : memref<1x2x128xi32, #tpu.memory_space<hbm>> -> memref<2x128xi32, #tpu.memory_space<hbm>>
          tpu.wait_dma2 semaphore(%run_scoped3A_199 : memref<!tpu.dma_semaphore, #tpu.memory_space<semaphore_mem>>) src(%dma_wait3A_230 : memref<2x128xi32, #tpu.memory_space<hbm>>) dst(%dma_wait3A_226 : memref<2x128xi32, #tpu.memory_space<vmem>>)
          tpu.yield
        }) : () -> ()
        %eq3A_189 = arith.constant 0 : i32
        %eq3A_190 = arith.cmpi eq, %sub3A_185, %eq3A_189 : i32
        %convert_element_type3A_191 = arith.extui %eq3A_190 : i1 to i32
        %cond3A_192 = arith.constant 0 : i32
        %cond3A_193 = arith.cmpi ne, %convert_element_type3A_191, %cond3A_192 : i32
        scf.if %cond3A_193 {
          %dma_start3A_199 = arith.constant 0 : i32
          %dma_start3A_200 = arith.constant 0 : i32
          %dma_start3A_201 = arith.constant 0 : i32
          %dma_start3A_202 = arith.constant 0 : i32
          %dma_start3A_203 = arith.constant 0 : i32
          %dma_start3A_204 = tpu.memref_slice %arg9[%dma_start3A_201, %dma_start3A_202, %dma_start3A_203] : memref<2x128x128xf32, #tpu.memory_space<vmem>> -> memref<1x128x128xf32, #tpu.memory_space<vmem>>
          %dma_start3A_205 = tpu.memref_squeeze %dma_start3A_204 : memref<1x128x128xf32, #tpu.memory_space<vmem>> -> memref<128x128xf32, #tpu.memory_space<vmem>>
          %dma_start3A_206 = arith.constant 0 : i32
          %dma_start3A_207 = tpu.memref_slice %arg8[%dma_start3A_199, %dma_start3A_200, %dma_start3A_206] : memref<2x2x128xi32, #tpu.memory_space<vmem>> -> memref<1x1x128xi32, #tpu.memory_space<vmem>>
          %dma_start3A_208 = tpu.memref_squeeze %dma_start3A_207 : memref<1x1x128xi32, #tpu.memory_space<vmem>> -> memref<128xi32, #tpu.memory_space<vmem>>
          %dma_start3A_209 = arith.constant 0 : i32
          %dma_start3A_210 = arith.constant 0 : i32
          %dma_start3A_211 = tpu.memref_slice %arg3[%dma_start3A_209, %dma_start3A_210] : memref<10000x128xf32, #tpu.memory_space<hbm>> -> memref<10000x128xf32, #tpu.memory_space<hbm>>
          tpu.enqueue_indirect_dma source(%dma_start3A_211 : memref<10000x128xf32, #tpu.memory_space<hbm>>) target(%dma_start3A_205 : memref<128x128xf32, #tpu.memory_space<vmem>>) offsets(%dma_start3A_208 : memref<128xi32, #tpu.memory_space<vmem>>) semaphore(%arg11 : memref<!tpu.dma_semaphore, #tpu.memory_space<semaphore_mem>>)
        } else {
        }
        %eq3A_194 = arith.constant 1 : i32
        %eq3A_195 = arith.cmpi eq, %sub3A_185, %eq3A_194 : i32
        %convert_element_type3A_196 = arith.extui %eq3A_195 : i1 to i32
        %cond3A_197 = arith.constant 0 : i32
        %cond3A_198 = arith.cmpi ne, %convert_element_type3A_196, %cond3A_197 : i32
        scf.if %cond3A_198 {
          %dma_start3A_199 = arith.constant 1 : i32
          %dma_start3A_200 = arith.constant 0 : i32
          %dma_start3A_201 = arith.constant 1 : i32
          %dma_start3A_202 = arith.constant 0 : i32
          %dma_start3A_203 = arith.constant 0 : i32
          %dma_start3A_204 = tpu.memref_slice %arg9[%dma_start3A_201, %dma_start3A_202, %dma_start3A_203] : memref<2x128x128xf32, #tpu.memory_space<vmem>> -> memref<1x128x128xf32, #tpu.memory_space<vmem>>
          %dma_start3A_205 = tpu.memref_squeeze %dma_start3A_204 : memref<1x128x128xf32, #tpu.memory_space<vmem>> -> memref<128x128xf32, #tpu.memory_space<vmem>>
          %dma_start3A_206 = arith.constant 0 : i32
          %dma_start3A_207 = tpu.memref_slice %arg8[%dma_start3A_199, %dma_start3A_200, %dma_start3A_206] : memref<2x2x128xi32, #tpu.memory_space<vmem>> -> memref<1x1x128xi32, #tpu.memory_space<vmem>>
          %dma_start3A_208 = tpu.memref_squeeze %dma_start3A_207 : memref<1x1x128xi32, #tpu.memory_space<vmem>> -> memref<128xi32, #tpu.memory_space<vmem>>
          %dma_start3A_209 = arith.constant 0 : i32
          %dma_start3A_210 = arith.constant 0 : i32
          %dma_start3A_211 = tpu.memref_slice %arg3[%dma_start3A_209, %dma_start3A_210] : memref<10000x128xf32, #tpu.memory_space<hbm>> -> memref<10000x128xf32, #tpu.memory_space<hbm>>
          tpu.enqueue_indirect_dma source(%dma_start3A_211 : memref<10000x128xf32, #tpu.memory_space<hbm>>) target(%dma_start3A_205 : memref<128x128xf32, #tpu.memory_space<vmem>>) offsets(%dma_start3A_208 : memref<128xi32, #tpu.memory_space<vmem>>) semaphore(%arg12 : memref<!tpu.dma_semaphore, #tpu.memory_space<semaphore_mem>>)
        } else {
        }
      } else {
      }
      %eq3A_171 = arith.constant 0 : i32
      %eq3A_172 = arith.cmpi eq, %and3A_164, %eq3A_171 : i32
      %convert_element_type3A_173 = arith.extui %eq3A_172 : i1 to i32
      %cond3A_174 = arith.constant 0 : i32
      %cond3A_175 = arith.cmpi ne, %convert_element_type3A_173, %cond3A_174 : i32
      scf.if %cond3A_175 {
        %dma_wait3A = arith.constant 0 : i32
        %dma_wait3A_182 = arith.constant 0 : i32
        %dma_wait3A_183 = arith.constant 0 : i32
        %dma_wait3A_184 = arith.constant 0 : i32
        %dma_wait3A_185 = arith.constant 0 : i32
        %dma_wait3A_186 = tpu.memref_slice %arg9[%dma_wait3A_183, %dma_wait3A_184, %dma_wait3A_185] : memref<2x128x128xf32, #tpu.memory_space<vmem>> -> memref<1x128x128xf32, #tpu.memory_space<vmem>>
        %dma_wait3A_187 = tpu.memref_squeeze %dma_wait3A_186 : memref<1x128x128xf32, #tpu.memory_space<vmem>> -> memref<128x128xf32, #tpu.memory_space<vmem>>
        %dma_wait3A_188 = arith.constant 0 : i32
        %dma_wait3A_189 = tpu.memref_slice %arg8[%dma_wait3A, %dma_wait3A_182, %dma_wait3A_188] : memref<2x2x128xi32, #tpu.memory_space<vmem>> -> memref<1x1x128xi32, #tpu.memory_space<vmem>>
        %dma_wait3A_190 = tpu.memref_squeeze %dma_wait3A_189 : memref<1x1x128xi32, #tpu.memory_space<vmem>> -> memref<128xi32, #tpu.memory_space<vmem>>
        %dma_wait3A_191 = arith.constant 0 : i32
        %dma_wait3A_192 = arith.constant 0 : i32
        %dma_wait3A_193 = tpu.memref_slice %arg3[%dma_wait3A_191, %dma_wait3A_192] : memref<10000x128xf32, #tpu.memory_space<hbm>> -> memref<10000x128xf32, #tpu.memory_space<hbm>>
        tpu.wait_indirect_dma semaphore(%arg11 : memref<!tpu.dma_semaphore, #tpu.memory_space<semaphore_mem>>) src(%dma_wait3A_193 : memref<10000x128xf32, #tpu.memory_space<hbm>>) dst(%dma_wait3A_187 : memref<128x128xf32, #tpu.memory_space<vmem>>)
      } else {
      }
      %eq3A_176 = arith.constant 1 : i32
      %eq3A_177 = arith.cmpi eq, %and3A_164, %eq3A_176 : i32
      %convert_element_type3A_178 = arith.extui %eq3A_177 : i1 to i32
      %cond3A_179 = arith.constant 0 : i32
      %cond3A_180 = arith.cmpi ne, %convert_element_type3A_178, %cond3A_179 : i32
      scf.if %cond3A_180 {
        %dma_wait3A = arith.constant 1 : i32
        %dma_wait3A_182 = arith.constant 0 : i32
        %dma_wait3A_183 = arith.constant 1 : i32
        %dma_wait3A_184 = arith.constant 0 : i32
        %dma_wait3A_185 = arith.constant 0 : i32
        %dma_wait3A_186 = tpu.memref_slice %arg9[%dma_wait3A_183, %dma_wait3A_184, %dma_wait3A_185] : memref<2x128x128xf32, #tpu.memory_space<vmem>> -> memref<1x128x128xf32, #tpu.memory_space<vmem>>
        %dma_wait3A_187 = tpu.memref_squeeze %dma_wait3A_186 : memref<1x128x128xf32, #tpu.memory_space<vmem>> -> memref<128x128xf32, #tpu.memory_space<vmem>>
        %dma_wait3A_188 = arith.constant 0 : i32
        %dma_wait3A_189 = tpu.memref_slice %arg8[%dma_wait3A, %dma_wait3A_182, %dma_wait3A_188] : memref<2x2x128xi32, #tpu.memory_space<vmem>> -> memref<1x1x128xi32, #tpu.memory_space<vmem>>
        %dma_wait3A_190 = tpu.memref_squeeze %dma_wait3A_189 : memref<1x1x128xi32, #tpu.memory_space<vmem>> -> memref<128xi32, #tpu.memory_space<vmem>>
        %dma_wait3A_191 = arith.constant 0 : i32
        %dma_wait3A_192 = arith.constant 0 : i32
        %dma_wait3A_193 = tpu.memref_slice %arg3[%dma_wait3A_191, %dma_wait3A_192] : memref<10000x128xf32, #tpu.memory_space<hbm>> -> memref<10000x128xf32, #tpu.memory_space<hbm>>
        tpu.wait_indirect_dma semaphore(%arg12 : memref<!tpu.dma_semaphore, #tpu.memory_space<semaphore_mem>>) src(%dma_wait3A_193 : memref<10000x128xf32, #tpu.memory_space<hbm>>) dst(%dma_wait3A_187 : memref<128x128xf32, #tpu.memory_space<vmem>>)
      } else {
      }
      %run_scoped3A_181 = arith.constant 1 : i32
      "tpu.region"() ({
        %run_scoped3A_182 = tpu.sem_alloc : memref<!tpu.dma_semaphore, #tpu.memory_space<semaphore_mem>>
        %dma_start3A_183 = arith.constant 0 : i32
        %dma_start3A_184 = arith.constant 0 : i32
        %dma_start3A_185 = tpu.memref_slice %arg9[%and3A_164, %dma_start3A_183, %dma_start3A_184] : memref<2x128x128xf32, #tpu.memory_space<vmem>> -> memref<1x128x128xf32, #tpu.memory_space<vmem>>
        %dma_start3A_186 = tpu.memref_squeeze %dma_start3A_185 : memref<1x128x128xf32, #tpu.memory_space<vmem>> -> memref<128x128xf32, #tpu.memory_space<vmem>>
        %dma_start3A_187 = arith.constant 0 : i32
        %dma_start3A_188 = tpu.memref_slice %arg8[%and3A_164, %run_scoped3A_181, %dma_start3A_187] : memref<2x2x128xi32, #tpu.memory_space<vmem>> -> memref<1x1x128xi32, #tpu.memory_space<vmem>>
        %dma_start3A_189 = tpu.memref_squeeze %dma_start3A_188 : memref<1x1x128xi32, #tpu.memory_space<vmem>> -> memref<128xi32, #tpu.memory_space<vmem>>
        %dma_start3A_190 = arith.constant 0 : i32
        %dma_start3A_191 = arith.constant 0 : i32
        %dma_start3A_192 = tpu.memref_slice %arg10[%dma_start3A_190, %dma_start3A_191] : memref<10240x128xf32, #tpu.memory_space<vmem_shared>> -> memref<10240x128xf32, #tpu.memory_space<vmem_shared>>
        tpu.enqueue_indirect_dma source(%dma_start3A_186 : memref<128x128xf32, #tpu.memory_space<vmem>>) target(%dma_start3A_192 : memref<10240x128xf32, #tpu.memory_space<vmem_shared>>) offsets(%dma_start3A_189 : memref<128xi32, #tpu.memory_space<vmem>>) semaphore(%run_scoped3A_182 : memref<!tpu.dma_semaphore, #tpu.memory_space<semaphore_mem>>) {add = true}
        %dma_wait3A = arith.constant 0 : i32
        %dma_wait3A_193 = arith.constant 0 : i32
        %dma_wait3A_194 = tpu.memref_slice %arg9[%and3A_164, %dma_wait3A, %dma_wait3A_193] : memref<2x128x128xf32, #tpu.memory_space<vmem>> -> memref<1x128x128xf32, #tpu.memory_space<vmem>>
        %dma_wait3A_195 = tpu.memref_squeeze %dma_wait3A_194 : memref<1x128x128xf32, #tpu.memory_space<vmem>> -> memref<128x128xf32, #tpu.memory_space<vmem>>
        %dma_wait3A_196 = arith.constant 0 : i32
        %dma_wait3A_197 = tpu.memref_slice %arg8[%and3A_164, %run_scoped3A_181, %dma_wait3A_196] : memref<2x2x128xi32, #tpu.memory_space<vmem>> -> memref<1x1x128xi32, #tpu.memory_space<vmem>>
        %dma_wait3A_198 = tpu.memref_squeeze %dma_wait3A_197 : memref<1x1x128xi32, #tpu.memory_space<vmem>> -> memref<128xi32, #tpu.memory_space<vmem>>
        %dma_wait3A_199 = arith.constant 0 : i32
        %dma_wait3A_200 = arith.constant 0 : i32
        %dma_wait3A_201 = tpu.memref_slice %arg10[%dma_wait3A_199, %dma_wait3A_200] : memref<10240x128xf32, #tpu.memory_space<vmem_shared>> -> memref<10240x128xf32, #tpu.memory_space<vmem_shared>>
        tpu.wait_indirect_dma semaphore(%run_scoped3A_182 : memref<!tpu.dma_semaphore, #tpu.memory_space<semaphore_mem>>) src(%dma_wait3A_195 : memref<128x128xf32, #tpu.memory_space<vmem>>) dst(%dma_wait3A_201 : memref<10240x128xf32, #tpu.memory_space<vmem_shared>>)
        tpu.yield
      }) : () -> ()
    }
    %barrier3A_52 = arith.constant 0 : index
    tpu.barrier barrier_id(%barrier3A_52)
    %run_scoped3A_53 = arith.constant 1 : i32
    "tpu.region"() ({
      %run_scoped3A_162 = tpu.sem_alloc : memref<!tpu.dma_semaphore, #tpu.memory_space<semaphore_mem>>
      %dma_start3A_163 = arith.constant 0 : i32
      %dma_start3A_164 = arith.constant 0 : i32
      %dma_start3A_165 = tpu.memref_slice %arg9[%run_scoped3A_53, %dma_start3A_163, %dma_start3A_164] : memref<2x128x128xf32, #tpu.memory_space<vmem>> -> memref<1x128x128xf32, #tpu.memory_space<vmem>>
      %dma_start3A_166 = tpu.memref_squeeze %dma_start3A_165 : memref<1x128x128xf32, #tpu.memory_space<vmem>> -> memref<128x128xf32, #tpu.memory_space<vmem>>
      %dma_start3A_167 = arith.constant 0 : i32
      %dma_start3A_168 = arith.constant 0 : i32
      %dma_start3A_169 = tpu.memref_slice %arg9[%run_scoped3A_53, %dma_start3A_167, %dma_start3A_168] : memref<2x128x128xf32, #tpu.memory_space<vmem>> -> memref<1x128x128xf32, #tpu.memory_space<vmem>>
      %dma_start3A_170 = tpu.memref_squeeze %dma_start3A_169 : memref<1x128x128xf32, #tpu.memory_space<vmem>> -> memref<128x128xf32, #tpu.memory_space<vmem>>
      tpu.enqueue_dma source(%arg4 : memref<128x128xf32, #tpu.memory_space<hbm>>) target(%dma_start3A_170 : memref<128x128xf32, #tpu.memory_space<vmem>>) target_semaphore(%run_scoped3A_162 : memref<!tpu.dma_semaphore, #tpu.memory_space<semaphore_mem>>)
      %dma_wait3A = arith.constant 0 : i32
      %dma_wait3A_171 = arith.constant 0 : i32
      %dma_wait3A_172 = tpu.memref_slice %arg9[%run_scoped3A_53, %dma_wait3A, %dma_wait3A_171] : memref<2x128x128xf32, #tpu.memory_space<vmem>> -> memref<1x128x128xf32, #tpu.memory_space<vmem>>
      %dma_wait3A_173 = tpu.memref_squeeze %dma_wait3A_172 : memref<1x128x128xf32, #tpu.memory_space<vmem>> -> memref<128x128xf32, #tpu.memory_space<vmem>>
      %dma_wait3A_174 = arith.constant 0 : i32
      %dma_wait3A_175 = arith.constant 0 : i32
      %dma_wait3A_176 = tpu.memref_slice %arg9[%run_scoped3A_53, %dma_wait3A_174, %dma_wait3A_175] : memref<2x128x128xf32, #tpu.memory_space<vmem>> -> memref<1x128x128xf32, #tpu.memory_space<vmem>>
      %dma_wait3A_177 = tpu.memref_squeeze %dma_wait3A_176 : memref<1x128x128xf32, #tpu.memory_space<vmem>> -> memref<128x128xf32, #tpu.memory_space<vmem>>
      tpu.wait_dma2 semaphore(%run_scoped3A_162 : memref<!tpu.dma_semaphore, #tpu.memory_space<semaphore_mem>>) src(%arg4 : memref<128x128xf32, #tpu.memory_space<hbm>>) dst(%dma_wait3A_177 : memref<128x128xf32, #tpu.memory_space<vmem>>)
      tpu.yield
    }) : () -> ()
    %mul3A_54 = arith.constant 640 : i32
    %mul3A_55 = arith.muli %arg1, %mul3A_54 : i32
    %add3A_56 = arith.constant 0 : i32
    %add3A_57 = arith.addi %mul3A_55, %add3A_56 : i32
    %run_scoped3A_58 = arith.constant 0 : i32
    "tpu.region"() ({
      %run_scoped3A_162 = tpu.sem_alloc : memref<!tpu.dma_semaphore, #tpu.memory_space<semaphore_mem>>
      %dma_start3A_163 = arith.constant 0 : i32
      %dma_start3A_164 = arith.constant 0 : i32
      %dma_start3A_165 = tpu.memref_slice %arg9[%run_scoped3A_58, %dma_start3A_163, %dma_start3A_164] : memref<2x128x128xf32, #tpu.memory_space<vmem>> -> memref<1x128x128xf32, #tpu.memory_space<vmem>>
      %dma_start3A_166 = tpu.memref_squeeze %dma_start3A_165 : memref<1x128x128xf32, #tpu.memory_space<vmem>> -> memref<128x128xf32, #tpu.memory_space<vmem>>
      %dma_start3A_167 = arith.constant 0 : i32
      %dma_start3A_168 = tpu.memref_slice %arg10[%add3A_57, %dma_start3A_167] : memref<10240x128xf32, #tpu.memory_space<vmem_shared>> -> memref<128x128xf32, #tpu.memory_space<vmem_shared>>
      %dma_start3A_169 = arith.constant 0 : i32
      %dma_start3A_170 = arith.constant 0 : i32
      %dma_start3A_171 = tpu.memref_slice %arg9[%run_scoped3A_58, %dma_start3A_169, %dma_start3A_170] : memref<2x128x128xf32, #tpu.memory_space<vmem>> -> memref<1x128x128xf32, #tpu.memory_space<vmem>>
      %dma_start3A_172 = tpu.memref_squeeze %dma_start3A_171 : memref<1x128x128xf32, #tpu.memory_space<vmem>> -> memref<128x128xf32, #tpu.memory_space<vmem>>
      %dma_start3A_173 = arith.constant 0 : i32
      %dma_start3A_174 = tpu.memref_slice %arg10[%add3A_57, %dma_start3A_173] : memref<10240x128xf32, #tpu.memory_space<vmem_shared>> -> memref<128x128xf32, #tpu.memory_space<vmem_shared>>
      tpu.enqueue_dma source(%dma_start3A_174 : memref<128x128xf32, #tpu.memory_space<vmem_shared>>) target(%dma_start3A_172 : memref<128x128xf32, #tpu.memory_space<vmem>>) target_semaphore(%run_scoped3A_162 : memref<!tpu.dma_semaphore, #tpu.memory_space<semaphore_mem>>)
      %dma_wait3A = arith.constant 0 : i32
      %dma_wait3A_175 = arith.constant 0 : i32
      %dma_wait3A_176 = tpu.memref_slice %arg9[%run_scoped3A_58, %dma_wait3A, %dma_wait3A_175] : memref<2x128x128xf32, #tpu.memory_space<vmem>> -> memref<1x128x128xf32, #tpu.memory_space<vmem>>
      %dma_wait3A_177 = tpu.memref_squeeze %dma_wait3A_176 : memref<1x128x128xf32, #tpu.memory_space<vmem>> -> memref<128x128xf32, #tpu.memory_space<vmem>>
      %dma_wait3A_178 = arith.constant 0 : i32
      %dma_wait3A_179 = tpu.memref_slice %arg10[%add3A_57, %dma_wait3A_178] : memref<10240x128xf32, #tpu.memory_space<vmem_shared>> -> memref<128x128xf32, #tpu.memory_space<vmem_shared>>
      %dma_wait3A_180 = arith.constant 0 : i32
      %dma_wait3A_181 = arith.constant 0 : i32
      %dma_wait3A_182 = tpu.memref_slice %arg9[%run_scoped3A_58, %dma_wait3A_180, %dma_wait3A_181] : memref<2x128x128xf32, #tpu.memory_space<vmem>> -> memref<1x128x128xf32, #tpu.memory_space<vmem>>
      %dma_wait3A_183 = tpu.memref_squeeze %dma_wait3A_182 : memref<1x128x128xf32, #tpu.memory_space<vmem>> -> memref<128x128xf32, #tpu.memory_space<vmem>>
      %dma_wait3A_184 = arith.constant 0 : i32
      %dma_wait3A_185 = tpu.memref_slice %arg10[%add3A_57, %dma_wait3A_184] : memref<10240x128xf32, #tpu.memory_space<vmem_shared>> -> memref<128x128xf32, #tpu.memory_space<vmem_shared>>
      tpu.wait_dma2 semaphore(%run_scoped3A_162 : memref<!tpu.dma_semaphore, #tpu.memory_space<semaphore_mem>>) src(%dma_wait3A_185 : memref<128x128xf32, #tpu.memory_space<vmem_shared>>) dst(%dma_wait3A_183 : memref<128x128xf32, #tpu.memory_space<vmem>>)
      tpu.yield
    }) : () -> ()
    %run_scoped3A_59 = arith.constant 0 : i32
    "tpu.region"() ({
      %run_scoped3A_162 = tpu.sem_alloc : memref<!tpu.dma_semaphore, #tpu.memory_space<semaphore_mem>>
      %dma_start3A_163 = arith.constant 0 : i32
      %dma_start3A_164 = arith.constant 0 : i32
      %dma_start3A_165 = tpu.memref_slice %arg9[%run_scoped3A_59, %dma_start3A_163, %dma_start3A_164] : memref<2x128x128xf32, #tpu.memory_space<vmem>> -> memref<1x128x128xf32, #tpu.memory_space<vmem>>
      %dma_start3A_166 = tpu.memref_squeeze %dma_start3A_165 : memref<1x128x128xf32, #tpu.memory_space<vmem>> -> memref<128x128xf32, #tpu.memory_space<vmem>>
      %dma_start3A_167 = arith.constant 0 : i32
      %dma_start3A_168 = arith.constant 0 : i32
      %dma_start3A_169 = tpu.memref_slice %arg6[%arg0, %arg1, %dma_start3A_167, %dma_start3A_168] : memref<2x16x640x128xf32, #tpu.memory_space<hbm>> -> memref<1x1x128x128xf32, #tpu.memory_space<hbm>>
      %dma_start3A_170 = tpu.memref_squeeze %dma_start3A_169 : memref<1x1x128x128xf32, #tpu.memory_space<hbm>> -> memref<128x128xf32, #tpu.memory_space<hbm>>
      %dma_start3A_171 = arith.constant 0 : i32
      %dma_start3A_172 = arith.constant 0 : i32
      %dma_start3A_173 = tpu.memref_slice %arg6[%arg0, %arg1, %dma_start3A_171, %dma_start3A_172] : memref<2x16x640x128xf32, #tpu.memory_space<hbm>> -> memref<1x1x128x128xf32, #tpu.memory_space<hbm>>
      %dma_start3A_174 = tpu.memref_squeeze %dma_start3A_173 : memref<1x1x128x128xf32, #tpu.memory_space<hbm>> -> memref<128x128xf32, #tpu.memory_space<hbm>>
      %dma_start3A_175 = arith.constant 0 : i32
      %dma_start3A_176 = arith.constant 0 : i32
      %dma_start3A_177 = tpu.memref_slice %arg9[%run_scoped3A_59, %dma_start3A_175, %dma_start3A_176] : memref<2x128x128xf32, #tpu.memory_space<vmem>> -> memref<1x128x128xf32, #tpu.memory_space<vmem>>
      %dma_start3A_178 = tpu.memref_squeeze %dma_start3A_177 : memref<1x128x128xf32, #tpu.memory_space<vmem>> -> memref<128x128xf32, #tpu.memory_space<vmem>>
      tpu.enqueue_dma source(%dma_start3A_178 : memref<128x128xf32, #tpu.memory_space<vmem>>) target(%dma_start3A_174 : memref<128x128xf32, #tpu.memory_space<hbm>>) target_semaphore(%run_scoped3A_162 : memref<!tpu.dma_semaphore, #tpu.memory_space<semaphore_mem>>)
      %dma_wait3A = arith.constant 0 : i32
      %dma_wait3A_179 = arith.constant 0 : i32
      %dma_wait3A_180 = tpu.memref_slice %arg9[%run_scoped3A_59, %dma_wait3A, %dma_wait3A_179] : memref<2x128x128xf32, #tpu.memory_space<vmem>> -> memref<1x128x128xf32, #tpu.memory_space<vmem>>
      %dma_wait3A_181 = tpu.memref_squeeze %dma_wait3A_180 : memref<1x128x128xf32, #tpu.memory_space<vmem>> -> memref<128x128xf32, #tpu.memory_space<vmem>>
      %dma_wait3A_182 = arith.constant 0 : i32
      %dma_wait3A_183 = arith.constant 0 : i32
      %dma_wait3A_184 = tpu.memref_slice %arg6[%arg0, %arg1, %dma_wait3A_182, %dma_wait3A_183] : memref<2x16x640x128xf32, #tpu.memory_space<hbm>> -> memref<1x1x128x128xf32, #tpu.memory_space<hbm>>
      %dma_wait3A_185 = tpu.memref_squeeze %dma_wait3A_184 : memref<1x1x128x128xf32, #tpu.memory_space<hbm>> -> memref<128x128xf32, #tpu.memory_space<hbm>>
      %dma_wait3A_186 = arith.constant 0 : i32
      %dma_wait3A_187 = arith.constant 0 : i32
      %dma_wait3A_188 = tpu.memref_slice %arg6[%arg0, %arg1, %dma_wait3A_186, %dma_wait3A_187] : memref<2x16x640x128xf32, #tpu.memory_space<hbm>> -> memref<1x1x128x128xf32, #tpu.memory_space<hbm>>
      %dma_wait3A_189 = tpu.memref_squeeze %dma_wait3A_188 : memref<1x1x128x128xf32, #tpu.memory_space<hbm>> -> memref<128x128xf32, #tpu.memory_space<hbm>>
      %dma_wait3A_190 = arith.constant 0 : i32
      %dma_wait3A_191 = arith.constant 0 : i32
      %dma_wait3A_192 = tpu.memref_slice %arg9[%run_scoped3A_59, %dma_wait3A_190, %dma_wait3A_191] : memref<2x128x128xf32, #tpu.memory_space<vmem>> -> memref<1x128x128xf32, #tpu.memory_space<vmem>>
      %dma_wait3A_193 = tpu.memref_squeeze %dma_wait3A_192 : memref<1x128x128xf32, #tpu.memory_space<vmem>> -> memref<128x128xf32, #tpu.memory_space<vmem>>
      tpu.wait_dma2 semaphore(%run_scoped3A_162 : memref<!tpu.dma_semaphore, #tpu.memory_space<semaphore_mem>>) src(%dma_wait3A_193 : memref<128x128xf32, #tpu.memory_space<vmem>>) dst(%dma_wait3A_189 : memref<128x128xf32, #tpu.memory_space<hbm>>)
      tpu.yield
    }) : () -> ()
    %mul3A_60 = arith.constant 640 : i32
    %mul3A_61 = arith.muli %arg1, %mul3A_60 : i32
    %add3A_62 = arith.constant 0 : i32
    %add3A_63 = arith.addi %mul3A_61, %add3A_62 : i32
    %run_scoped3A_64 = arith.constant 1 : i32
    "tpu.region"() ({
      %run_scoped3A_162 = tpu.sem_alloc : memref<!tpu.dma_semaphore, #tpu.memory_space<semaphore_mem>>
      %dma_start3A_163 = arith.constant 0 : i32
      %dma_start3A_164 = arith.constant 0 : i32
      %dma_start3A_165 = tpu.memref_slice %arg9[%run_scoped3A_64, %dma_start3A_163, %dma_start3A_164] : memref<2x128x128xf32, #tpu.memory_space<vmem>> -> memref<1x128x128xf32, #tpu.memory_space<vmem>>
      %dma_start3A_166 = tpu.memref_squeeze %dma_start3A_165 : memref<1x128x128xf32, #tpu.memory_space<vmem>> -> memref<128x128xf32, #tpu.memory_space<vmem>>
      %dma_start3A_167 = arith.constant 0 : i32
      %dma_start3A_168 = tpu.memref_slice %arg10[%add3A_63, %dma_start3A_167] : memref<10240x128xf32, #tpu.memory_space<vmem_shared>> -> memref<128x128xf32, #tpu.memory_space<vmem_shared>>
      %dma_start3A_169 = arith.constant 0 : i32
      %dma_start3A_170 = tpu.memref_slice %arg10[%add3A_63, %dma_start3A_169] : memref<10240x128xf32, #tpu.memory_space<vmem_shared>> -> memref<128x128xf32, #tpu.memory_space<vmem_shared>>
      %dma_start3A_171 = arith.constant 0 : i32
      %dma_start3A_172 = arith.constant 0 : i32
      %dma_start3A_173 = tpu.memref_slice %arg9[%run_scoped3A_64, %dma_start3A_171, %dma_start3A_172] : memref<2x128x128xf32, #tpu.memory_space<vmem>> -> memref<1x128x128xf32, #tpu.memory_space<vmem>>
      %dma_start3A_174 = tpu.memref_squeeze %dma_start3A_173 : memref<1x128x128xf32, #tpu.memory_space<vmem>> -> memref<128x128xf32, #tpu.memory_space<vmem>>
      tpu.enqueue_dma source(%dma_start3A_174 : memref<128x128xf32, #tpu.memory_space<vmem>>) target(%dma_start3A_170 : memref<128x128xf32, #tpu.memory_space<vmem_shared>>) target_semaphore(%run_scoped3A_162 : memref<!tpu.dma_semaphore, #tpu.memory_space<semaphore_mem>>)
      %dma_wait3A = arith.constant 0 : i32
      %dma_wait3A_175 = arith.constant 0 : i32
      %dma_wait3A_176 = tpu.memref_slice %arg9[%run_scoped3A_64, %dma_wait3A, %dma_wait3A_175] : memref<2x128x128xf32, #tpu.memory_space<vmem>> -> memref<1x128x128xf32, #tpu.memory_space<vmem>>
      %dma_wait3A_177 = tpu.memref_squeeze %dma_wait3A_176 : memref<1x128x128xf32, #tpu.memory_space<vmem>> -> memref<128x128xf32, #tpu.memory_space<vmem>>
      %dma_wait3A_178 = arith.constant 0 : i32
      %dma_wait3A_179 = tpu.memref_slice %arg10[%add3A_63, %dma_wait3A_178] : memref<10240x128xf32, #tpu.memory_space<vmem_shared>> -> memref<128x128xf32, #tpu.memory_space<vmem_shared>>
      %dma_wait3A_180 = arith.constant 0 : i32
      %dma_wait3A_181 = tpu.memref_slice %arg10[%add3A_63, %dma_wait3A_180] : memref<10240x128xf32, #tpu.memory_space<vmem_shared>> -> memref<128x128xf32, #tpu.memory_space<vmem_shared>>
      %dma_wait3A_182 = arith.constant 0 : i32
      %dma_wait3A_183 = arith.constant 0 : i32
      %dma_wait3A_184 = tpu.memref_slice %arg9[%run_scoped3A_64, %dma_wait3A_182, %dma_wait3A_183] : memref<2x128x128xf32, #tpu.memory_space<vmem>> -> memref<1x128x128xf32, #tpu.memory_space<vmem>>
      %dma_wait3A_185 = tpu.memref_squeeze %dma_wait3A_184 : memref<1x128x128xf32, #tpu.memory_space<vmem>> -> memref<128x128xf32, #tpu.memory_space<vmem>>
      tpu.wait_dma2 semaphore(%run_scoped3A_162 : memref<!tpu.dma_semaphore, #tpu.memory_space<semaphore_mem>>) src(%dma_wait3A_185 : memref<128x128xf32, #tpu.memory_space<vmem>>) dst(%dma_wait3A_181 : memref<128x128xf32, #tpu.memory_space<vmem_shared>>)
      tpu.yield
    }) : () -> ()
    %mul3A_65 = arith.constant 640 : i32
    %mul3A_66 = arith.muli %arg1, %mul3A_65 : i32
    %add3A_67 = arith.constant 128 : i32
    %add3A_68 = arith.addi %mul3A_66, %add3A_67 : i32
    %run_scoped3A_69 = arith.constant 0 : i32
    "tpu.region"() ({
      %run_scoped3A_162 = tpu.sem_alloc : memref<!tpu.dma_semaphore, #tpu.memory_space<semaphore_mem>>
      %dma_start3A_163 = arith.constant 0 : i32
      %dma_start3A_164 = arith.constant 0 : i32
      %dma_start3A_165 = tpu.memref_slice %arg9[%run_scoped3A_69, %dma_start3A_163, %dma_start3A_164] : memref<2x128x128xf32, #tpu.memory_space<vmem>> -> memref<1x128x128xf32, #tpu.memory_space<vmem>>
      %dma_start3A_166 = tpu.memref_squeeze %dma_start3A_165 : memref<1x128x128xf32, #tpu.memory_space<vmem>> -> memref<128x128xf32, #tpu.memory_space<vmem>>
      %dma_start3A_167 = arith.constant 0 : i32
      %dma_start3A_168 = tpu.memref_slice %arg10[%add3A_68, %dma_start3A_167] : memref<10240x128xf32, #tpu.memory_space<vmem_shared>> -> memref<128x128xf32, #tpu.memory_space<vmem_shared>>
      %dma_start3A_169 = arith.constant 0 : i32
      %dma_start3A_170 = arith.constant 0 : i32
      %dma_start3A_171 = tpu.memref_slice %arg9[%run_scoped3A_69, %dma_start3A_169, %dma_start3A_170] : memref<2x128x128xf32, #tpu.memory_space<vmem>> -> memref<1x128x128xf32, #tpu.memory_space<vmem>>
      %dma_start3A_172 = tpu.memref_squeeze %dma_start3A_171 : memref<1x128x128xf32, #tpu.memory_space<vmem>> -> memref<128x128xf32, #tpu.memory_space<vmem>>
      %dma_start3A_173 = arith.constant 0 : i32
      %dma_start3A_174 = tpu.memref_slice %arg10[%add3A_68, %dma_start3A_173] : memref<10240x128xf32, #tpu.memory_space<vmem_shared>> -> memref<128x128xf32, #tpu.memory_space<vmem_shared>>
      tpu.enqueue_dma source(%dma_start3A_174 : memref<128x128xf32, #tpu.memory_space<vmem_shared>>) target(%dma_start3A_172 : memref<128x128xf32, #tpu.memory_space<vmem>>) target_semaphore(%run_scoped3A_162 : memref<!tpu.dma_semaphore, #tpu.memory_space<semaphore_mem>>)
      %dma_wait3A = arith.constant 0 : i32
      %dma_wait3A_175 = arith.constant 0 : i32
      %dma_wait3A_176 = tpu.memref_slice %arg9[%run_scoped3A_69, %dma_wait3A, %dma_wait3A_175] : memref<2x128x128xf32, #tpu.memory_space<vmem>> -> memref<1x128x128xf32, #tpu.memory_space<vmem>>
      %dma_wait3A_177 = tpu.memref_squeeze %dma_wait3A_176 : memref<1x128x128xf32, #tpu.memory_space<vmem>> -> memref<128x128xf32, #tpu.memory_space<vmem>>
      %dma_wait3A_178 = arith.constant 0 : i32
      %dma_wait3A_179 = tpu.memref_slice %arg10[%add3A_68, %dma_wait3A_178] : memref<10240x128xf32, #tpu.memory_space<vmem_shared>> -> memref<128x128xf32, #tpu.memory_space<vmem_shared>>
      %dma_wait3A_180 = arith.constant 0 : i32
      %dma_wait3A_181 = arith.constant 0 : i32
      %dma_wait3A_182 = tpu.memref_slice %arg9[%run_scoped3A_69, %dma_wait3A_180, %dma_wait3A_181] : memref<2x128x128xf32, #tpu.memory_space<vmem>> -> memref<1x128x128xf32, #tpu.memory_space<vmem>>
      %dma_wait3A_183 = tpu.memref_squeeze %dma_wait3A_182 : memref<1x128x128xf32, #tpu.memory_space<vmem>> -> memref<128x128xf32, #tpu.memory_space<vmem>>
      %dma_wait3A_184 = arith.constant 0 : i32
      %dma_wait3A_185 = tpu.memref_slice %arg10[%add3A_68, %dma_wait3A_184] : memref<10240x128xf32, #tpu.memory_space<vmem_shared>> -> memref<128x128xf32, #tpu.memory_space<vmem_shared>>
      tpu.wait_dma2 semaphore(%run_scoped3A_162 : memref<!tpu.dma_semaphore, #tpu.memory_space<semaphore_mem>>) src(%dma_wait3A_185 : memref<128x128xf32, #tpu.memory_space<vmem_shared>>) dst(%dma_wait3A_183 : memref<128x128xf32, #tpu.memory_space<vmem>>)
      tpu.yield
    }) : () -> ()
    %run_scoped3A_70 = arith.constant 0 : i32
    "tpu.region"() ({
      %run_scoped3A_162 = tpu.sem_alloc : memref<!tpu.dma_semaphore, #tpu.memory_space<semaphore_mem>>
      %dma_start3A_163 = arith.constant 0 : i32
      %dma_start3A_164 = arith.constant 0 : i32
      %dma_start3A_165 = tpu.memref_slice %arg9[%run_scoped3A_70, %dma_start3A_163, %dma_start3A_164] : memref<2x128x128xf32, #tpu.memory_space<vmem>> -> memref<1x128x128xf32, #tpu.memory_space<vmem>>
      %dma_start3A_166 = tpu.memref_squeeze %dma_start3A_165 : memref<1x128x128xf32, #tpu.memory_space<vmem>> -> memref<128x128xf32, #tpu.memory_space<vmem>>
      %dma_start3A_167 = arith.constant 128 : i32
      %dma_start3A_168 = arith.constant 0 : i32
      %dma_start3A_169 = tpu.memref_slice %arg6[%arg0, %arg1, %dma_start3A_167, %dma_start3A_168] : memref<2x16x640x128xf32, #tpu.memory_space<hbm>> -> memref<1x1x128x128xf32, #tpu.memory_space<hbm>>
      %dma_start3A_170 = tpu.memref_squeeze %dma_start3A_169 : memref<1x1x128x128xf32, #tpu.memory_space<hbm>> -> memref<128x128xf32, #tpu.memory_space<hbm>>
      %dma_start3A_171 = arith.constant 128 : i32
      %dma_start3A_172 = arith.constant 0 : i32
      %dma_start3A_173 = tpu.memref_slice %arg6[%arg0, %arg1, %dma_start3A_171, %dma_start3A_172] : memref<2x16x640x128xf32, #tpu.memory_space<hbm>> -> memref<1x1x128x128xf32, #tpu.memory_space<hbm>>
      %dma_start3A_174 = tpu.memref_squeeze %dma_start3A_173 : memref<1x1x128x128xf32, #tpu.memory_space<hbm>> -> memref<128x128xf32, #tpu.memory_space<hbm>>
      %dma_start3A_175 = arith.constant 0 : i32
      %dma_start3A_176 = arith.constant 0 : i32
      %dma_start3A_177 = tpu.memref_slice %arg9[%run_scoped3A_70, %dma_start3A_175, %dma_start3A_176] : memref<2x128x128xf32, #tpu.memory_space<vmem>> -> memref<1x128x128xf32, #tpu.memory_space<vmem>>
      %dma_start3A_178 = tpu.memref_squeeze %dma_start3A_177 : memref<1x128x128xf32, #tpu.memory_space<vmem>> -> memref<128x128xf32, #tpu.memory_space<vmem>>
      tpu.enqueue_dma source(%dma_start3A_178 : memref<128x128xf32, #tpu.memory_space<vmem>>) target(%dma_start3A_174 : memref<128x128xf32, #tpu.memory_space<hbm>>) target_semaphore(%run_scoped3A_162 : memref<!tpu.dma_semaphore, #tpu.memory_space<semaphore_mem>>)
      %dma_wait3A = arith.constant 0 : i32
      %dma_wait3A_179 = arith.constant 0 : i32
      %dma_wait3A_180 = tpu.memref_slice %arg9[%run_scoped3A_70, %dma_wait3A, %dma_wait3A_179] : memref<2x128x128xf32, #tpu.memory_space<vmem>> -> memref<1x128x128xf32, #tpu.memory_space<vmem>>
      %dma_wait3A_181 = tpu.memref_squeeze %dma_wait3A_180 : memref<1x128x128xf32, #tpu.memory_space<vmem>> -> memref<128x128xf32, #tpu.memory_space<vmem>>
      %dma_wait3A_182 = arith.constant 128 : i32
      %dma_wait3A_183 = arith.constant 0 : i32
      %dma_wait3A_184 = tpu.memref_slice %arg6[%arg0, %arg1, %dma_wait3A_182, %dma_wait3A_183] : memref<2x16x640x128xf32, #tpu.memory_space<hbm>> -> memref<1x1x128x128xf32, #tpu.memory_space<hbm>>
      %dma_wait3A_185 = tpu.memref_squeeze %dma_wait3A_184 : memref<1x1x128x128xf32, #tpu.memory_space<hbm>> -> memref<128x128xf32, #tpu.memory_space<hbm>>
      %dma_wait3A_186 = arith.constant 128 : i32
      %dma_wait3A_187 = arith.constant 0 : i32
      %dma_wait3A_188 = tpu.memref_slice %arg6[%arg0, %arg1, %dma_wait3A_186, %dma_wait3A_187] : memref<2x16x640x128xf32, #tpu.memory_space<hbm>> -> memref<1x1x128x128xf32, #tpu.memory_space<hbm>>
      %dma_wait3A_189 = tpu.memref_squeeze %dma_wait3A_188 : memref<1x1x128x128xf32, #tpu.memory_space<hbm>> -> memref<128x128xf32, #tpu.memory_space<hbm>>
      %dma_wait3A_190 = arith.constant 0 : i32
      %dma_wait3A_191 = arith.constant 0 : i32
      %dma_wait3A_192 = tpu.memref_slice %arg9[%run_scoped3A_70, %dma_wait3A_190, %dma_wait3A_191] : memref<2x128x128xf32, #tpu.memory_space<vmem>> -> memref<1x128x128xf32, #tpu.memory_space<vmem>>
      %dma_wait3A_193 = tpu.memref_squeeze %dma_wait3A_192 : memref<1x128x128xf32, #tpu.memory_space<vmem>> -> memref<128x128xf32, #tpu.memory_space<vmem>>
      tpu.wait_dma2 semaphore(%run_scoped3A_162 : memref<!tpu.dma_semaphore, #tpu.memory_space<semaphore_mem>>) src(%dma_wait3A_193 : memref<128x128xf32, #tpu.memory_space<vmem>>) dst(%dma_wait3A_189 : memref<128x128xf32, #tpu.memory_space<hbm>>)
      tpu.yield
    }) : () -> ()
    %mul3A_71 = arith.constant 640 : i32
    %mul3A_72 = arith.muli %arg1, %mul3A_71 : i32
    %add3A_73 = arith.constant 128 : i32
    %add3A_74 = arith.addi %mul3A_72, %add3A_73 : i32
    %run_scoped3A_75 = arith.constant 1 : i32
    "tpu.region"() ({
      %run_scoped3A_162 = tpu.sem_alloc : memref<!tpu.dma_semaphore, #tpu.memory_space<semaphore_mem>>
      %dma_start3A_163 = arith.constant 0 : i32
      %dma_start3A_164 = arith.constant 0 : i32
      %dma_start3A_165 = tpu.memref_slice %arg9[%run_scoped3A_75, %dma_start3A_163, %dma_start3A_164] : memref<2x128x128xf32, #tpu.memory_space<vmem>> -> memref<1x128x128xf32, #tpu.memory_space<vmem>>
      %dma_start3A_166 = tpu.memref_squeeze %dma_start3A_165 : memref<1x128x128xf32, #tpu.memory_space<vmem>> -> memref<128x128xf32, #tpu.memory_space<vmem>>
      %dma_start3A_167 = arith.constant 0 : i32
      %dma_start3A_168 = tpu.memref_slice %arg10[%add3A_74, %dma_start3A_167] : memref<10240x128xf32, #tpu.memory_space<vmem_shared>> -> memref<128x128xf32, #tpu.memory_space<vmem_shared>>
      %dma_start3A_169 = arith.constant 0 : i32
      %dma_start3A_170 = tpu.memref_slice %arg10[%add3A_74, %dma_start3A_169] : memref<10240x128xf32, #tpu.memory_space<vmem_shared>> -> memref<128x128xf32, #tpu.memory_space<vmem_shared>>
      %dma_start3A_171 = arith.constant 0 : i32
      %dma_start3A_172 = arith.constant 0 : i32
      %dma_start3A_173 = tpu.memref_slice %arg9[%run_scoped3A_75, %dma_start3A_171, %dma_start3A_172] : memref<2x128x128xf32, #tpu.memory_space<vmem>> -> memref<1x128x128xf32, #tpu.memory_space<vmem>>
      %dma_start3A_174 = tpu.memref_squeeze %dma_start3A_173 : memref<1x128x128xf32, #tpu.memory_space<vmem>> -> memref<128x128xf32, #tpu.memory_space<vmem>>
      tpu.enqueue_dma source(%dma_start3A_174 : memref<128x128xf32, #tpu.memory_space<vmem>>) target(%dma_start3A_170 : memref<128x128xf32, #tpu.memory_space<vmem_shared>>) target_semaphore(%run_scoped3A_162 : memref<!tpu.dma_semaphore, #tpu.memory_space<semaphore_mem>>)
      %dma_wait3A = arith.constant 0 : i32
      %dma_wait3A_175 = arith.constant 0 : i32
      %dma_wait3A_176 = tpu.memref_slice %arg9[%run_scoped3A_75, %dma_wait3A, %dma_wait3A_175] : memref<2x128x128xf32, #tpu.memory_space<vmem>> -> memref<1x128x128xf32, #tpu.memory_space<vmem>>
      %dma_wait3A_177 = tpu.memref_squeeze %dma_wait3A_176 : memref<1x128x128xf32, #tpu.memory_space<vmem>> -> memref<128x128xf32, #tpu.memory_space<vmem>>
      %dma_wait3A_178 = arith.constant 0 : i32
      %dma_wait3A_179 = tpu.memref_slice %arg10[%add3A_74, %dma_wait3A_178] : memref<10240x128xf32, #tpu.memory_space<vmem_shared>> -> memref<128x128xf32, #tpu.memory_space<vmem_shared>>
      %dma_wait3A_180 = arith.constant 0 : i32
      %dma_wait3A_181 = tpu.memref_slice %arg10[%add3A_74, %dma_wait3A_180] : memref<10240x128xf32, #tpu.memory_space<vmem_shared>> -> memref<128x128xf32, #tpu.memory_space<vmem_shared>>
      %dma_wait3A_182 = arith.constant 0 : i32
      %dma_wait3A_183 = arith.constant 0 : i32
      %dma_wait3A_184 = tpu.memref_slice %arg9[%run_scoped3A_75, %dma_wait3A_182, %dma_wait3A_183] : memref<2x128x128xf32, #tpu.memory_space<vmem>> -> memref<1x128x128xf32, #tpu.memory_space<vmem>>
      %dma_wait3A_185 = tpu.memref_squeeze %dma_wait3A_184 : memref<1x128x128xf32, #tpu.memory_space<vmem>> -> memref<128x128xf32, #tpu.memory_space<vmem>>
      tpu.wait_dma2 semaphore(%run_scoped3A_162 : memref<!tpu.dma_semaphore, #tpu.memory_space<semaphore_mem>>) src(%dma_wait3A_185 : memref<128x128xf32, #tpu.memory_space<vmem>>) dst(%dma_wait3A_181 : memref<128x128xf32, #tpu.memory_space<vmem_shared>>)
      tpu.yield
    }) : () -> ()
    %mul3A_76 = arith.constant 640 : i32
    %mul3A_77 = arith.muli %arg1, %mul3A_76 : i32
    %add3A_78 = arith.constant 256 : i32
    %add3A_79 = arith.addi %mul3A_77, %add3A_78 : i32
    %run_scoped3A_80 = arith.constant 0 : i32
    "tpu.region"() ({
      %run_scoped3A_162 = tpu.sem_alloc : memref<!tpu.dma_semaphore, #tpu.memory_space<semaphore_mem>>
      %dma_start3A_163 = arith.constant 0 : i32
      %dma_start3A_164 = arith.constant 0 : i32
      %dma_start3A_165 = tpu.memref_slice %arg9[%run_scoped3A_80, %dma_start3A_163, %dma_start3A_164] : memref<2x128x128xf32, #tpu.memory_space<vmem>> -> memref<1x128x128xf32, #tpu.memory_space<vmem>>
      %dma_start3A_166 = tpu.memref_squeeze %dma_start3A_165 : memref<1x128x128xf32, #tpu.memory_space<vmem>> -> memref<128x128xf32, #tpu.memory_space<vmem>>
      %dma_start3A_167 = arith.constant 0 : i32
      %dma_start3A_168 = tpu.memref_slice %arg10[%add3A_79, %dma_start3A_167] : memref<10240x128xf32, #tpu.memory_space<vmem_shared>> -> memref<128x128xf32, #tpu.memory_space<vmem_shared>>
      %dma_start3A_169 = arith.constant 0 : i32
      %dma_start3A_170 = arith.constant 0 : i32
      %dma_start3A_171 = tpu.memref_slice %arg9[%run_scoped3A_80, %dma_start3A_169, %dma_start3A_170] : memref<2x128x128xf32, #tpu.memory_space<vmem>> -> memref<1x128x128xf32, #tpu.memory_space<vmem>>
      %dma_start3A_172 = tpu.memref_squeeze %dma_start3A_171 : memref<1x128x128xf32, #tpu.memory_space<vmem>> -> memref<128x128xf32, #tpu.memory_space<vmem>>
      %dma_start3A_173 = arith.constant 0 : i32
      %dma_start3A_174 = tpu.memref_slice %arg10[%add3A_79, %dma_start3A_173] : memref<10240x128xf32, #tpu.memory_space<vmem_shared>> -> memref<128x128xf32, #tpu.memory_space<vmem_shared>>
      tpu.enqueue_dma source(%dma_start3A_174 : memref<128x128xf32, #tpu.memory_space<vmem_shared>>) target(%dma_start3A_172 : memref<128x128xf32, #tpu.memory_space<vmem>>) target_semaphore(%run_scoped3A_162 : memref<!tpu.dma_semaphore, #tpu.memory_space<semaphore_mem>>)
      %dma_wait3A = arith.constant 0 : i32
      %dma_wait3A_175 = arith.constant 0 : i32
      %dma_wait3A_176 = tpu.memref_slice %arg9[%run_scoped3A_80, %dma_wait3A, %dma_wait3A_175] : memref<2x128x128xf32, #tpu.memory_space<vmem>> -> memref<1x128x128xf32, #tpu.memory_space<vmem>>
      %dma_wait3A_177 = tpu.memref_squeeze %dma_wait3A_176 : memref<1x128x128xf32, #tpu.memory_space<vmem>> -> memref<128x128xf32, #tpu.memory_space<vmem>>
      %dma_wait3A_178 = arith.constant 0 : i32
      %dma_wait3A_179 = tpu.memref_slice %arg10[%add3A_79, %dma_wait3A_178] : memref<10240x128xf32, #tpu.memory_space<vmem_shared>> -> memref<128x128xf32, #tpu.memory_space<vmem_shared>>
      %dma_wait3A_180 = arith.constant 0 : i32
      %dma_wait3A_181 = arith.constant 0 : i32
      %dma_wait3A_182 = tpu.memref_slice %arg9[%run_scoped3A_80, %dma_wait3A_180, %dma_wait3A_181] : memref<2x128x128xf32, #tpu.memory_space<vmem>> -> memref<1x128x128xf32, #tpu.memory_space<vmem>>
      %dma_wait3A_183 = tpu.memref_squeeze %dma_wait3A_182 : memref<1x128x128xf32, #tpu.memory_space<vmem>> -> memref<128x128xf32, #tpu.memory_space<vmem>>
      %dma_wait3A_184 = arith.constant 0 : i32
      %dma_wait3A_185 = tpu.memref_slice %arg10[%add3A_79, %dma_wait3A_184] : memref<10240x128xf32, #tpu.memory_space<vmem_shared>> -> memref<128x128xf32, #tpu.memory_space<vmem_shared>>
      tpu.wait_dma2 semaphore(%run_scoped3A_162 : memref<!tpu.dma_semaphore, #tpu.memory_space<semaphore_mem>>) src(%dma_wait3A_185 : memref<128x128xf32, #tpu.memory_space<vmem_shared>>) dst(%dma_wait3A_183 : memref<128x128xf32, #tpu.memory_space<vmem>>)
      tpu.yield
    }) : () -> ()
    %run_scoped3A_81 = arith.constant 0 : i32
    "tpu.region"() ({
      %run_scoped3A_162 = tpu.sem_alloc : memref<!tpu.dma_semaphore, #tpu.memory_space<semaphore_mem>>
      %dma_start3A_163 = arith.constant 0 : i32
      %dma_start3A_164 = arith.constant 0 : i32
      %dma_start3A_165 = tpu.memref_slice %arg9[%run_scoped3A_81, %dma_start3A_163, %dma_start3A_164] : memref<2x128x128xf32, #tpu.memory_space<vmem>> -> memref<1x128x128xf32, #tpu.memory_space<vmem>>
      %dma_start3A_166 = tpu.memref_squeeze %dma_start3A_165 : memref<1x128x128xf32, #tpu.memory_space<vmem>> -> memref<128x128xf32, #tpu.memory_space<vmem>>
      %dma_start3A_167 = arith.constant 256 : i32
      %dma_start3A_168 = arith.constant 0 : i32
      %dma_start3A_169 = tpu.memref_slice %arg6[%arg0, %arg1, %dma_start3A_167, %dma_start3A_168] : memref<2x16x640x128xf32, #tpu.memory_space<hbm>> -> memref<1x1x128x128xf32, #tpu.memory_space<hbm>>
      %dma_start3A_170 = tpu.memref_squeeze %dma_start3A_169 : memref<1x1x128x128xf32, #tpu.memory_space<hbm>> -> memref<128x128xf32, #tpu.memory_space<hbm>>
      %dma_start3A_171 = arith.constant 256 : i32
      %dma_start3A_172 = arith.constant 0 : i32
      %dma_start3A_173 = tpu.memref_slice %arg6[%arg0, %arg1, %dma_start3A_171, %dma_start3A_172] : memref<2x16x640x128xf32, #tpu.memory_space<hbm>> -> memref<1x1x128x128xf32, #tpu.memory_space<hbm>>
      %dma_start3A_174 = tpu.memref_squeeze %dma_start3A_173 : memref<1x1x128x128xf32, #tpu.memory_space<hbm>> -> memref<128x128xf32, #tpu.memory_space<hbm>>
      %dma_start3A_175 = arith.constant 0 : i32
      %dma_start3A_176 = arith.constant 0 : i32
      %dma_start3A_177 = tpu.memref_slice %arg9[%run_scoped3A_81, %dma_start3A_175, %dma_start3A_176] : memref<2x128x128xf32, #tpu.memory_space<vmem>> -> memref<1x128x128xf32, #tpu.memory_space<vmem>>
      %dma_start3A_178 = tpu.memref_squeeze %dma_start3A_177 : memref<1x128x128xf32, #tpu.memory_space<vmem>> -> memref<128x128xf32, #tpu.memory_space<vmem>>
      tpu.enqueue_dma source(%dma_start3A_178 : memref<128x128xf32, #tpu.memory_space<vmem>>) target(%dma_start3A_174 : memref<128x128xf32, #tpu.memory_space<hbm>>) target_semaphore(%run_scoped3A_162 : memref<!tpu.dma_semaphore, #tpu.memory_space<semaphore_mem>>)
      %dma_wait3A = arith.constant 0 : i32
      %dma_wait3A_179 = arith.constant 0 : i32
      %dma_wait3A_180 = tpu.memref_slice %arg9[%run_scoped3A_81, %dma_wait3A, %dma_wait3A_179] : memref<2x128x128xf32, #tpu.memory_space<vmem>> -> memref<1x128x128xf32, #tpu.memory_space<vmem>>
      %dma_wait3A_181 = tpu.memref_squeeze %dma_wait3A_180 : memref<1x128x128xf32, #tpu.memory_space<vmem>> -> memref<128x128xf32, #tpu.memory_space<vmem>>
      %dma_wait3A_182 = arith.constant 256 : i32
      %dma_wait3A_183 = arith.constant 0 : i32
      %dma_wait3A_184 = tpu.memref_slice %arg6[%arg0, %arg1, %dma_wait3A_182, %dma_wait3A_183] : memref<2x16x640x128xf32, #tpu.memory_space<hbm>> -> memref<1x1x128x128xf32, #tpu.memory_space<hbm>>
      %dma_wait3A_185 = tpu.memref_squeeze %dma_wait3A_184 : memref<1x1x128x128xf32, #tpu.memory_space<hbm>> -> memref<128x128xf32, #tpu.memory_space<hbm>>
      %dma_wait3A_186 = arith.constant 256 : i32
      %dma_wait3A_187 = arith.constant 0 : i32
      %dma_wait3A_188 = tpu.memref_slice %arg6[%arg0, %arg1, %dma_wait3A_186, %dma_wait3A_187] : memref<2x16x640x128xf32, #tpu.memory_space<hbm>> -> memref<1x1x128x128xf32, #tpu.memory_space<hbm>>
      %dma_wait3A_189 = tpu.memref_squeeze %dma_wait3A_188 : memref<1x1x128x128xf32, #tpu.memory_space<hbm>> -> memref<128x128xf32, #tpu.memory_space<hbm>>
      %dma_wait3A_190 = arith.constant 0 : i32
      %dma_wait3A_191 = arith.constant 0 : i32
      %dma_wait3A_192 = tpu.memref_slice %arg9[%run_scoped3A_81, %dma_wait3A_190, %dma_wait3A_191] : memref<2x128x128xf32, #tpu.memory_space<vmem>> -> memref<1x128x128xf32, #tpu.memory_space<vmem>>
      %dma_wait3A_193 = tpu.memref_squeeze %dma_wait3A_192 : memref<1x128x128xf32, #tpu.memory_space<vmem>> -> memref<128x128xf32, #tpu.memory_space<vmem>>
      tpu.wait_dma2 semaphore(%run_scoped3A_162 : memref<!tpu.dma_semaphore, #tpu.memory_space<semaphore_mem>>) src(%dma_wait3A_193 : memref<128x128xf32, #tpu.memory_space<vmem>>) dst(%dma_wait3A_189 : memref<128x128xf32, #tpu.memory_space<hbm>>)
      tpu.yield
    }) : () -> ()
    %mul3A_82 = arith.constant 640 : i32
    %mul3A_83 = arith.muli %arg1, %mul3A_82 : i32
    %add3A_84 = arith.constant 256 : i32
    %add3A_85 = arith.addi %mul3A_83, %add3A_84 : i32
    %run_scoped3A_86 = arith.constant 1 : i32
    "tpu.region"() ({
      %run_scoped3A_162 = tpu.sem_alloc : memref<!tpu.dma_semaphore, #tpu.memory_space<semaphore_mem>>
      %dma_start3A_163 = arith.constant 0 : i32
      %dma_start3A_164 = arith.constant 0 : i32
      %dma_start3A_165 = tpu.memref_slice %arg9[%run_scoped3A_86, %dma_start3A_163, %dma_start3A_164] : memref<2x128x128xf32, #tpu.memory_space<vmem>> -> memref<1x128x128xf32, #tpu.memory_space<vmem>>
      %dma_start3A_166 = tpu.memref_squeeze %dma_start3A_165 : memref<1x128x128xf32, #tpu.memory_space<vmem>> -> memref<128x128xf32, #tpu.memory_space<vmem>>
      %dma_start3A_167 = arith.constant 0 : i32
      %dma_start3A_168 = tpu.memref_slice %arg10[%add3A_85, %dma_start3A_167] : memref<10240x128xf32, #tpu.memory_space<vmem_shared>> -> memref<128x128xf32, #tpu.memory_space<vmem_shared>>
      %dma_start3A_169 = arith.constant 0 : i32
      %dma_start3A_170 = tpu.memref_slice %arg10[%add3A_85, %dma_start3A_169] : memref<10240x128xf32, #tpu.memory_space<vmem_shared>> -> memref<128x128xf32, #tpu.memory_space<vmem_shared>>
      %dma_start3A_171 = arith.constant 0 : i32
      %dma_start3A_172 = arith.constant 0 : i32
      %dma_start3A_173 = tpu.memref_slice %arg9[%run_scoped3A_86, %dma_start3A_171, %dma_start3A_172] : memref<2x128x128xf32, #tpu.memory_space<vmem>> -> memref<1x128x128xf32, #tpu.memory_space<vmem>>
      %dma_start3A_174 = tpu.memref_squeeze %dma_start3A_173 : memref<1x128x128xf32, #tpu.memory_space<vmem>> -> memref<128x128xf32, #tpu.memory_space<vmem>>
      tpu.enqueue_dma source(%dma_start3A_174 : memref<128x128xf32, #tpu.memory_space<vmem>>) target(%dma_start3A_170 : memref<128x128xf32, #tpu.memory_space<vmem_shared>>) target_semaphore(%run_scoped3A_162 : memref<!tpu.dma_semaphore, #tpu.memory_space<semaphore_mem>>)
      %dma_wait3A = arith.constant 0 : i32
      %dma_wait3A_175 = arith.constant 0 : i32
      %dma_wait3A_176 = tpu.memref_slice %arg9[%run_scoped3A_86, %dma_wait3A, %dma_wait3A_175] : memref<2x128x128xf32, #tpu.memory_space<vmem>> -> memref<1x128x128xf32, #tpu.memory_space<vmem>>
      %dma_wait3A_177 = tpu.memref_squeeze %dma_wait3A_176 : memref<1x128x128xf32, #tpu.memory_space<vmem>> -> memref<128x128xf32, #tpu.memory_space<vmem>>
      %dma_wait3A_178 = arith.constant 0 : i32
      %dma_wait3A_179 = tpu.memref_slice %arg10[%add3A_85, %dma_wait3A_178] : memref<10240x128xf32, #tpu.memory_space<vmem_shared>> -> memref<128x128xf32, #tpu.memory_space<vmem_shared>>
      %dma_wait3A_180 = arith.constant 0 : i32
      %dma_wait3A_181 = tpu.memref_slice %arg10[%add3A_85, %dma_wait3A_180] : memref<10240x128xf32, #tpu.memory_space<vmem_shared>> -> memref<128x128xf32, #tpu.memory_space<vmem_shared>>
      %dma_wait3A_182 = arith.constant 0 : i32
      %dma_wait3A_183 = arith.constant 0 : i32
      %dma_wait3A_184 = tpu.memref_slice %arg9[%run_scoped3A_86, %dma_wait3A_182, %dma_wait3A_183] : memref<2x128x128xf32, #tpu.memory_space<vmem>> -> memref<1x128x128xf32, #tpu.memory_space<vmem>>
      %dma_wait3A_185 = tpu.memref_squeeze %dma_wait3A_184 : memref<1x128x128xf32, #tpu.memory_space<vmem>> -> memref<128x128xf32, #tpu.memory_space<vmem>>
      tpu.wait_dma2 semaphore(%run_scoped3A_162 : memref<!tpu.dma_semaphore, #tpu.memory_space<semaphore_mem>>) src(%dma_wait3A_185 : memref<128x128xf32, #tpu.memory_space<vmem>>) dst(%dma_wait3A_181 : memref<128x128xf32, #tpu.memory_space<vmem_shared>>)
      tpu.yield
    }) : () -> ()
    %mul3A_87 = arith.constant 640 : i32
    %mul3A_88 = arith.muli %arg1, %mul3A_87 : i32
    %add3A_89 = arith.constant 384 : i32
    %add3A_90 = arith.addi %mul3A_88, %add3A_89 : i32
    %run_scoped3A_91 = arith.constant 0 : i32
    "tpu.region"() ({
      %run_scoped3A_162 = tpu.sem_alloc : memref<!tpu.dma_semaphore, #tpu.memory_space<semaphore_mem>>
      %dma_start3A_163 = arith.constant 0 : i32
      %dma_start3A_164 = arith.constant 0 : i32
      %dma_start3A_165 = tpu.memref_slice %arg9[%run_scoped3A_91, %dma_start3A_163, %dma_start3A_164] : memref<2x128x128xf32, #tpu.memory_space<vmem>> -> memref<1x128x128xf32, #tpu.memory_space<vmem>>
      %dma_start3A_166 = tpu.memref_squeeze %dma_start3A_165 : memref<1x128x128xf32, #tpu.memory_space<vmem>> -> memref<128x128xf32, #tpu.memory_space<vmem>>
      %dma_start3A_167 = arith.constant 0 : i32
      %dma_start3A_168 = tpu.memref_slice %arg10[%add3A_90, %dma_start3A_167] : memref<10240x128xf32, #tpu.memory_space<vmem_shared>> -> memref<128x128xf32, #tpu.memory_space<vmem_shared>>
      %dma_start3A_169 = arith.constant 0 : i32
      %dma_start3A_170 = arith.constant 0 : i32
      %dma_start3A_171 = tpu.memref_slice %arg9[%run_scoped3A_91, %dma_start3A_169, %dma_start3A_170] : memref<2x128x128xf32, #tpu.memory_space<vmem>> -> memref<1x128x128xf32, #tpu.memory_space<vmem>>
      %dma_start3A_172 = tpu.memref_squeeze %dma_start3A_171 : memref<1x128x128xf32, #tpu.memory_space<vmem>> -> memref<128x128xf32, #tpu.memory_space<vmem>>
      %dma_start3A_173 = arith.constant 0 : i32
      %dma_start3A_174 = tpu.memref_slice %arg10[%add3A_90, %dma_start3A_173] : memref<10240x128xf32, #tpu.memory_space<vmem_shared>> -> memref<128x128xf32, #tpu.memory_space<vmem_shared>>
      tpu.enqueue_dma source(%dma_start3A_174 : memref<128x128xf32, #tpu.memory_space<vmem_shared>>) target(%dma_start3A_172 : memref<128x128xf32, #tpu.memory_space<vmem>>) target_semaphore(%run_scoped3A_162 : memref<!tpu.dma_semaphore, #tpu.memory_space<semaphore_mem>>)
      %dma_wait3A = arith.constant 0 : i32
      %dma_wait3A_175 = arith.constant 0 : i32
      %dma_wait3A_176 = tpu.memref_slice %arg9[%run_scoped3A_91, %dma_wait3A, %dma_wait3A_175] : memref<2x128x128xf32, #tpu.memory_space<vmem>> -> memref<1x128x128xf32, #tpu.memory_space<vmem>>
      %dma_wait3A_177 = tpu.memref_squeeze %dma_wait3A_176 : memref<1x128x128xf32, #tpu.memory_space<vmem>> -> memref<128x128xf32, #tpu.memory_space<vmem>>
      %dma_wait3A_178 = arith.constant 0 : i32
      %dma_wait3A_179 = tpu.memref_slice %arg10[%add3A_90, %dma_wait3A_178] : memref<10240x128xf32, #tpu.memory_space<vmem_shared>> -> memref<128x128xf32, #tpu.memory_space<vmem_shared>>
      %dma_wait3A_180 = arith.constant 0 : i32
      %dma_wait3A_181 = arith.constant 0 : i32
      %dma_wait3A_182 = tpu.memref_slice %arg9[%run_scoped3A_91, %dma_wait3A_180, %dma_wait3A_181] : memref<2x128x128xf32, #tpu.memory_space<vmem>> -> memref<1x128x128xf32, #tpu.memory_space<vmem>>
      %dma_wait3A_183 = tpu.memref_squeeze %dma_wait3A_182 : memref<1x128x128xf32, #tpu.memory_space<vmem>> -> memref<128x128xf32, #tpu.memory_space<vmem>>
      %dma_wait3A_184 = arith.constant 0 : i32
      %dma_wait3A_185 = tpu.memref_slice %arg10[%add3A_90, %dma_wait3A_184] : memref<10240x128xf32, #tpu.memory_space<vmem_shared>> -> memref<128x128xf32, #tpu.memory_space<vmem_shared>>
      tpu.wait_dma2 semaphore(%run_scoped3A_162 : memref<!tpu.dma_semaphore, #tpu.memory_space<semaphore_mem>>) src(%dma_wait3A_185 : memref<128x128xf32, #tpu.memory_space<vmem_shared>>) dst(%dma_wait3A_183 : memref<128x128xf32, #tpu.memory_space<vmem>>)
      tpu.yield
    }) : () -> ()
    %run_scoped3A_92 = arith.constant 0 : i32
    "tpu.region"() ({
      %run_scoped3A_162 = tpu.sem_alloc : memref<!tpu.dma_semaphore, #tpu.memory_space<semaphore_mem>>
      %dma_start3A_163 = arith.constant 0 : i32
      %dma_start3A_164 = arith.constant 0 : i32
      %dma_start3A_165 = tpu.memref_slice %arg9[%run_scoped3A_92, %dma_start3A_163, %dma_start3A_164] : memref<2x128x128xf32, #tpu.memory_space<vmem>> -> memref<1x128x128xf32, #tpu.memory_space<vmem>>
      %dma_start3A_166 = tpu.memref_squeeze %dma_start3A_165 : memref<1x128x128xf32, #tpu.memory_space<vmem>> -> memref<128x128xf32, #tpu.memory_space<vmem>>
      %dma_start3A_167 = arith.constant 384 : i32
      %dma_start3A_168 = arith.constant 0 : i32
      %dma_start3A_169 = tpu.memref_slice %arg6[%arg0, %arg1, %dma_start3A_167, %dma_start3A_168] : memref<2x16x640x128xf32, #tpu.memory_space<hbm>> -> memref<1x1x128x128xf32, #tpu.memory_space<hbm>>
      %dma_start3A_170 = tpu.memref_squeeze %dma_start3A_169 : memref<1x1x128x128xf32, #tpu.memory_space<hbm>> -> memref<128x128xf32, #tpu.memory_space<hbm>>
      %dma_start3A_171 = arith.constant 384 : i32
      %dma_start3A_172 = arith.constant 0 : i32
      %dma_start3A_173 = tpu.memref_slice %arg6[%arg0, %arg1, %dma_start3A_171, %dma_start3A_172] : memref<2x16x640x128xf32, #tpu.memory_space<hbm>> -> memref<1x1x128x128xf32, #tpu.memory_space<hbm>>
      %dma_start3A_174 = tpu.memref_squeeze %dma_start3A_173 : memref<1x1x128x128xf32, #tpu.memory_space<hbm>> -> memref<128x128xf32, #tpu.memory_space<hbm>>
      %dma_start3A_175 = arith.constant 0 : i32
      %dma_start3A_176 = arith.constant 0 : i32
      %dma_start3A_177 = tpu.memref_slice %arg9[%run_scoped3A_92, %dma_start3A_175, %dma_start3A_176] : memref<2x128x128xf32, #tpu.memory_space<vmem>> -> memref<1x128x128xf32, #tpu.memory_space<vmem>>
      %dma_start3A_178 = tpu.memref_squeeze %dma_start3A_177 : memref<1x128x128xf32, #tpu.memory_space<vmem>> -> memref<128x128xf32, #tpu.memory_space<vmem>>
      tpu.enqueue_dma source(%dma_start3A_178 : memref<128x128xf32, #tpu.memory_space<vmem>>) target(%dma_start3A_174 : memref<128x128xf32, #tpu.memory_space<hbm>>) target_semaphore(%run_scoped3A_162 : memref<!tpu.dma_semaphore, #tpu.memory_space<semaphore_mem>>)
      %dma_wait3A = arith.constant 0 : i32
      %dma_wait3A_179 = arith.constant 0 : i32
      %dma_wait3A_180 = tpu.memref_slice %arg9[%run_scoped3A_92, %dma_wait3A, %dma_wait3A_179] : memref<2x128x128xf32, #tpu.memory_space<vmem>> -> memref<1x128x128xf32, #tpu.memory_space<vmem>>
      %dma_wait3A_181 = tpu.memref_squeeze %dma_wait3A_180 : memref<1x128x128xf32, #tpu.memory_space<vmem>> -> memref<128x128xf32, #tpu.memory_space<vmem>>
      %dma_wait3A_182 = arith.constant 384 : i32
      %dma_wait3A_183 = arith.constant 0 : i32
      %dma_wait3A_184 = tpu.memref_slice %arg6[%arg0, %arg1, %dma_wait3A_182, %dma_wait3A_183] : memref<2x16x640x128xf32, #tpu.memory_space<hbm>> -> memref<1x1x128x128xf32, #tpu.memory_space<hbm>>
      %dma_wait3A_185 = tpu.memref_squeeze %dma_wait3A_184 : memref<1x1x128x128xf32, #tpu.memory_space<hbm>> -> memref<128x128xf32, #tpu.memory_space<hbm>>
      %dma_wait3A_186 = arith.constant 384 : i32
      %dma_wait3A_187 = arith.constant 0 : i32
      %dma_wait3A_188 = tpu.memref_slice %arg6[%arg0, %arg1, %dma_wait3A_186, %dma_wait3A_187] : memref<2x16x640x128xf32, #tpu.memory_space<hbm>> -> memref<1x1x128x128xf32, #tpu.memory_space<hbm>>
      %dma_wait3A_189 = tpu.memref_squeeze %dma_wait3A_188 : memref<1x1x128x128xf32, #tpu.memory_space<hbm>> -> memref<128x128xf32, #tpu.memory_space<hbm>>
      %dma_wait3A_190 = arith.constant 0 : i32
      %dma_wait3A_191 = arith.constant 0 : i32
      %dma_wait3A_192 = tpu.memref_slice %arg9[%run_scoped3A_92, %dma_wait3A_190, %dma_wait3A_191] : memref<2x128x128xf32, #tpu.memory_space<vmem>> -> memref<1x128x128xf32, #tpu.memory_space<vmem>>
      %dma_wait3A_193 = tpu.memref_squeeze %dma_wait3A_192 : memref<1x128x128xf32, #tpu.memory_space<vmem>> -> memref<128x128xf32, #tpu.memory_space<vmem>>
      tpu.wait_dma2 semaphore(%run_scoped3A_162 : memref<!tpu.dma_semaphore, #tpu.memory_space<semaphore_mem>>) src(%dma_wait3A_193 : memref<128x128xf32, #tpu.memory_space<vmem>>) dst(%dma_wait3A_189 : memref<128x128xf32, #tpu.memory_space<hbm>>)
      tpu.yield
    }) : () -> ()
    %mul3A_93 = arith.constant 640 : i32
    %mul3A_94 = arith.muli %arg1, %mul3A_93 : i32
    %add3A_95 = arith.constant 384 : i32
    %add3A_96 = arith.addi %mul3A_94, %add3A_95 : i32
    %run_scoped3A_97 = arith.constant 1 : i32
    "tpu.region"() ({
      %run_scoped3A_162 = tpu.sem_alloc : memref<!tpu.dma_semaphore, #tpu.memory_space<semaphore_mem>>
      %dma_start3A_163 = arith.constant 0 : i32
      %dma_start3A_164 = arith.constant 0 : i32
      %dma_start3A_165 = tpu.memref_slice %arg9[%run_scoped3A_97, %dma_start3A_163, %dma_start3A_164] : memref<2x128x128xf32, #tpu.memory_space<vmem>> -> memref<1x128x128xf32, #tpu.memory_space<vmem>>
      %dma_start3A_166 = tpu.memref_squeeze %dma_start3A_165 : memref<1x128x128xf32, #tpu.memory_space<vmem>> -> memref<128x128xf32, #tpu.memory_space<vmem>>
      %dma_start3A_167 = arith.constant 0 : i32
      %dma_start3A_168 = tpu.memref_slice %arg10[%add3A_96, %dma_start3A_167] : memref<10240x128xf32, #tpu.memory_space<vmem_shared>> -> memref<128x128xf32, #tpu.memory_space<vmem_shared>>
      %dma_start3A_169 = arith.constant 0 : i32
      %dma_start3A_170 = tpu.memref_slice %arg10[%add3A_96, %dma_start3A_169] : memref<10240x128xf32, #tpu.memory_space<vmem_shared>> -> memref<128x128xf32, #tpu.memory_space<vmem_shared>>
      %dma_start3A_171 = arith.constant 0 : i32
      %dma_start3A_172 = arith.constant 0 : i32
      %dma_start3A_173 = tpu.memref_slice %arg9[%run_scoped3A_97, %dma_start3A_171, %dma_start3A_172] : memref<2x128x128xf32, #tpu.memory_space<vmem>> -> memref<1x128x128xf32, #tpu.memory_space<vmem>>
      %dma_start3A_174 = tpu.memref_squeeze %dma_start3A_173 : memref<1x128x128xf32, #tpu.memory_space<vmem>> -> memref<128x128xf32, #tpu.memory_space<vmem>>
      tpu.enqueue_dma source(%dma_start3A_174 : memref<128x128xf32, #tpu.memory_space<vmem>>) target(%dma_start3A_170 : memref<128x128xf32, #tpu.memory_space<vmem_shared>>) target_semaphore(%run_scoped3A_162 : memref<!tpu.dma_semaphore, #tpu.memory_space<semaphore_mem>>)
      %dma_wait3A = arith.constant 0 : i32
      %dma_wait3A_175 = arith.constant 0 : i32
      %dma_wait3A_176 = tpu.memref_slice %arg9[%run_scoped3A_97, %dma_wait3A, %dma_wait3A_175] : memref<2x128x128xf32, #tpu.memory_space<vmem>> -> memref<1x128x128xf32, #tpu.memory_space<vmem>>
      %dma_wait3A_177 = tpu.memref_squeeze %dma_wait3A_176 : memref<1x128x128xf32, #tpu.memory_space<vmem>> -> memref<128x128xf32, #tpu.memory_space<vmem>>
      %dma_wait3A_178 = arith.constant 0 : i32
      %dma_wait3A_179 = tpu.memref_slice %arg10[%add3A_96, %dma_wait3A_178] : memref<10240x128xf32, #tpu.memory_space<vmem_shared>> -> memref<128x128xf32, #tpu.memory_space<vmem_shared>>
      %dma_wait3A_180 = arith.constant 0 : i32
      %dma_wait3A_181 = tpu.memref_slice %arg10[%add3A_96, %dma_wait3A_180] : memref<10240x128xf32, #tpu.memory_space<vmem_shared>> -> memref<128x128xf32, #tpu.memory_space<vmem_shared>>
      %dma_wait3A_182 = arith.constant 0 : i32
      %dma_wait3A_183 = arith.constant 0 : i32
      %dma_wait3A_184 = tpu.memref_slice %arg9[%run_scoped3A_97, %dma_wait3A_182, %dma_wait3A_183] : memref<2x128x128xf32, #tpu.memory_space<vmem>> -> memref<1x128x128xf32, #tpu.memory_space<vmem>>
      %dma_wait3A_185 = tpu.memref_squeeze %dma_wait3A_184 : memref<1x128x128xf32, #tpu.memory_space<vmem>> -> memref<128x128xf32, #tpu.memory_space<vmem>>
      tpu.wait_dma2 semaphore(%run_scoped3A_162 : memref<!tpu.dma_semaphore, #tpu.memory_space<semaphore_mem>>) src(%dma_wait3A_185 : memref<128x128xf32, #tpu.memory_space<vmem>>) dst(%dma_wait3A_181 : memref<128x128xf32, #tpu.memory_space<vmem_shared>>)
      tpu.yield
    }) : () -> ()
    %mul3A_98 = arith.constant 640 : i32
    %mul3A_99 = arith.muli %arg1, %mul3A_98 : i32
    %add3A_100 = arith.constant 512 : i32
    %add3A_101 = arith.addi %mul3A_99, %add3A_100 : i32
    %run_scoped3A_102 = arith.constant 0 : i32
    "tpu.region"() ({
      %run_scoped3A_162 = tpu.sem_alloc : memref<!tpu.dma_semaphore, #tpu.memory_space<semaphore_mem>>
      %dma_start3A_163 = arith.constant 0 : i32
      %dma_start3A_164 = arith.constant 0 : i32
      %dma_start3A_165 = tpu.memref_slice %arg9[%run_scoped3A_102, %dma_start3A_163, %dma_start3A_164] : memref<2x128x128xf32, #tpu.memory_space<vmem>> -> memref<1x128x128xf32, #tpu.memory_space<vmem>>
      %dma_start3A_166 = tpu.memref_squeeze %dma_start3A_165 : memref<1x128x128xf32, #tpu.memory_space<vmem>> -> memref<128x128xf32, #tpu.memory_space<vmem>>
      %dma_start3A_167 = arith.constant 0 : i32
      %dma_start3A_168 = tpu.memref_slice %arg10[%add3A_101, %dma_start3A_167] : memref<10240x128xf32, #tpu.memory_space<vmem_shared>> -> memref<128x128xf32, #tpu.memory_space<vmem_shared>>
      %dma_start3A_169 = arith.constant 0 : i32
      %dma_start3A_170 = arith.constant 0 : i32
      %dma_start3A_171 = tpu.memref_slice %arg9[%run_scoped3A_102, %dma_start3A_169, %dma_start3A_170] : memref<2x128x128xf32, #tpu.memory_space<vmem>> -> memref<1x128x128xf32, #tpu.memory_space<vmem>>
      %dma_start3A_172 = tpu.memref_squeeze %dma_start3A_171 : memref<1x128x128xf32, #tpu.memory_space<vmem>> -> memref<128x128xf32, #tpu.memory_space<vmem>>
      %dma_start3A_173 = arith.constant 0 : i32
      %dma_start3A_174 = tpu.memref_slice %arg10[%add3A_101, %dma_start3A_173] : memref<10240x128xf32, #tpu.memory_space<vmem_shared>> -> memref<128x128xf32, #tpu.memory_space<vmem_shared>>
      tpu.enqueue_dma source(%dma_start3A_174 : memref<128x128xf32, #tpu.memory_space<vmem_shared>>) target(%dma_start3A_172 : memref<128x128xf32, #tpu.memory_space<vmem>>) target_semaphore(%run_scoped3A_162 : memref<!tpu.dma_semaphore, #tpu.memory_space<semaphore_mem>>)
      %dma_wait3A = arith.constant 0 : i32
      %dma_wait3A_175 = arith.constant 0 : i32
      %dma_wait3A_176 = tpu.memref_slice %arg9[%run_scoped3A_102, %dma_wait3A, %dma_wait3A_175] : memref<2x128x128xf32, #tpu.memory_space<vmem>> -> memref<1x128x128xf32, #tpu.memory_space<vmem>>
      %dma_wait3A_177 = tpu.memref_squeeze %dma_wait3A_176 : memref<1x128x128xf32, #tpu.memory_space<vmem>> -> memref<128x128xf32, #tpu.memory_space<vmem>>
      %dma_wait3A_178 = arith.constant 0 : i32
      %dma_wait3A_179 = tpu.memref_slice %arg10[%add3A_101, %dma_wait3A_178] : memref<10240x128xf32, #tpu.memory_space<vmem_shared>> -> memref<128x128xf32, #tpu.memory_space<vmem_shared>>
      %dma_wait3A_180 = arith.constant 0 : i32
      %dma_wait3A_181 = arith.constant 0 : i32
      %dma_wait3A_182 = tpu.memref_slice %arg9[%run_scoped3A_102, %dma_wait3A_180, %dma_wait3A_181] : memref<2x128x128xf32, #tpu.memory_space<vmem>> -> memref<1x128x128xf32, #tpu.memory_space<vmem>>
      %dma_wait3A_183 = tpu.memref_squeeze %dma_wait3A_182 : memref<1x128x128xf32, #tpu.memory_space<vmem>> -> memref<128x128xf32, #tpu.memory_space<vmem>>
      %dma_wait3A_184 = arith.constant 0 : i32
      %dma_wait3A_185 = tpu.memref_slice %arg10[%add3A_101, %dma_wait3A_184] : memref<10240x128xf32, #tpu.memory_space<vmem_shared>> -> memref<128x128xf32, #tpu.memory_space<vmem_shared>>
      tpu.wait_dma2 semaphore(%run_scoped3A_162 : memref<!tpu.dma_semaphore, #tpu.memory_space<semaphore_mem>>) src(%dma_wait3A_185 : memref<128x128xf32, #tpu.memory_space<vmem_shared>>) dst(%dma_wait3A_183 : memref<128x128xf32, #tpu.memory_space<vmem>>)
      tpu.yield
    }) : () -> ()
    %run_scoped3A_103 = arith.constant 0 : i32
    "tpu.region"() ({
      %run_scoped3A_162 = tpu.sem_alloc : memref<!tpu.dma_semaphore, #tpu.memory_space<semaphore_mem>>
      %dma_start3A_163 = arith.constant 0 : i32
      %dma_start3A_164 = arith.constant 0 : i32
      %dma_start3A_165 = tpu.memref_slice %arg9[%run_scoped3A_103, %dma_start3A_163, %dma_start3A_164] : memref<2x128x128xf32, #tpu.memory_space<vmem>> -> memref<1x128x128xf32, #tpu.memory_space<vmem>>
      %dma_start3A_166 = tpu.memref_squeeze %dma_start3A_165 : memref<1x128x128xf32, #tpu.memory_space<vmem>> -> memref<128x128xf32, #tpu.memory_space<vmem>>
      %dma_start3A_167 = arith.constant 512 : i32
      %dma_start3A_168 = arith.constant 0 : i32
      %dma_start3A_169 = tpu.memref_slice %arg6[%arg0, %arg1, %dma_start3A_167, %dma_start3A_168] : memref<2x16x640x128xf32, #tpu.memory_space<hbm>> -> memref<1x1x128x128xf32, #tpu.memory_space<hbm>>
      %dma_start3A_170 = tpu.memref_squeeze %dma_start3A_169 : memref<1x1x128x128xf32, #tpu.memory_space<hbm>> -> memref<128x128xf32, #tpu.memory_space<hbm>>
      %dma_start3A_171 = arith.constant 512 : i32
      %dma_start3A_172 = arith.constant 0 : i32
      %dma_start3A_173 = tpu.memref_slice %arg6[%arg0, %arg1, %dma_start3A_171, %dma_start3A_172] : memref<2x16x640x128xf32, #tpu.memory_space<hbm>> -> memref<1x1x128x128xf32, #tpu.memory_space<hbm>>
      %dma_start3A_174 = tpu.memref_squeeze %dma_start3A_173 : memref<1x1x128x128xf32, #tpu.memory_space<hbm>> -> memref<128x128xf32, #tpu.memory_space<hbm>>
      %dma_start3A_175 = arith.constant 0 : i32
      %dma_start3A_176 = arith.constant 0 : i32
      %dma_start3A_177 = tpu.memref_slice %arg9[%run_scoped3A_103, %dma_start3A_175, %dma_start3A_176] : memref<2x128x128xf32, #tpu.memory_space<vmem>> -> memref<1x128x128xf32, #tpu.memory_space<vmem>>
      %dma_start3A_178 = tpu.memref_squeeze %dma_start3A_177 : memref<1x128x128xf32, #tpu.memory_space<vmem>> -> memref<128x128xf32, #tpu.memory_space<vmem>>
      tpu.enqueue_dma source(%dma_start3A_178 : memref<128x128xf32, #tpu.memory_space<vmem>>) target(%dma_start3A_174 : memref<128x128xf32, #tpu.memory_space<hbm>>) target_semaphore(%run_scoped3A_162 : memref<!tpu.dma_semaphore, #tpu.memory_space<semaphore_mem>>)
      %dma_wait3A = arith.constant 0 : i32
      %dma_wait3A_179 = arith.constant 0 : i32
      %dma_wait3A_180 = tpu.memref_slice %arg9[%run_scoped3A_103, %dma_wait3A, %dma_wait3A_179] : memref<2x128x128xf32, #tpu.memory_space<vmem>> -> memref<1x128x128xf32, #tpu.memory_space<vmem>>
      %dma_wait3A_181 = tpu.memref_squeeze %dma_wait3A_180 : memref<1x128x128xf32, #tpu.memory_space<vmem>> -> memref<128x128xf32, #tpu.memory_space<vmem>>
      %dma_wait3A_182 = arith.constant 512 : i32
      %dma_wait3A_183 = arith.constant 0 : i32
      %dma_wait3A_184 = tpu.memref_slice %arg6[%arg0, %arg1, %dma_wait3A_182, %dma_wait3A_183] : memref<2x16x640x128xf32, #tpu.memory_space<hbm>> -> memref<1x1x128x128xf32, #tpu.memory_space<hbm>>
      %dma_wait3A_185 = tpu.memref_squeeze %dma_wait3A_184 : memref<1x1x128x128xf32, #tpu.memory_space<hbm>> -> memref<128x128xf32, #tpu.memory_space<hbm>>
      %dma_wait3A_186 = arith.constant 512 : i32
      %dma_wait3A_187 = arith.constant 0 : i32
      %dma_wait3A_188 = tpu.memref_slice %arg6[%arg0, %arg1, %dma_wait3A_186, %dma_wait3A_187] : memref<2x16x640x128xf32, #tpu.memory_space<hbm>> -> memref<1x1x128x128xf32, #tpu.memory_space<hbm>>
      %dma_wait3A_189 = tpu.memref_squeeze %dma_wait3A_188 : memref<1x1x128x128xf32, #tpu.memory_space<hbm>> -> memref<128x128xf32, #tpu.memory_space<hbm>>
      %dma_wait3A_190 = arith.constant 0 : i32
      %dma_wait3A_191 = arith.constant 0 : i32
      %dma_wait3A_192 = tpu.memref_slice %arg9[%run_scoped3A_103, %dma_wait3A_190, %dma_wait3A_191] : memref<2x128x128xf32, #tpu.memory_space<vmem>> -> memref<1x128x128xf32, #tpu.memory_space<vmem>>
      %dma_wait3A_193 = tpu.memref_squeeze %dma_wait3A_192 : memref<1x128x128xf32, #tpu.memory_space<vmem>> -> memref<128x128xf32, #tpu.memory_space<vmem>>
      tpu.wait_dma2 semaphore(%run_scoped3A_162 : memref<!tpu.dma_semaphore, #tpu.memory_space<semaphore_mem>>) src(%dma_wait3A_193 : memref<128x128xf32, #tpu.memory_space<vmem>>) dst(%dma_wait3A_189 : memref<128x128xf32, #tpu.memory_space<hbm>>)
      tpu.yield
    }) : () -> ()
    %mul3A_104 = arith.constant 640 : i32
    %mul3A_105 = arith.muli %arg1, %mul3A_104 : i32
    %add3A_106 = arith.constant 512 : i32
    %add3A_107 = arith.addi %mul3A_105, %add3A_106 : i32
    %run_scoped3A_108 = arith.constant 1 : i32
    "tpu.region"() ({
      %run_scoped3A_162 = tpu.sem_alloc : memref<!tpu.dma_semaphore, #tpu.memory_space<semaphore_mem>>
      %dma_start3A_163 = arith.constant 0 : i32
      %dma_start3A_164 = arith.constant 0 : i32
      %dma_start3A_165 = tpu.memref_slice %arg9[%run_scoped3A_108, %dma_start3A_163, %dma_start3A_164] : memref<2x128x128xf32, #tpu.memory_space<vmem>> -> memref<1x128x128xf32, #tpu.memory_space<vmem>>
      %dma_start3A_166 = tpu.memref_squeeze %dma_start3A_165 : memref<1x128x128xf32, #tpu.memory_space<vmem>> -> memref<128x128xf32, #tpu.memory_space<vmem>>
      %dma_start3A_167 = arith.constant 0 : i32
      %dma_start3A_168 = tpu.memref_slice %arg10[%add3A_107, %dma_start3A_167] : memref<10240x128xf32, #tpu.memory_space<vmem_shared>> -> memref<128x128xf32, #tpu.memory_space<vmem_shared>>
      %dma_start3A_169 = arith.constant 0 : i32
      %dma_start3A_170 = tpu.memref_slice %arg10[%add3A_107, %dma_start3A_169] : memref<10240x128xf32, #tpu.memory_space<vmem_shared>> -> memref<128x128xf32, #tpu.memory_space<vmem_shared>>
      %dma_start3A_171 = arith.constant 0 : i32
      %dma_start3A_172 = arith.constant 0 : i32
      %dma_start3A_173 = tpu.memref_slice %arg9[%run_scoped3A_108, %dma_start3A_171, %dma_start3A_172] : memref<2x128x128xf32, #tpu.memory_space<vmem>> -> memref<1x128x128xf32, #tpu.memory_space<vmem>>
      %dma_start3A_174 = tpu.memref_squeeze %dma_start3A_173 : memref<1x128x128xf32, #tpu.memory_space<vmem>> -> memref<128x128xf32, #tpu.memory_space<vmem>>
      tpu.enqueue_dma source(%dma_start3A_174 : memref<128x128xf32, #tpu.memory_space<vmem>>) target(%dma_start3A_170 : memref<128x128xf32, #tpu.memory_space<vmem_shared>>) target_semaphore(%run_scoped3A_162 : memref<!tpu.dma_semaphore, #tpu.memory_space<semaphore_mem>>)
      %dma_wait3A = arith.constant 0 : i32
      %dma_wait3A_175 = arith.constant 0 : i32
      %dma_wait3A_176 = tpu.memref_slice %arg9[%run_scoped3A_108, %dma_wait3A, %dma_wait3A_175] : memref<2x128x128xf32, #tpu.memory_space<vmem>> -> memref<1x128x128xf32, #tpu.memory_space<vmem>>
      %dma_wait3A_177 = tpu.memref_squeeze %dma_wait3A_176 : memref<1x128x128xf32, #tpu.memory_space<vmem>> -> memref<128x128xf32, #tpu.memory_space<vmem>>
      %dma_wait3A_178 = arith.constant 0 : i32
      %dma_wait3A_179 = tpu.memref_slice %arg10[%add3A_107, %dma_wait3A_178] : memref<10240x128xf32, #tpu.memory_space<vmem_shared>> -> memref<128x128xf32, #tpu.memory_space<vmem_shared>>
      %dma_wait3A_180 = arith.constant 0 : i32
      %dma_wait3A_181 = tpu.memref_slice %arg10[%add3A_107, %dma_wait3A_180] : memref<10240x128xf32, #tpu.memory_space<vmem_shared>> -> memref<128x128xf32, #tpu.memory_space<vmem_shared>>
      %dma_wait3A_182 = arith.constant 0 : i32
      %dma_wait3A_183 = arith.constant 0 : i32
      %dma_wait3A_184 = tpu.memref_slice %arg9[%run_scoped3A_108, %dma_wait3A_182, %dma_wait3A_183] : memref<2x128x128xf32, #tpu.memory_space<vmem>> -> memref<1x128x128xf32, #tpu.memory_space<vmem>>
      %dma_wait3A_185 = tpu.memref_squeeze %dma_wait3A_184 : memref<1x128x128xf32, #tpu.memory_space<vmem>> -> memref<128x128xf32, #tpu.memory_space<vmem>>
      tpu.wait_dma2 semaphore(%run_scoped3A_162 : memref<!tpu.dma_semaphore, #tpu.memory_space<semaphore_mem>>) src(%dma_wait3A_185 : memref<128x128xf32, #tpu.memory_space<vmem>>) dst(%dma_wait3A_181 : memref<128x128xf32, #tpu.memory_space<vmem_shared>>)
      tpu.yield
    }) : () -> ()
    %barrier3A_109 = arith.constant 0 : index
    tpu.barrier barrier_id(%barrier3A_109)
    %run_scoped3A_110 = arith.constant 0 : i32
    "tpu.region"() ({
      %run_scoped3A_162 = tpu.sem_alloc : memref<!tpu.dma_semaphore, #tpu.memory_space<semaphore_mem>>
      %dma_start3A_163 = arith.constant 0 : i32
      %dma_start3A_164 = arith.constant 0 : i32
      %dma_start3A_165 = tpu.memref_slice %arg9[%run_scoped3A_110, %dma_start3A_163, %dma_start3A_164] : memref<2x128x128xf32, #tpu.memory_space<vmem>> -> memref<1x128x128xf32, #tpu.memory_space<vmem>>
      %dma_start3A_166 = tpu.memref_squeeze %dma_start3A_165 : memref<1x128x128xf32, #tpu.memory_space<vmem>> -> memref<128x128xf32, #tpu.memory_space<vmem>>
      %dma_start3A_167 = arith.constant 0 : i32
      %dma_start3A_168 = arith.constant 0 : i32
      %dma_start3A_169 = tpu.memref_slice %arg9[%run_scoped3A_110, %dma_start3A_167, %dma_start3A_168] : memref<2x128x128xf32, #tpu.memory_space<vmem>> -> memref<1x128x128xf32, #tpu.memory_space<vmem>>
      %dma_start3A_170 = tpu.memref_squeeze %dma_start3A_169 : memref<1x128x128xf32, #tpu.memory_space<vmem>> -> memref<128x128xf32, #tpu.memory_space<vmem>>
      tpu.enqueue_dma source(%arg5 : memref<128x128xf32, #tpu.memory_space<hbm>>) target(%dma_start3A_170 : memref<128x128xf32, #tpu.memory_space<vmem>>) target_semaphore(%run_scoped3A_162 : memref<!tpu.dma_semaphore, #tpu.memory_space<semaphore_mem>>)
      %dma_wait3A = arith.constant 0 : i32
      %dma_wait3A_171 = arith.constant 0 : i32
      %dma_wait3A_172 = tpu.memref_slice %arg9[%run_scoped3A_110, %dma_wait3A, %dma_wait3A_171] : memref<2x128x128xf32, #tpu.memory_space<vmem>> -> memref<1x128x128xf32, #tpu.memory_space<vmem>>
      %dma_wait3A_173 = tpu.memref_squeeze %dma_wait3A_172 : memref<1x128x128xf32, #tpu.memory_space<vmem>> -> memref<128x128xf32, #tpu.memory_space<vmem>>
      %dma_wait3A_174 = arith.constant 0 : i32
      %dma_wait3A_175 = arith.constant 0 : i32
      %dma_wait3A_176 = tpu.memref_slice %arg9[%run_scoped3A_110, %dma_wait3A_174, %dma_wait3A_175] : memref<2x128x128xf32, #tpu.memory_space<vmem>> -> memref<1x128x128xf32, #tpu.memory_space<vmem>>
      %dma_wait3A_177 = tpu.memref_squeeze %dma_wait3A_176 : memref<1x128x128xf32, #tpu.memory_space<vmem>> -> memref<128x128xf32, #tpu.memory_space<vmem>>
      tpu.wait_dma2 semaphore(%run_scoped3A_162 : memref<!tpu.dma_semaphore, #tpu.memory_space<semaphore_mem>>) src(%arg5 : memref<128x128xf32, #tpu.memory_space<hbm>>) dst(%dma_wait3A_177 : memref<128x128xf32, #tpu.memory_space<vmem>>)
      tpu.yield
    }) : () -> ()
    %run_scoped3A_111 = arith.constant 0 : i32
    "tpu.region"() ({
      %run_scoped3A_162 = tpu.sem_alloc : memref<!tpu.dma_semaphore, #tpu.memory_space<semaphore_mem>>
      %dma_start3A_163 = arith.constant 0 : i32
      %dma_start3A_164 = arith.constant 0 : i32
      %dma_start3A_165 = tpu.memref_slice %arg8[%run_scoped3A_111, %dma_start3A_163, %dma_start3A_164] : memref<2x2x128xi32, #tpu.memory_space<vmem>> -> memref<1x2x128xi32, #tpu.memory_space<vmem>>
      %dma_start3A_166 = tpu.memref_squeeze %dma_start3A_165 : memref<1x2x128xi32, #tpu.memory_space<vmem>> -> memref<2x128xi32, #tpu.memory_space<vmem>>
      %dma_start3A_167 = arith.constant 0 : i32
      %dma_start3A_168 = arith.constant 0 : i32
      %dma_start3A_169 = tpu.memref_slice %arg2[%add3A, %dma_start3A_167, %dma_start3A_168] : memref<2500x2x128xi32, #tpu.memory_space<hbm>> -> memref<1x2x128xi32, #tpu.memory_space<hbm>>
      %dma_start3A_170 = tpu.memref_squeeze %dma_start3A_169 : memref<1x2x128xi32, #tpu.memory_space<hbm>> -> memref<2x128xi32, #tpu.memory_space<hbm>>
      %dma_start3A_171 = arith.constant 0 : i32
      %dma_start3A_172 = arith.constant 0 : i32
      %dma_start3A_173 = tpu.memref_slice %arg8[%run_scoped3A_111, %dma_start3A_171, %dma_start3A_172] : memref<2x2x128xi32, #tpu.memory_space<vmem>> -> memref<1x2x128xi32, #tpu.memory_space<vmem>>
      %dma_start3A_174 = tpu.memref_squeeze %dma_start3A_173 : memref<1x2x128xi32, #tpu.memory_space<vmem>> -> memref<2x128xi32, #tpu.memory_space<vmem>>
      %dma_start3A_175 = arith.constant 0 : i32
      %dma_start3A_176 = arith.constant 0 : i32
      %dma_start3A_177 = tpu.memref_slice %arg2[%add3A, %dma_start3A_175, %dma_start3A_176] : memref<2500x2x128xi32, #tpu.memory_space<hbm>> -> memref<1x2x128xi32, #tpu.memory_space<hbm>>
      %dma_start3A_178 = tpu.memref_squeeze %dma_start3A_177 : memref<1x2x128xi32, #tpu.memory_space<hbm>> -> memref<2x128xi32, #tpu.memory_space<hbm>>
      tpu.enqueue_dma source(%dma_start3A_178 : memref<2x128xi32, #tpu.memory_space<hbm>>) target(%dma_start3A_174 : memref<2x128xi32, #tpu.memory_space<vmem>>) target_semaphore(%run_scoped3A_162 : memref<!tpu.dma_semaphore, #tpu.memory_space<semaphore_mem>>)
      %dma_wait3A = arith.constant 0 : i32
      %dma_wait3A_179 = arith.constant 0 : i32
      %dma_wait3A_180 = tpu.memref_slice %arg8[%run_scoped3A_111, %dma_wait3A, %dma_wait3A_179] : memref<2x2x128xi32, #tpu.memory_space<vmem>> -> memref<1x2x128xi32, #tpu.memory_space<vmem>>
      %dma_wait3A_181 = tpu.memref_squeeze %dma_wait3A_180 : memref<1x2x128xi32, #tpu.memory_space<vmem>> -> memref<2x128xi32, #tpu.memory_space<vmem>>
      %dma_wait3A_182 = arith.constant 0 : i32
      %dma_wait3A_183 = arith.constant 0 : i32
      %dma_wait3A_184 = tpu.memref_slice %arg2[%add3A, %dma_wait3A_182, %dma_wait3A_183] : memref<2500x2x128xi32, #tpu.memory_space<hbm>> -> memref<1x2x128xi32, #tpu.memory_space<hbm>>
      %dma_wait3A_185 = tpu.memref_squeeze %dma_wait3A_184 : memref<1x2x128xi32, #tpu.memory_space<hbm>> -> memref<2x128xi32, #tpu.memory_space<hbm>>
      %dma_wait3A_186 = arith.constant 0 : i32
      %dma_wait3A_187 = arith.constant 0 : i32
      %dma_wait3A_188 = tpu.memref_slice %arg8[%run_scoped3A_111, %dma_wait3A_186, %dma_wait3A_187] : memref<2x2x128xi32, #tpu.memory_space<vmem>> -> memref<1x2x128xi32, #tpu.memory_space<vmem>>
      %dma_wait3A_189 = tpu.memref_squeeze %dma_wait3A_188 : memref<1x2x128xi32, #tpu.memory_space<vmem>> -> memref<2x128xi32, #tpu.memory_space<vmem>>
      %dma_wait3A_190 = arith.constant 0 : i32
      %dma_wait3A_191 = arith.constant 0 : i32
      %dma_wait3A_192 = tpu.memref_slice %arg2[%add3A, %dma_wait3A_190, %dma_wait3A_191] : memref<2500x2x128xi32, #tpu.memory_space<hbm>> -> memref<1x2x128xi32, #tpu.memory_space<hbm>>
      %dma_wait3A_193 = tpu.memref_squeeze %dma_wait3A_192 : memref<1x2x128xi32, #tpu.memory_space<hbm>> -> memref<2x128xi32, #tpu.memory_space<hbm>>
      tpu.wait_dma2 semaphore(%run_scoped3A_162 : memref<!tpu.dma_semaphore, #tpu.memory_space<semaphore_mem>>) src(%dma_wait3A_193 : memref<2x128xi32, #tpu.memory_space<hbm>>) dst(%dma_wait3A_189 : memref<2x128xi32, #tpu.memory_space<vmem>>)
      tpu.yield
    }) : () -> ()
    %while3A_112 = arith.constant 0 : i32
    %while3A_113 = arith.constant 0 : i32
    %while3A_114 = arith.subi %select_n3A, %while3A_113 : i32
    %while3A_115 = arith.addi %while3A_113, %while3A_114 : i32
    %while3A_116 = arith.constant 1 : i32
    %while3A_117 = arith.divsi %while3A_114, %while3A_116 : i32
    %while3A_118 = arith.muli %while3A_117, %while3A_116 : i32
    %while3A_119 = arith.addi %while3A_113, %while3A_118 : i32
    %while3A_120 = arith.constant 1 : i32
    scf.for %while3A_162 = %while3A_113 to %while3A_119 step %while3A_120  : i32 {
      %and3A_163 = arith.constant 1 : i32
      %and3A_164 = arith.andi %while3A_162, %and3A_163 : i32
      %ge3A = arith.constant 1 : i32
      %ge3A_165 = arith.cmpi sge, %while3A_162, %ge3A : i32
      %convert_element_type3A_166 = arith.extui %ge3A_165 : i1 to i32
      %cond3A_167 = arith.constant 0 : i32
      %cond3A_168 = arith.cmpi ne, %convert_element_type3A_166, %cond3A_167 : i32
      scf.if %cond3A_168 {
        %sub3A_185 = arith.constant 1 : i32
        %sub3A_186 = arith.subi %sub3A_185, %and3A_164 : i32
        %eq3A_187 = arith.constant 0 : i32
        %eq3A_188 = arith.cmpi eq, %sub3A_186, %eq3A_187 : i32
        %convert_element_type3A_189 = arith.extui %eq3A_188 : i1 to i32
        %cond3A_190 = arith.constant 0 : i32
        %cond3A_191 = arith.cmpi ne, %convert_element_type3A_189, %cond3A_190 : i32
        scf.if %cond3A_191 {
          %dma_wait3A = arith.constant 0 : i32
          %dma_wait3A_197 = arith.constant 0 : i32
          %dma_wait3A_198 = arith.constant 1 : i32
          %dma_wait3A_199 = arith.constant 0 : i32
          %dma_wait3A_200 = arith.constant 0 : i32
          %dma_wait3A_201 = tpu.memref_slice %arg9[%dma_wait3A, %dma_wait3A_199, %dma_wait3A_200] : memref<2x128x128xf32, #tpu.memory_space<vmem>> -> memref<1x128x128xf32, #tpu.memory_space<vmem>>
          %dma_wait3A_202 = tpu.memref_squeeze %dma_wait3A_201 : memref<1x128x128xf32, #tpu.memory_space<vmem>> -> memref<128x128xf32, #tpu.memory_space<vmem>>
          %dma_wait3A_203 = arith.constant 0 : i32
          %dma_wait3A_204 = tpu.memref_slice %arg8[%dma_wait3A_197, %dma_wait3A_198, %dma_wait3A_203] : memref<2x2x128xi32, #tpu.memory_space<vmem>> -> memref<1x1x128xi32, #tpu.memory_space<vmem>>
          %dma_wait3A_205 = tpu.memref_squeeze %dma_wait3A_204 : memref<1x1x128xi32, #tpu.memory_space<vmem>> -> memref<128xi32, #tpu.memory_space<vmem>>
          %dma_wait3A_206 = arith.constant 0 : i32
          %dma_wait3A_207 = arith.constant 0 : i32
          %dma_wait3A_208 = tpu.memref_slice %arg10[%dma_wait3A_206, %dma_wait3A_207] : memref<10240x128xf32, #tpu.memory_space<vmem_shared>> -> memref<10240x128xf32, #tpu.memory_space<vmem_shared>>
          tpu.wait_indirect_dma semaphore(%arg13 : memref<!tpu.dma_semaphore, #tpu.memory_space<semaphore_mem>>) src(%dma_wait3A_202 : memref<128x128xf32, #tpu.memory_space<vmem>>) dst(%dma_wait3A_208 : memref<10240x128xf32, #tpu.memory_space<vmem_shared>>)
        } else {
        }
        %eq3A_192 = arith.constant 1 : i32
        %eq3A_193 = arith.cmpi eq, %sub3A_186, %eq3A_192 : i32
        %convert_element_type3A_194 = arith.extui %eq3A_193 : i1 to i32
        %cond3A_195 = arith.constant 0 : i32
        %cond3A_196 = arith.cmpi ne, %convert_element_type3A_194, %cond3A_195 : i32
        scf.if %cond3A_196 {
          %dma_wait3A = arith.constant 0 : i32
          %dma_wait3A_197 = arith.constant 1 : i32
          %dma_wait3A_198 = arith.constant 1 : i32
          %dma_wait3A_199 = arith.constant 0 : i32
          %dma_wait3A_200 = arith.constant 0 : i32
          %dma_wait3A_201 = tpu.memref_slice %arg9[%dma_wait3A, %dma_wait3A_199, %dma_wait3A_200] : memref<2x128x128xf32, #tpu.memory_space<vmem>> -> memref<1x128x128xf32, #tpu.memory_space<vmem>>
          %dma_wait3A_202 = tpu.memref_squeeze %dma_wait3A_201 : memref<1x128x128xf32, #tpu.memory_space<vmem>> -> memref<128x128xf32, #tpu.memory_space<vmem>>
          %dma_wait3A_203 = arith.constant 0 : i32
          %dma_wait3A_204 = tpu.memref_slice %arg8[%dma_wait3A_197, %dma_wait3A_198, %dma_wait3A_203] : memref<2x2x128xi32, #tpu.memory_space<vmem>> -> memref<1x1x128xi32, #tpu.memory_space<vmem>>
          %dma_wait3A_205 = tpu.memref_squeeze %dma_wait3A_204 : memref<1x1x128xi32, #tpu.memory_space<vmem>> -> memref<128xi32, #tpu.memory_space<vmem>>
          %dma_wait3A_206 = arith.constant 0 : i32
          %dma_wait3A_207 = arith.constant 0 : i32
          %dma_wait3A_208 = tpu.memref_slice %arg10[%dma_wait3A_206, %dma_wait3A_207] : memref<10240x128xf32, #tpu.memory_space<vmem_shared>> -> memref<10240x128xf32, #tpu.memory_space<vmem_shared>>
          tpu.wait_indirect_dma semaphore(%arg14 : memref<!tpu.dma_semaphore, #tpu.memory_space<semaphore_mem>>) src(%dma_wait3A_202 : memref<128x128xf32, #tpu.memory_space<vmem>>) dst(%dma_wait3A_208 : memref<10240x128xf32, #tpu.memory_space<vmem_shared>>)
        } else {
        }
      } else {
      }
      %add3A_169 = arith.constant 1 : i32
      %add3A_170 = arith.addi %while3A_162, %add3A_169 : i32
      %lt3A_171 = arith.cmpi slt, %add3A_170, %select_n3A : i32
      %convert_element_type3A_172 = arith.extui %lt3A_171 : i1 to i32
      %cond3A_173 = arith.constant 0 : i32
      %cond3A_174 = arith.cmpi ne, %convert_element_type3A_172, %cond3A_173 : i32
      scf.if %cond3A_174 {
        %add3A_185 = arith.constant 1 : i32
        %add3A_186 = arith.addi %while3A_162, %add3A_185 : i32
        %mul3A_187 = arith.constant 32 : i32
        %mul3A_188 = arith.muli %add3A_186, %mul3A_187 : i32
        %add3A_189 = arith.addi %add3A, %mul3A_188 : i32
        %sub3A_190 = arith.constant 1 : i32
        %sub3A_191 = arith.subi %sub3A_190, %and3A_164 : i32
        "tpu.region"() ({
          %run_scoped3A_192 = tpu.sem_alloc : memref<!tpu.dma_semaphore, #tpu.memory_space<semaphore_mem>>
          %dma_start3A_193 = arith.constant 0 : i32
          %dma_start3A_194 = arith.constant 0 : i32
          %dma_start3A_195 = tpu.memref_slice %arg8[%sub3A_191, %dma_start3A_193, %dma_start3A_194] : memref<2x2x128xi32, #tpu.memory_space<vmem>> -> memref<1x2x128xi32, #tpu.memory_space<vmem>>
          %dma_start3A_196 = tpu.memref_squeeze %dma_start3A_195 : memref<1x2x128xi32, #tpu.memory_space<vmem>> -> memref<2x128xi32, #tpu.memory_space<vmem>>
          %dma_start3A_197 = arith.constant 0 : i32
          %dma_start3A_198 = arith.constant 0 : i32
          %dma_start3A_199 = tpu.memref_slice %arg2[%add3A_189, %dma_start3A_197, %dma_start3A_198] : memref<2500x2x128xi32, #tpu.memory_space<hbm>> -> memref<1x2x128xi32, #tpu.memory_space<hbm>>
          %dma_start3A_200 = tpu.memref_squeeze %dma_start3A_199 : memref<1x2x128xi32, #tpu.memory_space<hbm>> -> memref<2x128xi32, #tpu.memory_space<hbm>>
          %dma_start3A_201 = arith.constant 0 : i32
          %dma_start3A_202 = arith.constant 0 : i32
          %dma_start3A_203 = tpu.memref_slice %arg8[%sub3A_191, %dma_start3A_201, %dma_start3A_202] : memref<2x2x128xi32, #tpu.memory_space<vmem>> -> memref<1x2x128xi32, #tpu.memory_space<vmem>>
          %dma_start3A_204 = tpu.memref_squeeze %dma_start3A_203 : memref<1x2x128xi32, #tpu.memory_space<vmem>> -> memref<2x128xi32, #tpu.memory_space<vmem>>
          %dma_start3A_205 = arith.constant 0 : i32
          %dma_start3A_206 = arith.constant 0 : i32
          %dma_start3A_207 = tpu.memref_slice %arg2[%add3A_189, %dma_start3A_205, %dma_start3A_206] : memref<2500x2x128xi32, #tpu.memory_space<hbm>> -> memref<1x2x128xi32, #tpu.memory_space<hbm>>
          %dma_start3A_208 = tpu.memref_squeeze %dma_start3A_207 : memref<1x2x128xi32, #tpu.memory_space<hbm>> -> memref<2x128xi32, #tpu.memory_space<hbm>>
          tpu.enqueue_dma source(%dma_start3A_208 : memref<2x128xi32, #tpu.memory_space<hbm>>) target(%dma_start3A_204 : memref<2x128xi32, #tpu.memory_space<vmem>>) target_semaphore(%run_scoped3A_192 : memref<!tpu.dma_semaphore, #tpu.memory_space<semaphore_mem>>)
          %dma_wait3A = arith.constant 0 : i32
          %dma_wait3A_209 = arith.constant 0 : i32
          %dma_wait3A_210 = tpu.memref_slice %arg8[%sub3A_191, %dma_wait3A, %dma_wait3A_209] : memref<2x2x128xi32, #tpu.memory_space<vmem>> -> memref<1x2x128xi32, #tpu.memory_space<vmem>>
          %dma_wait3A_211 = tpu.memref_squeeze %dma_wait3A_210 : memref<1x2x128xi32, #tpu.memory_space<vmem>> -> memref<2x128xi32, #tpu.memory_space<vmem>>
          %dma_wait3A_212 = arith.constant 0 : i32
          %dma_wait3A_213 = arith.constant 0 : i32
          %dma_wait3A_214 = tpu.memref_slice %arg2[%add3A_189, %dma_wait3A_212, %dma_wait3A_213] : memref<2500x2x128xi32, #tpu.memory_space<hbm>> -> memref<1x2x128xi32, #tpu.memory_space<hbm>>
          %dma_wait3A_215 = tpu.memref_squeeze %dma_wait3A_214 : memref<1x2x128xi32, #tpu.memory_space<hbm>> -> memref<2x128xi32, #tpu.memory_space<hbm>>
          %dma_wait3A_216 = arith.constant 0 : i32
          %dma_wait3A_217 = arith.constant 0 : i32
          %dma_wait3A_218 = tpu.memref_slice %arg8[%sub3A_191, %dma_wait3A_216, %dma_wait3A_217] : memref<2x2x128xi32, #tpu.memory_space<vmem>> -> memref<1x2x128xi32, #tpu.memory_space<vmem>>
          %dma_wait3A_219 = tpu.memref_squeeze %dma_wait3A_218 : memref<1x2x128xi32, #tpu.memory_space<vmem>> -> memref<2x128xi32, #tpu.memory_space<vmem>>
          %dma_wait3A_220 = arith.constant 0 : i32
          %dma_wait3A_221 = arith.constant 0 : i32
          %dma_wait3A_222 = tpu.memref_slice %arg2[%add3A_189, %dma_wait3A_220, %dma_wait3A_221] : memref<2500x2x128xi32, #tpu.memory_space<hbm>> -> memref<1x2x128xi32, #tpu.memory_space<hbm>>
          %dma_wait3A_223 = tpu.memref_squeeze %dma_wait3A_222 : memref<1x2x128xi32, #tpu.memory_space<hbm>> -> memref<2x128xi32, #tpu.memory_space<hbm>>
          tpu.wait_dma2 semaphore(%run_scoped3A_192 : memref<!tpu.dma_semaphore, #tpu.memory_space<semaphore_mem>>) src(%dma_wait3A_223 : memref<2x128xi32, #tpu.memory_space<hbm>>) dst(%dma_wait3A_219 : memref<2x128xi32, #tpu.memory_space<vmem>>)
          tpu.yield
        }) : () -> ()
      } else {
      }
      %eq3A_175 = arith.constant 0 : i32
      %eq3A_176 = arith.cmpi eq, %and3A_164, %eq3A_175 : i32
      %convert_element_type3A_177 = arith.extui %eq3A_176 : i1 to i32
      %cond3A_178 = arith.constant 0 : i32
      %cond3A_179 = arith.cmpi ne, %convert_element_type3A_177, %cond3A_178 : i32
      scf.if %cond3A_179 {
        %dma_start3A_185 = arith.constant 0 : i32
        %dma_start3A_186 = arith.constant 0 : i32
        %dma_start3A_187 = arith.constant 1 : i32
        %dma_start3A_188 = arith.constant 0 : i32
        %dma_start3A_189 = arith.constant 0 : i32
        %dma_start3A_190 = tpu.memref_slice %arg9[%dma_start3A_185, %dma_start3A_188, %dma_start3A_189] : memref<2x128x128xf32, #tpu.memory_space<vmem>> -> memref<1x128x128xf32, #tpu.memory_space<vmem>>
        %dma_start3A_191 = tpu.memref_squeeze %dma_start3A_190 : memref<1x128x128xf32, #tpu.memory_space<vmem>> -> memref<128x128xf32, #tpu.memory_space<vmem>>
        %dma_start3A_192 = arith.constant 0 : i32
        %dma_start3A_193 = tpu.memref_slice %arg8[%dma_start3A_186, %dma_start3A_187, %dma_start3A_192] : memref<2x2x128xi32, #tpu.memory_space<vmem>> -> memref<1x1x128xi32, #tpu.memory_space<vmem>>
        %dma_start3A_194 = tpu.memref_squeeze %dma_start3A_193 : memref<1x1x128xi32, #tpu.memory_space<vmem>> -> memref<128xi32, #tpu.memory_space<vmem>>
        %dma_start3A_195 = arith.constant 0 : i32
        %dma_start3A_196 = arith.constant 0 : i32
        %dma_start3A_197 = tpu.memref_slice %arg10[%dma_start3A_195, %dma_start3A_196] : memref<10240x128xf32, #tpu.memory_space<vmem_shared>> -> memref<10240x128xf32, #tpu.memory_space<vmem_shared>>
        tpu.enqueue_indirect_dma source(%dma_start3A_191 : memref<128x128xf32, #tpu.memory_space<vmem>>) target(%dma_start3A_197 : memref<10240x128xf32, #tpu.memory_space<vmem_shared>>) offsets(%dma_start3A_194 : memref<128xi32, #tpu.memory_space<vmem>>) semaphore(%arg13 : memref<!tpu.dma_semaphore, #tpu.memory_space<semaphore_mem>>) {add = true}
      } else {
      }
      %eq3A_180 = arith.constant 1 : i32
      %eq3A_181 = arith.cmpi eq, %and3A_164, %eq3A_180 : i32
      %convert_element_type3A_182 = arith.extui %eq3A_181 : i1 to i32
      %cond3A_183 = arith.constant 0 : i32
      %cond3A_184 = arith.cmpi ne, %convert_element_type3A_182, %cond3A_183 : i32
      scf.if %cond3A_184 {
        %dma_start3A_185 = arith.constant 0 : i32
        %dma_start3A_186 = arith.constant 1 : i32
        %dma_start3A_187 = arith.constant 1 : i32
        %dma_start3A_188 = arith.constant 0 : i32
        %dma_start3A_189 = arith.constant 0 : i32
        %dma_start3A_190 = tpu.memref_slice %arg9[%dma_start3A_185, %dma_start3A_188, %dma_start3A_189] : memref<2x128x128xf32, #tpu.memory_space<vmem>> -> memref<1x128x128xf32, #tpu.memory_space<vmem>>
        %dma_start3A_191 = tpu.memref_squeeze %dma_start3A_190 : memref<1x128x128xf32, #tpu.memory_space<vmem>> -> memref<128x128xf32, #tpu.memory_space<vmem>>
        %dma_start3A_192 = arith.constant 0 : i32
        %dma_start3A_193 = tpu.memref_slice %arg8[%dma_start3A_186, %dma_start3A_187, %dma_start3A_192] : memref<2x2x128xi32, #tpu.memory_space<vmem>> -> memref<1x1x128xi32, #tpu.memory_space<vmem>>
        %dma_start3A_194 = tpu.memref_squeeze %dma_start3A_193 : memref<1x1x128xi32, #tpu.memory_space<vmem>> -> memref<128xi32, #tpu.memory_space<vmem>>
        %dma_start3A_195 = arith.constant 0 : i32
        %dma_start3A_196 = arith.constant 0 : i32
        %dma_start3A_197 = tpu.memref_slice %arg10[%dma_start3A_195, %dma_start3A_196] : memref<10240x128xf32, #tpu.memory_space<vmem_shared>> -> memref<10240x128xf32, #tpu.memory_space<vmem_shared>>
        tpu.enqueue_indirect_dma source(%dma_start3A_191 : memref<128x128xf32, #tpu.memory_space<vmem>>) target(%dma_start3A_197 : memref<10240x128xf32, #tpu.memory_space<vmem_shared>>) offsets(%dma_start3A_194 : memref<128xi32, #tpu.memory_space<vmem>>) semaphore(%arg14 : memref<!tpu.dma_semaphore, #tpu.memory_space<semaphore_mem>>) {add = true}
      } else {
      }
    }
    %while3A_121 = arith.constant 1 : i32
    scf.for %while3A_162 = %while3A_119 to %while3A_115 step %while3A_121  : i32 {
      %and3A_163 = arith.constant 1 : i32
      %and3A_164 = arith.andi %while3A_162, %and3A_163 : i32
      %ge3A = arith.constant 1 : i32
      %ge3A_165 = arith.cmpi sge, %while3A_162, %ge3A : i32
      %convert_element_type3A_166 = arith.extui %ge3A_165 : i1 to i32
      %cond3A_167 = arith.constant 0 : i32
      %cond3A_168 = arith.cmpi ne, %convert_element_type3A_166, %cond3A_167 : i32
      scf.if %cond3A_168 {
        %sub3A_185 = arith.constant 1 : i32
        %sub3A_186 = arith.subi %sub3A_185, %and3A_164 : i32
        %eq3A_187 = arith.constant 0 : i32
        %eq3A_188 = arith.cmpi eq, %sub3A_186, %eq3A_187 : i32
        %convert_element_type3A_189 = arith.extui %eq3A_188 : i1 to i32
        %cond3A_190 = arith.constant 0 : i32
        %cond3A_191 = arith.cmpi ne, %convert_element_type3A_189, %cond3A_190 : i32
        scf.if %cond3A_191 {
          %dma_wait3A = arith.constant 0 : i32
          %dma_wait3A_197 = arith.constant 0 : i32
          %dma_wait3A_198 = arith.constant 1 : i32
          %dma_wait3A_199 = arith.constant 0 : i32
          %dma_wait3A_200 = arith.constant 0 : i32
          %dma_wait3A_201 = tpu.memref_slice %arg9[%dma_wait3A, %dma_wait3A_199, %dma_wait3A_200] : memref<2x128x128xf32, #tpu.memory_space<vmem>> -> memref<1x128x128xf32, #tpu.memory_space<vmem>>
          %dma_wait3A_202 = tpu.memref_squeeze %dma_wait3A_201 : memref<1x128x128xf32, #tpu.memory_space<vmem>> -> memref<128x128xf32, #tpu.memory_space<vmem>>
          %dma_wait3A_203 = arith.constant 0 : i32
          %dma_wait3A_204 = tpu.memref_slice %arg8[%dma_wait3A_197, %dma_wait3A_198, %dma_wait3A_203] : memref<2x2x128xi32, #tpu.memory_space<vmem>> -> memref<1x1x128xi32, #tpu.memory_space<vmem>>
          %dma_wait3A_205 = tpu.memref_squeeze %dma_wait3A_204 : memref<1x1x128xi32, #tpu.memory_space<vmem>> -> memref<128xi32, #tpu.memory_space<vmem>>
          %dma_wait3A_206 = arith.constant 0 : i32
          %dma_wait3A_207 = arith.constant 0 : i32
          %dma_wait3A_208 = tpu.memref_slice %arg10[%dma_wait3A_206, %dma_wait3A_207] : memref<10240x128xf32, #tpu.memory_space<vmem_shared>> -> memref<10240x128xf32, #tpu.memory_space<vmem_shared>>
          tpu.wait_indirect_dma semaphore(%arg13 : memref<!tpu.dma_semaphore, #tpu.memory_space<semaphore_mem>>) src(%dma_wait3A_202 : memref<128x128xf32, #tpu.memory_space<vmem>>) dst(%dma_wait3A_208 : memref<10240x128xf32, #tpu.memory_space<vmem_shared>>)
        } else {
        }
        %eq3A_192 = arith.constant 1 : i32
        %eq3A_193 = arith.cmpi eq, %sub3A_186, %eq3A_192 : i32
        %convert_element_type3A_194 = arith.extui %eq3A_193 : i1 to i32
        %cond3A_195 = arith.constant 0 : i32
        %cond3A_196 = arith.cmpi ne, %convert_element_type3A_194, %cond3A_195 : i32
        scf.if %cond3A_196 {
          %dma_wait3A = arith.constant 0 : i32
          %dma_wait3A_197 = arith.constant 1 : i32
          %dma_wait3A_198 = arith.constant 1 : i32
          %dma_wait3A_199 = arith.constant 0 : i32
          %dma_wait3A_200 = arith.constant 0 : i32
          %dma_wait3A_201 = tpu.memref_slice %arg9[%dma_wait3A, %dma_wait3A_199, %dma_wait3A_200] : memref<2x128x128xf32, #tpu.memory_space<vmem>> -> memref<1x128x128xf32, #tpu.memory_space<vmem>>
          %dma_wait3A_202 = tpu.memref_squeeze %dma_wait3A_201 : memref<1x128x128xf32, #tpu.memory_space<vmem>> -> memref<128x128xf32, #tpu.memory_space<vmem>>
          %dma_wait3A_203 = arith.constant 0 : i32
          %dma_wait3A_204 = tpu.memref_slice %arg8[%dma_wait3A_197, %dma_wait3A_198, %dma_wait3A_203] : memref<2x2x128xi32, #tpu.memory_space<vmem>> -> memref<1x1x128xi32, #tpu.memory_space<vmem>>
          %dma_wait3A_205 = tpu.memref_squeeze %dma_wait3A_204 : memref<1x1x128xi32, #tpu.memory_space<vmem>> -> memref<128xi32, #tpu.memory_space<vmem>>
          %dma_wait3A_206 = arith.constant 0 : i32
          %dma_wait3A_207 = arith.constant 0 : i32
          %dma_wait3A_208 = tpu.memref_slice %arg10[%dma_wait3A_206, %dma_wait3A_207] : memref<10240x128xf32, #tpu.memory_space<vmem_shared>> -> memref<10240x128xf32, #tpu.memory_space<vmem_shared>>
          tpu.wait_indirect_dma semaphore(%arg14 : memref<!tpu.dma_semaphore, #tpu.memory_space<semaphore_mem>>) src(%dma_wait3A_202 : memref<128x128xf32, #tpu.memory_space<vmem>>) dst(%dma_wait3A_208 : memref<10240x128xf32, #tpu.memory_space<vmem_shared>>)
        } else {
        }
      } else {
      }
      %add3A_169 = arith.constant 1 : i32
      %add3A_170 = arith.addi %while3A_162, %add3A_169 : i32
      %lt3A_171 = arith.cmpi slt, %add3A_170, %select_n3A : i32
      %convert_element_type3A_172 = arith.extui %lt3A_171 : i1 to i32
      %cond3A_173 = arith.constant 0 : i32
      %cond3A_174 = arith.cmpi ne, %convert_element_type3A_172, %cond3A_173 : i32
      scf.if %cond3A_174 {
        %add3A_185 = arith.constant 1 : i32
        %add3A_186 = arith.addi %while3A_162, %add3A_185 : i32
        %mul3A_187 = arith.constant 32 : i32
        %mul3A_188 = arith.muli %add3A_186, %mul3A_187 : i32
        %add3A_189 = arith.addi %add3A, %mul3A_188 : i32
        %sub3A_190 = arith.constant 1 : i32
        %sub3A_191 = arith.subi %sub3A_190, %and3A_164 : i32
        "tpu.region"() ({
          %run_scoped3A_192 = tpu.sem_alloc : memref<!tpu.dma_semaphore, #tpu.memory_space<semaphore_mem>>
          %dma_start3A_193 = arith.constant 0 : i32
          %dma_start3A_194 = arith.constant 0 : i32
          %dma_start3A_195 = tpu.memref_slice %arg8[%sub3A_191, %dma_start3A_193, %dma_start3A_194] : memref<2x2x128xi32, #tpu.memory_space<vmem>> -> memref<1x2x128xi32, #tpu.memory_space<vmem>>
          %dma_start3A_196 = tpu.memref_squeeze %dma_start3A_195 : memref<1x2x128xi32, #tpu.memory_space<vmem>> -> memref<2x128xi32, #tpu.memory_space<vmem>>
          %dma_start3A_197 = arith.constant 0 : i32
          %dma_start3A_198 = arith.constant 0 : i32
          %dma_start3A_199 = tpu.memref_slice %arg2[%add3A_189, %dma_start3A_197, %dma_start3A_198] : memref<2500x2x128xi32, #tpu.memory_space<hbm>> -> memref<1x2x128xi32, #tpu.memory_space<hbm>>
          %dma_start3A_200 = tpu.memref_squeeze %dma_start3A_199 : memref<1x2x128xi32, #tpu.memory_space<hbm>> -> memref<2x128xi32, #tpu.memory_space<hbm>>
          %dma_start3A_201 = arith.constant 0 : i32
          %dma_start3A_202 = arith.constant 0 : i32
          %dma_start3A_203 = tpu.memref_slice %arg8[%sub3A_191, %dma_start3A_201, %dma_start3A_202] : memref<2x2x128xi32, #tpu.memory_space<vmem>> -> memref<1x2x128xi32, #tpu.memory_space<vmem>>
          %dma_start3A_204 = tpu.memref_squeeze %dma_start3A_203 : memref<1x2x128xi32, #tpu.memory_space<vmem>> -> memref<2x128xi32, #tpu.memory_space<vmem>>
          %dma_start3A_205 = arith.constant 0 : i32
          %dma_start3A_206 = arith.constant 0 : i32
          %dma_start3A_207 = tpu.memref_slice %arg2[%add3A_189, %dma_start3A_205, %dma_start3A_206] : memref<2500x2x128xi32, #tpu.memory_space<hbm>> -> memref<1x2x128xi32, #tpu.memory_space<hbm>>
          %dma_start3A_208 = tpu.memref_squeeze %dma_start3A_207 : memref<1x2x128xi32, #tpu.memory_space<hbm>> -> memref<2x128xi32, #tpu.memory_space<hbm>>
          tpu.enqueue_dma source(%dma_start3A_208 : memref<2x128xi32, #tpu.memory_space<hbm>>) target(%dma_start3A_204 : memref<2x128xi32, #tpu.memory_space<vmem>>) target_semaphore(%run_scoped3A_192 : memref<!tpu.dma_semaphore, #tpu.memory_space<semaphore_mem>>)
          %dma_wait3A = arith.constant 0 : i32
          %dma_wait3A_209 = arith.constant 0 : i32
          %dma_wait3A_210 = tpu.memref_slice %arg8[%sub3A_191, %dma_wait3A, %dma_wait3A_209] : memref<2x2x128xi32, #tpu.memory_space<vmem>> -> memref<1x2x128xi32, #tpu.memory_space<vmem>>
          %dma_wait3A_211 = tpu.memref_squeeze %dma_wait3A_210 : memref<1x2x128xi32, #tpu.memory_space<vmem>> -> memref<2x128xi32, #tpu.memory_space<vmem>>
          %dma_wait3A_212 = arith.constant 0 : i32
          %dma_wait3A_213 = arith.constant 0 : i32
          %dma_wait3A_214 = tpu.memref_slice %arg2[%add3A_189, %dma_wait3A_212, %dma_wait3A_213] : memref<2500x2x128xi32, #tpu.memory_space<hbm>> -> memref<1x2x128xi32, #tpu.memory_space<hbm>>
          %dma_wait3A_215 = tpu.memref_squeeze %dma_wait3A_214 : memref<1x2x128xi32, #tpu.memory_space<hbm>> -> memref<2x128xi32, #tpu.memory_space<hbm>>
          %dma_wait3A_216 = arith.constant 0 : i32
          %dma_wait3A_217 = arith.constant 0 : i32
          %dma_wait3A_218 = tpu.memref_slice %arg8[%sub3A_191, %dma_wait3A_216, %dma_wait3A_217] : memref<2x2x128xi32, #tpu.memory_space<vmem>> -> memref<1x2x128xi32, #tpu.memory_space<vmem>>
          %dma_wait3A_219 = tpu.memref_squeeze %dma_wait3A_218 : memref<1x2x128xi32, #tpu.memory_space<vmem>> -> memref<2x128xi32, #tpu.memory_space<vmem>>
          %dma_wait3A_220 = arith.constant 0 : i32
          %dma_wait3A_221 = arith.constant 0 : i32
          %dma_wait3A_222 = tpu.memref_slice %arg2[%add3A_189, %dma_wait3A_220, %dma_wait3A_221] : memref<2500x2x128xi32, #tpu.memory_space<hbm>> -> memref<1x2x128xi32, #tpu.memory_space<hbm>>
          %dma_wait3A_223 = tpu.memref_squeeze %dma_wait3A_222 : memref<1x2x128xi32, #tpu.memory_space<hbm>> -> memref<2x128xi32, #tpu.memory_space<hbm>>
          tpu.wait_dma2 semaphore(%run_scoped3A_192 : memref<!tpu.dma_semaphore, #tpu.memory_space<semaphore_mem>>) src(%dma_wait3A_223 : memref<2x128xi32, #tpu.memory_space<hbm>>) dst(%dma_wait3A_219 : memref<2x128xi32, #tpu.memory_space<vmem>>)
          tpu.yield
        }) : () -> ()
      } else {
      }
      %eq3A_175 = arith.constant 0 : i32
      %eq3A_176 = arith.cmpi eq, %and3A_164, %eq3A_175 : i32
      %convert_element_type3A_177 = arith.extui %eq3A_176 : i1 to i32
      %cond3A_178 = arith.constant 0 : i32
      %cond3A_179 = arith.cmpi ne, %convert_element_type3A_177, %cond3A_178 : i32
      scf.if %cond3A_179 {
        %dma_start3A_185 = arith.constant 0 : i32
        %dma_start3A_186 = arith.constant 0 : i32
        %dma_start3A_187 = arith.constant 1 : i32
        %dma_start3A_188 = arith.constant 0 : i32
        %dma_start3A_189 = arith.constant 0 : i32
        %dma_start3A_190 = tpu.memref_slice %arg9[%dma_start3A_185, %dma_start3A_188, %dma_start3A_189] : memref<2x128x128xf32, #tpu.memory_space<vmem>> -> memref<1x128x128xf32, #tpu.memory_space<vmem>>
        %dma_start3A_191 = tpu.memref_squeeze %dma_start3A_190 : memref<1x128x128xf32, #tpu.memory_space<vmem>> -> memref<128x128xf32, #tpu.memory_space<vmem>>
        %dma_start3A_192 = arith.constant 0 : i32
        %dma_start3A_193 = tpu.memref_slice %arg8[%dma_start3A_186, %dma_start3A_187, %dma_start3A_192] : memref<2x2x128xi32, #tpu.memory_space<vmem>> -> memref<1x1x128xi32, #tpu.memory_space<vmem>>
        %dma_start3A_194 = tpu.memref_squeeze %dma_start3A_193 : memref<1x1x128xi32, #tpu.memory_space<vmem>> -> memref<128xi32, #tpu.memory_space<vmem>>
        %dma_start3A_195 = arith.constant 0 : i32
        %dma_start3A_196 = arith.constant 0 : i32
        %dma_start3A_197 = tpu.memref_slice %arg10[%dma_start3A_195, %dma_start3A_196] : memref<10240x128xf32, #tpu.memory_space<vmem_shared>> -> memref<10240x128xf32, #tpu.memory_space<vmem_shared>>
        tpu.enqueue_indirect_dma source(%dma_start3A_191 : memref<128x128xf32, #tpu.memory_space<vmem>>) target(%dma_start3A_197 : memref<10240x128xf32, #tpu.memory_space<vmem_shared>>) offsets(%dma_start3A_194 : memref<128xi32, #tpu.memory_space<vmem>>) semaphore(%arg13 : memref<!tpu.dma_semaphore, #tpu.memory_space<semaphore_mem>>) {add = true}
      } else {
      }
      %eq3A_180 = arith.constant 1 : i32
      %eq3A_181 = arith.cmpi eq, %and3A_164, %eq3A_180 : i32
      %convert_element_type3A_182 = arith.extui %eq3A_181 : i1 to i32
      %cond3A_183 = arith.constant 0 : i32
      %cond3A_184 = arith.cmpi ne, %convert_element_type3A_182, %cond3A_183 : i32
      scf.if %cond3A_184 {
        %dma_start3A_185 = arith.constant 0 : i32
        %dma_start3A_186 = arith.constant 1 : i32
        %dma_start3A_187 = arith.constant 1 : i32
        %dma_start3A_188 = arith.constant 0 : i32
        %dma_start3A_189 = arith.constant 0 : i32
        %dma_start3A_190 = tpu.memref_slice %arg9[%dma_start3A_185, %dma_start3A_188, %dma_start3A_189] : memref<2x128x128xf32, #tpu.memory_space<vmem>> -> memref<1x128x128xf32, #tpu.memory_space<vmem>>
        %dma_start3A_191 = tpu.memref_squeeze %dma_start3A_190 : memref<1x128x128xf32, #tpu.memory_space<vmem>> -> memref<128x128xf32, #tpu.memory_space<vmem>>
        %dma_start3A_192 = arith.constant 0 : i32
        %dma_start3A_193 = tpu.memref_slice %arg8[%dma_start3A_186, %dma_start3A_187, %dma_start3A_192] : memref<2x2x128xi32, #tpu.memory_space<vmem>> -> memref<1x1x128xi32, #tpu.memory_space<vmem>>
        %dma_start3A_194 = tpu.memref_squeeze %dma_start3A_193 : memref<1x1x128xi32, #tpu.memory_space<vmem>> -> memref<128xi32, #tpu.memory_space<vmem>>
        %dma_start3A_195 = arith.constant 0 : i32
        %dma_start3A_196 = arith.constant 0 : i32
        %dma_start3A_197 = tpu.memref_slice %arg10[%dma_start3A_195, %dma_start3A_196] : memref<10240x128xf32, #tpu.memory_space<vmem_shared>> -> memref<10240x128xf32, #tpu.memory_space<vmem_shared>>
        tpu.enqueue_indirect_dma source(%dma_start3A_191 : memref<128x128xf32, #tpu.memory_space<vmem>>) target(%dma_start3A_197 : memref<10240x128xf32, #tpu.memory_space<vmem_shared>>) offsets(%dma_start3A_194 : memref<128xi32, #tpu.memory_space<vmem>>) semaphore(%arg14 : memref<!tpu.dma_semaphore, #tpu.memory_space<semaphore_mem>>) {add = true}
      } else {
      }
    }
    %sub3A = arith.constant 1 : i32
    %sub3A_122 = arith.subi %select_n3A, %sub3A : i32
    %and3A = arith.constant 1 : i32
    %and3A_123 = arith.andi %sub3A_122, %and3A : i32
    %eq3A = arith.constant 0 : i32
    %eq3A_124 = arith.cmpi eq, %and3A_123, %eq3A : i32
    %convert_element_type3A = arith.extui %eq3A_124 : i1 to i32
    %cond3A = arith.constant 0 : i32
    %cond3A_125 = arith.cmpi ne, %convert_element_type3A, %cond3A : i32
    scf.if %cond3A_125 {
      %dma_wait3A = arith.constant 0 : i32
      %dma_wait3A_162 = arith.constant 0 : i32
      %dma_wait3A_163 = arith.constant 1 : i32
      %dma_wait3A_164 = arith.constant 0 : i32
      %dma_wait3A_165 = arith.constant 0 : i32
      %dma_wait3A_166 = tpu.memref_slice %arg9[%dma_wait3A, %dma_wait3A_164, %dma_wait3A_165] : memref<2x128x128xf32, #tpu.memory_space<vmem>> -> memref<1x128x128xf32, #tpu.memory_space<vmem>>
      %dma_wait3A_167 = tpu.memref_squeeze %dma_wait3A_166 : memref<1x128x128xf32, #tpu.memory_space<vmem>> -> memref<128x128xf32, #tpu.memory_space<vmem>>
      %dma_wait3A_168 = arith.constant 0 : i32
      %dma_wait3A_169 = tpu.memref_slice %arg8[%dma_wait3A_162, %dma_wait3A_163, %dma_wait3A_168] : memref<2x2x128xi32, #tpu.memory_space<vmem>> -> memref<1x1x128xi32, #tpu.memory_space<vmem>>
      %dma_wait3A_170 = tpu.memref_squeeze %dma_wait3A_169 : memref<1x1x128xi32, #tpu.memory_space<vmem>> -> memref<128xi32, #tpu.memory_space<vmem>>
      %dma_wait3A_171 = arith.constant 0 : i32
      %dma_wait3A_172 = arith.constant 0 : i32
      %dma_wait3A_173 = tpu.memref_slice %arg10[%dma_wait3A_171, %dma_wait3A_172] : memref<10240x128xf32, #tpu.memory_space<vmem_shared>> -> memref<10240x128xf32, #tpu.memory_space<vmem_shared>>
      tpu.wait_indirect_dma semaphore(%arg13 : memref<!tpu.dma_semaphore, #tpu.memory_space<semaphore_mem>>) src(%dma_wait3A_167 : memref<128x128xf32, #tpu.memory_space<vmem>>) dst(%dma_wait3A_173 : memref<10240x128xf32, #tpu.memory_space<vmem_shared>>)
    } else {
    }
    %eq3A_126 = arith.constant 1 : i32
    %eq3A_127 = arith.cmpi eq, %and3A_123, %eq3A_126 : i32
    %convert_element_type3A_128 = arith.extui %eq3A_127 : i1 to i32
    %cond3A_129 = arith.constant 0 : i32
    %cond3A_130 = arith.cmpi ne, %convert_element_type3A_128, %cond3A_129 : i32
    scf.if %cond3A_130 {
      %dma_wait3A = arith.constant 0 : i32
      %dma_wait3A_162 = arith.constant 1 : i32
      %dma_wait3A_163 = arith.constant 1 : i32
      %dma_wait3A_164 = arith.constant 0 : i32
      %dma_wait3A_165 = arith.constant 0 : i32
      %dma_wait3A_166 = tpu.memref_slice %arg9[%dma_wait3A, %dma_wait3A_164, %dma_wait3A_165] : memref<2x128x128xf32, #tpu.memory_space<vmem>> -> memref<1x128x128xf32, #tpu.memory_space<vmem>>
      %dma_wait3A_167 = tpu.memref_squeeze %dma_wait3A_166 : memref<1x128x128xf32, #tpu.memory_space<vmem>> -> memref<128x128xf32, #tpu.memory_space<vmem>>
      %dma_wait3A_168 = arith.constant 0 : i32
      %dma_wait3A_169 = tpu.memref_slice %arg8[%dma_wait3A_162, %dma_wait3A_163, %dma_wait3A_168] : memref<2x2x128xi32, #tpu.memory_space<vmem>> -> memref<1x1x128xi32, #tpu.memory_space<vmem>>
      %dma_wait3A_170 = tpu.memref_squeeze %dma_wait3A_169 : memref<1x1x128xi32, #tpu.memory_space<vmem>> -> memref<128xi32, #tpu.memory_space<vmem>>
      %dma_wait3A_171 = arith.constant 0 : i32
      %dma_wait3A_172 = arith.constant 0 : i32
      %dma_wait3A_173 = tpu.memref_slice %arg10[%dma_wait3A_171, %dma_wait3A_172] : memref<10240x128xf32, #tpu.memory_space<vmem_shared>> -> memref<10240x128xf32, #tpu.memory_space<vmem_shared>>
      tpu.wait_indirect_dma semaphore(%arg14 : memref<!tpu.dma_semaphore, #tpu.memory_space<semaphore_mem>>) src(%dma_wait3A_167 : memref<128x128xf32, #tpu.memory_space<vmem>>) dst(%dma_wait3A_173 : memref<10240x128xf32, #tpu.memory_space<vmem_shared>>)
    } else {
    }
    %barrier3A_131 = arith.constant 0 : index
    tpu.barrier barrier_id(%barrier3A_131)
    %mul3A_132 = arith.constant 640 : i32
    %mul3A_133 = arith.muli %arg1, %mul3A_132 : i32
    %add3A_134 = arith.constant 0 : i32
    %add3A_135 = arith.addi %mul3A_133, %add3A_134 : i32
    %run_scoped3A_136 = arith.constant 0 : i32
    "tpu.region"() ({
      %run_scoped3A_162 = tpu.sem_alloc : memref<!tpu.dma_semaphore, #tpu.memory_space<semaphore_mem>>
      %dma_start3A_163 = arith.constant 0 : i32
      %dma_start3A_164 = arith.constant 0 : i32
      %dma_start3A_165 = tpu.memref_slice %arg9[%run_scoped3A_136, %dma_start3A_163, %dma_start3A_164] : memref<2x128x128xf32, #tpu.memory_space<vmem>> -> memref<1x128x128xf32, #tpu.memory_space<vmem>>
      %dma_start3A_166 = tpu.memref_squeeze %dma_start3A_165 : memref<1x128x128xf32, #tpu.memory_space<vmem>> -> memref<128x128xf32, #tpu.memory_space<vmem>>
      %dma_start3A_167 = arith.constant 0 : i32
      %dma_start3A_168 = tpu.memref_slice %arg10[%add3A_135, %dma_start3A_167] : memref<10240x128xf32, #tpu.memory_space<vmem_shared>> -> memref<128x128xf32, #tpu.memory_space<vmem_shared>>
      %dma_start3A_169 = arith.constant 0 : i32
      %dma_start3A_170 = arith.constant 0 : i32
      %dma_start3A_171 = tpu.memref_slice %arg9[%run_scoped3A_136, %dma_start3A_169, %dma_start3A_170] : memref<2x128x128xf32, #tpu.memory_space<vmem>> -> memref<1x128x128xf32, #tpu.memory_space<vmem>>
      %dma_start3A_172 = tpu.memref_squeeze %dma_start3A_171 : memref<1x128x128xf32, #tpu.memory_space<vmem>> -> memref<128x128xf32, #tpu.memory_space<vmem>>
      %dma_start3A_173 = arith.constant 0 : i32
      %dma_start3A_174 = tpu.memref_slice %arg10[%add3A_135, %dma_start3A_173] : memref<10240x128xf32, #tpu.memory_space<vmem_shared>> -> memref<128x128xf32, #tpu.memory_space<vmem_shared>>
      tpu.enqueue_dma source(%dma_start3A_174 : memref<128x128xf32, #tpu.memory_space<vmem_shared>>) target(%dma_start3A_172 : memref<128x128xf32, #tpu.memory_space<vmem>>) target_semaphore(%run_scoped3A_162 : memref<!tpu.dma_semaphore, #tpu.memory_space<semaphore_mem>>)
      %dma_wait3A = arith.constant 0 : i32
      %dma_wait3A_175 = arith.constant 0 : i32
      %dma_wait3A_176 = tpu.memref_slice %arg9[%run_scoped3A_136, %dma_wait3A, %dma_wait3A_175] : memref<2x128x128xf32, #tpu.memory_space<vmem>> -> memref<1x128x128xf32, #tpu.memory_space<vmem>>
      %dma_wait3A_177 = tpu.memref_squeeze %dma_wait3A_176 : memref<1x128x128xf32, #tpu.memory_space<vmem>> -> memref<128x128xf32, #tpu.memory_space<vmem>>
      %dma_wait3A_178 = arith.constant 0 : i32
      %dma_wait3A_179 = tpu.memref_slice %arg10[%add3A_135, %dma_wait3A_178] : memref<10240x128xf32, #tpu.memory_space<vmem_shared>> -> memref<128x128xf32, #tpu.memory_space<vmem_shared>>
      %dma_wait3A_180 = arith.constant 0 : i32
      %dma_wait3A_181 = arith.constant 0 : i32
      %dma_wait3A_182 = tpu.memref_slice %arg9[%run_scoped3A_136, %dma_wait3A_180, %dma_wait3A_181] : memref<2x128x128xf32, #tpu.memory_space<vmem>> -> memref<1x128x128xf32, #tpu.memory_space<vmem>>
      %dma_wait3A_183 = tpu.memref_squeeze %dma_wait3A_182 : memref<1x128x128xf32, #tpu.memory_space<vmem>> -> memref<128x128xf32, #tpu.memory_space<vmem>>
      %dma_wait3A_184 = arith.constant 0 : i32
      %dma_wait3A_185 = tpu.memref_slice %arg10[%add3A_135, %dma_wait3A_184] : memref<10240x128xf32, #tpu.memory_space<vmem_shared>> -> memref<128x128xf32, #tpu.memory_space<vmem_shared>>
      tpu.wait_dma2 semaphore(%run_scoped3A_162 : memref<!tpu.dma_semaphore, #tpu.memory_space<semaphore_mem>>) src(%dma_wait3A_185 : memref<128x128xf32, #tpu.memory_space<vmem_shared>>) dst(%dma_wait3A_183 : memref<128x128xf32, #tpu.memory_space<vmem>>)
      tpu.yield
    }) : () -> ()
    %run_scoped3A_137 = arith.constant 0 : i32
    "tpu.region"() ({
      %run_scoped3A_162 = tpu.sem_alloc : memref<!tpu.dma_semaphore, #tpu.memory_space<semaphore_mem>>
      %dma_start3A_163 = arith.constant 0 : i32
      %dma_start3A_164 = arith.constant 0 : i32
      %dma_start3A_165 = tpu.memref_slice %arg9[%run_scoped3A_137, %dma_start3A_163, %dma_start3A_164] : memref<2x128x128xf32, #tpu.memory_space<vmem>> -> memref<1x128x128xf32, #tpu.memory_space<vmem>>
      %dma_start3A_166 = tpu.memref_squeeze %dma_start3A_165 : memref<1x128x128xf32, #tpu.memory_space<vmem>> -> memref<128x128xf32, #tpu.memory_space<vmem>>
      %dma_start3A_167 = arith.constant 0 : i32
      %dma_start3A_168 = arith.constant 0 : i32
      %dma_start3A_169 = tpu.memref_slice %arg7[%arg0, %arg1, %dma_start3A_167, %dma_start3A_168] : memref<2x16x640x128xf32, #tpu.memory_space<hbm>> -> memref<1x1x128x128xf32, #tpu.memory_space<hbm>>
      %dma_start3A_170 = tpu.memref_squeeze %dma_start3A_169 : memref<1x1x128x128xf32, #tpu.memory_space<hbm>> -> memref<128x128xf32, #tpu.memory_space<hbm>>
      %dma_start3A_171 = arith.constant 0 : i32
      %dma_start3A_172 = arith.constant 0 : i32
      %dma_start3A_173 = tpu.memref_slice %arg7[%arg0, %arg1, %dma_start3A_171, %dma_start3A_172] : memref<2x16x640x128xf32, #tpu.memory_space<hbm>> -> memref<1x1x128x128xf32, #tpu.memory_space<hbm>>
      %dma_start3A_174 = tpu.memref_squeeze %dma_start3A_173 : memref<1x1x128x128xf32, #tpu.memory_space<hbm>> -> memref<128x128xf32, #tpu.memory_space<hbm>>
      %dma_start3A_175 = arith.constant 0 : i32
      %dma_start3A_176 = arith.constant 0 : i32
      %dma_start3A_177 = tpu.memref_slice %arg9[%run_scoped3A_137, %dma_start3A_175, %dma_start3A_176] : memref<2x128x128xf32, #tpu.memory_space<vmem>> -> memref<1x128x128xf32, #tpu.memory_space<vmem>>
      %dma_start3A_178 = tpu.memref_squeeze %dma_start3A_177 : memref<1x128x128xf32, #tpu.memory_space<vmem>> -> memref<128x128xf32, #tpu.memory_space<vmem>>
      tpu.enqueue_dma source(%dma_start3A_178 : memref<128x128xf32, #tpu.memory_space<vmem>>) target(%dma_start3A_174 : memref<128x128xf32, #tpu.memory_space<hbm>>) target_semaphore(%run_scoped3A_162 : memref<!tpu.dma_semaphore, #tpu.memory_space<semaphore_mem>>)
      %dma_wait3A = arith.constant 0 : i32
      %dma_wait3A_179 = arith.constant 0 : i32
      %dma_wait3A_180 = tpu.memref_slice %arg9[%run_scoped3A_137, %dma_wait3A, %dma_wait3A_179] : memref<2x128x128xf32, #tpu.memory_space<vmem>> -> memref<1x128x128xf32, #tpu.memory_space<vmem>>
      %dma_wait3A_181 = tpu.memref_squeeze %dma_wait3A_180 : memref<1x128x128xf32, #tpu.memory_space<vmem>> -> memref<128x128xf32, #tpu.memory_space<vmem>>
      %dma_wait3A_182 = arith.constant 0 : i32
      %dma_wait3A_183 = arith.constant 0 : i32
      %dma_wait3A_184 = tpu.memref_slice %arg7[%arg0, %arg1, %dma_wait3A_182, %dma_wait3A_183] : memref<2x16x640x128xf32, #tpu.memory_space<hbm>> -> memref<1x1x128x128xf32, #tpu.memory_space<hbm>>
      %dma_wait3A_185 = tpu.memref_squeeze %dma_wait3A_184 : memref<1x1x128x128xf32, #tpu.memory_space<hbm>> -> memref<128x128xf32, #tpu.memory_space<hbm>>
      %dma_wait3A_186 = arith.constant 0 : i32
      %dma_wait3A_187 = arith.constant 0 : i32
      %dma_wait3A_188 = tpu.memref_slice %arg7[%arg0, %arg1, %dma_wait3A_186, %dma_wait3A_187] : memref<2x16x640x128xf32, #tpu.memory_space<hbm>> -> memref<1x1x128x128xf32, #tpu.memory_space<hbm>>
      %dma_wait3A_189 = tpu.memref_squeeze %dma_wait3A_188 : memref<1x1x128x128xf32, #tpu.memory_space<hbm>> -> memref<128x128xf32, #tpu.memory_space<hbm>>
      %dma_wait3A_190 = arith.constant 0 : i32
      %dma_wait3A_191 = arith.constant 0 : i32
      %dma_wait3A_192 = tpu.memref_slice %arg9[%run_scoped3A_137, %dma_wait3A_190, %dma_wait3A_191] : memref<2x128x128xf32, #tpu.memory_space<vmem>> -> memref<1x128x128xf32, #tpu.memory_space<vmem>>
      %dma_wait3A_193 = tpu.memref_squeeze %dma_wait3A_192 : memref<1x128x128xf32, #tpu.memory_space<vmem>> -> memref<128x128xf32, #tpu.memory_space<vmem>>
      tpu.wait_dma2 semaphore(%run_scoped3A_162 : memref<!tpu.dma_semaphore, #tpu.memory_space<semaphore_mem>>) src(%dma_wait3A_193 : memref<128x128xf32, #tpu.memory_space<vmem>>) dst(%dma_wait3A_189 : memref<128x128xf32, #tpu.memory_space<hbm>>)
      tpu.yield
    }) : () -> ()
    %mul3A_138 = arith.constant 640 : i32
    %mul3A_139 = arith.muli %arg1, %mul3A_138 : i32
    %add3A_140 = arith.constant 128 : i32
    %add3A_141 = arith.addi %mul3A_139, %add3A_140 : i32
    %run_scoped3A_142 = arith.constant 0 : i32
    "tpu.region"() ({
      %run_scoped3A_162 = tpu.sem_alloc : memref<!tpu.dma_semaphore, #tpu.memory_space<semaphore_mem>>
      %dma_start3A_163 = arith.constant 0 : i32
      %dma_start3A_164 = arith.constant 0 : i32
      %dma_start3A_165 = tpu.memref_slice %arg9[%run_scoped3A_142, %dma_start3A_163, %dma_start3A_164] : memref<2x128x128xf32, #tpu.memory_space<vmem>> -> memref<1x128x128xf32, #tpu.memory_space<vmem>>
      %dma_start3A_166 = tpu.memref_squeeze %dma_start3A_165 : memref<1x128x128xf32, #tpu.memory_space<vmem>> -> memref<128x128xf32, #tpu.memory_space<vmem>>
      %dma_start3A_167 = arith.constant 0 : i32
      %dma_start3A_168 = tpu.memref_slice %arg10[%add3A_141, %dma_start3A_167] : memref<10240x128xf32, #tpu.memory_space<vmem_shared>> -> memref<128x128xf32, #tpu.memory_space<vmem_shared>>
      %dma_start3A_169 = arith.constant 0 : i32
      %dma_start3A_170 = arith.constant 0 : i32
      %dma_start3A_171 = tpu.memref_slice %arg9[%run_scoped3A_142, %dma_start3A_169, %dma_start3A_170] : memref<2x128x128xf32, #tpu.memory_space<vmem>> -> memref<1x128x128xf32, #tpu.memory_space<vmem>>
      %dma_start3A_172 = tpu.memref_squeeze %dma_start3A_171 : memref<1x128x128xf32, #tpu.memory_space<vmem>> -> memref<128x128xf32, #tpu.memory_space<vmem>>
      %dma_start3A_173 = arith.constant 0 : i32
      %dma_start3A_174 = tpu.memref_slice %arg10[%add3A_141, %dma_start3A_173] : memref<10240x128xf32, #tpu.memory_space<vmem_shared>> -> memref<128x128xf32, #tpu.memory_space<vmem_shared>>
      tpu.enqueue_dma source(%dma_start3A_174 : memref<128x128xf32, #tpu.memory_space<vmem_shared>>) target(%dma_start3A_172 : memref<128x128xf32, #tpu.memory_space<vmem>>) target_semaphore(%run_scoped3A_162 : memref<!tpu.dma_semaphore, #tpu.memory_space<semaphore_mem>>)
      %dma_wait3A = arith.constant 0 : i32
      %dma_wait3A_175 = arith.constant 0 : i32
      %dma_wait3A_176 = tpu.memref_slice %arg9[%run_scoped3A_142, %dma_wait3A, %dma_wait3A_175] : memref<2x128x128xf32, #tpu.memory_space<vmem>> -> memref<1x128x128xf32, #tpu.memory_space<vmem>>
      %dma_wait3A_177 = tpu.memref_squeeze %dma_wait3A_176 : memref<1x128x128xf32, #tpu.memory_space<vmem>> -> memref<128x128xf32, #tpu.memory_space<vmem>>
      %dma_wait3A_178 = arith.constant 0 : i32
      %dma_wait3A_179 = tpu.memref_slice %arg10[%add3A_141, %dma_wait3A_178] : memref<10240x128xf32, #tpu.memory_space<vmem_shared>> -> memref<128x128xf32, #tpu.memory_space<vmem_shared>>
      %dma_wait3A_180 = arith.constant 0 : i32
      %dma_wait3A_181 = arith.constant 0 : i32
      %dma_wait3A_182 = tpu.memref_slice %arg9[%run_scoped3A_142, %dma_wait3A_180, %dma_wait3A_181] : memref<2x128x128xf32, #tpu.memory_space<vmem>> -> memref<1x128x128xf32, #tpu.memory_space<vmem>>
      %dma_wait3A_183 = tpu.memref_squeeze %dma_wait3A_182 : memref<1x128x128xf32, #tpu.memory_space<vmem>> -> memref<128x128xf32, #tpu.memory_space<vmem>>
      %dma_wait3A_184 = arith.constant 0 : i32
      %dma_wait3A_185 = tpu.memref_slice %arg10[%add3A_141, %dma_wait3A_184] : memref<10240x128xf32, #tpu.memory_space<vmem_shared>> -> memref<128x128xf32, #tpu.memory_space<vmem_shared>>
      tpu.wait_dma2 semaphore(%run_scoped3A_162 : memref<!tpu.dma_semaphore, #tpu.memory_space<semaphore_mem>>) src(%dma_wait3A_185 : memref<128x128xf32, #tpu.memory_space<vmem_shared>>) dst(%dma_wait3A_183 : memref<128x128xf32, #tpu.memory_space<vmem>>)
      tpu.yield
    }) : () -> ()
    %run_scoped3A_143 = arith.constant 0 : i32
    "tpu.region"() ({
      %run_scoped3A_162 = tpu.sem_alloc : memref<!tpu.dma_semaphore, #tpu.memory_space<semaphore_mem>>
      %dma_start3A_163 = arith.constant 0 : i32
      %dma_start3A_164 = arith.constant 0 : i32
      %dma_start3A_165 = tpu.memref_slice %arg9[%run_scoped3A_143, %dma_start3A_163, %dma_start3A_164] : memref<2x128x128xf32, #tpu.memory_space<vmem>> -> memref<1x128x128xf32, #tpu.memory_space<vmem>>
      %dma_start3A_166 = tpu.memref_squeeze %dma_start3A_165 : memref<1x128x128xf32, #tpu.memory_space<vmem>> -> memref<128x128xf32, #tpu.memory_space<vmem>>
      %dma_start3A_167 = arith.constant 128 : i32
      %dma_start3A_168 = arith.constant 0 : i32
      %dma_start3A_169 = tpu.memref_slice %arg7[%arg0, %arg1, %dma_start3A_167, %dma_start3A_168] : memref<2x16x640x128xf32, #tpu.memory_space<hbm>> -> memref<1x1x128x128xf32, #tpu.memory_space<hbm>>
      %dma_start3A_170 = tpu.memref_squeeze %dma_start3A_169 : memref<1x1x128x128xf32, #tpu.memory_space<hbm>> -> memref<128x128xf32, #tpu.memory_space<hbm>>
      %dma_start3A_171 = arith.constant 128 : i32
      %dma_start3A_172 = arith.constant 0 : i32
      %dma_start3A_173 = tpu.memref_slice %arg7[%arg0, %arg1, %dma_start3A_171, %dma_start3A_172] : memref<2x16x640x128xf32, #tpu.memory_space<hbm>> -> memref<1x1x128x128xf32, #tpu.memory_space<hbm>>
      %dma_start3A_174 = tpu.memref_squeeze %dma_start3A_173 : memref<1x1x128x128xf32, #tpu.memory_space<hbm>> -> memref<128x128xf32, #tpu.memory_space<hbm>>
      %dma_start3A_175 = arith.constant 0 : i32
      %dma_start3A_176 = arith.constant 0 : i32
      %dma_start3A_177 = tpu.memref_slice %arg9[%run_scoped3A_143, %dma_start3A_175, %dma_start3A_176] : memref<2x128x128xf32, #tpu.memory_space<vmem>> -> memref<1x128x128xf32, #tpu.memory_space<vmem>>
      %dma_start3A_178 = tpu.memref_squeeze %dma_start3A_177 : memref<1x128x128xf32, #tpu.memory_space<vmem>> -> memref<128x128xf32, #tpu.memory_space<vmem>>
      tpu.enqueue_dma source(%dma_start3A_178 : memref<128x128xf32, #tpu.memory_space<vmem>>) target(%dma_start3A_174 : memref<128x128xf32, #tpu.memory_space<hbm>>) target_semaphore(%run_scoped3A_162 : memref<!tpu.dma_semaphore, #tpu.memory_space<semaphore_mem>>)
      %dma_wait3A = arith.constant 0 : i32
      %dma_wait3A_179 = arith.constant 0 : i32
      %dma_wait3A_180 = tpu.memref_slice %arg9[%run_scoped3A_143, %dma_wait3A, %dma_wait3A_179] : memref<2x128x128xf32, #tpu.memory_space<vmem>> -> memref<1x128x128xf32, #tpu.memory_space<vmem>>
      %dma_wait3A_181 = tpu.memref_squeeze %dma_wait3A_180 : memref<1x128x128xf32, #tpu.memory_space<vmem>> -> memref<128x128xf32, #tpu.memory_space<vmem>>
      %dma_wait3A_182 = arith.constant 128 : i32
      %dma_wait3A_183 = arith.constant 0 : i32
      %dma_wait3A_184 = tpu.memref_slice %arg7[%arg0, %arg1, %dma_wait3A_182, %dma_wait3A_183] : memref<2x16x640x128xf32, #tpu.memory_space<hbm>> -> memref<1x1x128x128xf32, #tpu.memory_space<hbm>>
      %dma_wait3A_185 = tpu.memref_squeeze %dma_wait3A_184 : memref<1x1x128x128xf32, #tpu.memory_space<hbm>> -> memref<128x128xf32, #tpu.memory_space<hbm>>
      %dma_wait3A_186 = arith.constant 128 : i32
      %dma_wait3A_187 = arith.constant 0 : i32
      %dma_wait3A_188 = tpu.memref_slice %arg7[%arg0, %arg1, %dma_wait3A_186, %dma_wait3A_187] : memref<2x16x640x128xf32, #tpu.memory_space<hbm>> -> memref<1x1x128x128xf32, #tpu.memory_space<hbm>>
      %dma_wait3A_189 = tpu.memref_squeeze %dma_wait3A_188 : memref<1x1x128x128xf32, #tpu.memory_space<hbm>> -> memref<128x128xf32, #tpu.memory_space<hbm>>
      %dma_wait3A_190 = arith.constant 0 : i32
      %dma_wait3A_191 = arith.constant 0 : i32
      %dma_wait3A_192 = tpu.memref_slice %arg9[%run_scoped3A_143, %dma_wait3A_190, %dma_wait3A_191] : memref<2x128x128xf32, #tpu.memory_space<vmem>> -> memref<1x128x128xf32, #tpu.memory_space<vmem>>
      %dma_wait3A_193 = tpu.memref_squeeze %dma_wait3A_192 : memref<1x128x128xf32, #tpu.memory_space<vmem>> -> memref<128x128xf32, #tpu.memory_space<vmem>>
      tpu.wait_dma2 semaphore(%run_scoped3A_162 : memref<!tpu.dma_semaphore, #tpu.memory_space<semaphore_mem>>) src(%dma_wait3A_193 : memref<128x128xf32, #tpu.memory_space<vmem>>) dst(%dma_wait3A_189 : memref<128x128xf32, #tpu.memory_space<hbm>>)
      tpu.yield
    }) : () -> ()
    %mul3A_144 = arith.constant 640 : i32
    %mul3A_145 = arith.muli %arg1, %mul3A_144 : i32
    %add3A_146 = arith.constant 256 : i32
    %add3A_147 = arith.addi %mul3A_145, %add3A_146 : i32
    %run_scoped3A_148 = arith.constant 0 : i32
    "tpu.region"() ({
      %run_scoped3A_162 = tpu.sem_alloc : memref<!tpu.dma_semaphore, #tpu.memory_space<semaphore_mem>>
      %dma_start3A_163 = arith.constant 0 : i32
      %dma_start3A_164 = arith.constant 0 : i32
      %dma_start3A_165 = tpu.memref_slice %arg9[%run_scoped3A_148, %dma_start3A_163, %dma_start3A_164] : memref<2x128x128xf32, #tpu.memory_space<vmem>> -> memref<1x128x128xf32, #tpu.memory_space<vmem>>
      %dma_start3A_166 = tpu.memref_squeeze %dma_start3A_165 : memref<1x128x128xf32, #tpu.memory_space<vmem>> -> memref<128x128xf32, #tpu.memory_space<vmem>>
      %dma_start3A_167 = arith.constant 0 : i32
      %dma_start3A_168 = tpu.memref_slice %arg10[%add3A_147, %dma_start3A_167] : memref<10240x128xf32, #tpu.memory_space<vmem_shared>> -> memref<128x128xf32, #tpu.memory_space<vmem_shared>>
      %dma_start3A_169 = arith.constant 0 : i32
      %dma_start3A_170 = arith.constant 0 : i32
      %dma_start3A_171 = tpu.memref_slice %arg9[%run_scoped3A_148, %dma_start3A_169, %dma_start3A_170] : memref<2x128x128xf32, #tpu.memory_space<vmem>> -> memref<1x128x128xf32, #tpu.memory_space<vmem>>
      %dma_start3A_172 = tpu.memref_squeeze %dma_start3A_171 : memref<1x128x128xf32, #tpu.memory_space<vmem>> -> memref<128x128xf32, #tpu.memory_space<vmem>>
      %dma_start3A_173 = arith.constant 0 : i32
      %dma_start3A_174 = tpu.memref_slice %arg10[%add3A_147, %dma_start3A_173] : memref<10240x128xf32, #tpu.memory_space<vmem_shared>> -> memref<128x128xf32, #tpu.memory_space<vmem_shared>>
      tpu.enqueue_dma source(%dma_start3A_174 : memref<128x128xf32, #tpu.memory_space<vmem_shared>>) target(%dma_start3A_172 : memref<128x128xf32, #tpu.memory_space<vmem>>) target_semaphore(%run_scoped3A_162 : memref<!tpu.dma_semaphore, #tpu.memory_space<semaphore_mem>>)
      %dma_wait3A = arith.constant 0 : i32
      %dma_wait3A_175 = arith.constant 0 : i32
      %dma_wait3A_176 = tpu.memref_slice %arg9[%run_scoped3A_148, %dma_wait3A, %dma_wait3A_175] : memref<2x128x128xf32, #tpu.memory_space<vmem>> -> memref<1x128x128xf32, #tpu.memory_space<vmem>>
      %dma_wait3A_177 = tpu.memref_squeeze %dma_wait3A_176 : memref<1x128x128xf32, #tpu.memory_space<vmem>> -> memref<128x128xf32, #tpu.memory_space<vmem>>
      %dma_wait3A_178 = arith.constant 0 : i32
      %dma_wait3A_179 = tpu.memref_slice %arg10[%add3A_147, %dma_wait3A_178] : memref<10240x128xf32, #tpu.memory_space<vmem_shared>> -> memref<128x128xf32, #tpu.memory_space<vmem_shared>>
      %dma_wait3A_180 = arith.constant 0 : i32
      %dma_wait3A_181 = arith.constant 0 : i32
      %dma_wait3A_182 = tpu.memref_slice %arg9[%run_scoped3A_148, %dma_wait3A_180, %dma_wait3A_181] : memref<2x128x128xf32, #tpu.memory_space<vmem>> -> memref<1x128x128xf32, #tpu.memory_space<vmem>>
      %dma_wait3A_183 = tpu.memref_squeeze %dma_wait3A_182 : memref<1x128x128xf32, #tpu.memory_space<vmem>> -> memref<128x128xf32, #tpu.memory_space<vmem>>
      %dma_wait3A_184 = arith.constant 0 : i32
      %dma_wait3A_185 = tpu.memref_slice %arg10[%add3A_147, %dma_wait3A_184] : memref<10240x128xf32, #tpu.memory_space<vmem_shared>> -> memref<128x128xf32, #tpu.memory_space<vmem_shared>>
      tpu.wait_dma2 semaphore(%run_scoped3A_162 : memref<!tpu.dma_semaphore, #tpu.memory_space<semaphore_mem>>) src(%dma_wait3A_185 : memref<128x128xf32, #tpu.memory_space<vmem_shared>>) dst(%dma_wait3A_183 : memref<128x128xf32, #tpu.memory_space<vmem>>)
      tpu.yield
    }) : () -> ()
    %run_scoped3A_149 = arith.constant 0 : i32
    "tpu.region"() ({
      %run_scoped3A_162 = tpu.sem_alloc : memref<!tpu.dma_semaphore, #tpu.memory_space<semaphore_mem>>
      %dma_start3A_163 = arith.constant 0 : i32
      %dma_start3A_164 = arith.constant 0 : i32
      %dma_start3A_165 = tpu.memref_slice %arg9[%run_scoped3A_149, %dma_start3A_163, %dma_start3A_164] : memref<2x128x128xf32, #tpu.memory_space<vmem>> -> memref<1x128x128xf32, #tpu.memory_space<vmem>>
      %dma_start3A_166 = tpu.memref_squeeze %dma_start3A_165 : memref<1x128x128xf32, #tpu.memory_space<vmem>> -> memref<128x128xf32, #tpu.memory_space<vmem>>
      %dma_start3A_167 = arith.constant 256 : i32
      %dma_start3A_168 = arith.constant 0 : i32
      %dma_start3A_169 = tpu.memref_slice %arg7[%arg0, %arg1, %dma_start3A_167, %dma_start3A_168] : memref<2x16x640x128xf32, #tpu.memory_space<hbm>> -> memref<1x1x128x128xf32, #tpu.memory_space<hbm>>
      %dma_start3A_170 = tpu.memref_squeeze %dma_start3A_169 : memref<1x1x128x128xf32, #tpu.memory_space<hbm>> -> memref<128x128xf32, #tpu.memory_space<hbm>>
      %dma_start3A_171 = arith.constant 256 : i32
      %dma_start3A_172 = arith.constant 0 : i32
      %dma_start3A_173 = tpu.memref_slice %arg7[%arg0, %arg1, %dma_start3A_171, %dma_start3A_172] : memref<2x16x640x128xf32, #tpu.memory_space<hbm>> -> memref<1x1x128x128xf32, #tpu.memory_space<hbm>>
      %dma_start3A_174 = tpu.memref_squeeze %dma_start3A_173 : memref<1x1x128x128xf32, #tpu.memory_space<hbm>> -> memref<128x128xf32, #tpu.memory_space<hbm>>
      %dma_start3A_175 = arith.constant 0 : i32
      %dma_start3A_176 = arith.constant 0 : i32
      %dma_start3A_177 = tpu.memref_slice %arg9[%run_scoped3A_149, %dma_start3A_175, %dma_start3A_176] : memref<2x128x128xf32, #tpu.memory_space<vmem>> -> memref<1x128x128xf32, #tpu.memory_space<vmem>>
      %dma_start3A_178 = tpu.memref_squeeze %dma_start3A_177 : memref<1x128x128xf32, #tpu.memory_space<vmem>> -> memref<128x128xf32, #tpu.memory_space<vmem>>
      tpu.enqueue_dma source(%dma_start3A_178 : memref<128x128xf32, #tpu.memory_space<vmem>>) target(%dma_start3A_174 : memref<128x128xf32, #tpu.memory_space<hbm>>) target_semaphore(%run_scoped3A_162 : memref<!tpu.dma_semaphore, #tpu.memory_space<semaphore_mem>>)
      %dma_wait3A = arith.constant 0 : i32
      %dma_wait3A_179 = arith.constant 0 : i32
      %dma_wait3A_180 = tpu.memref_slice %arg9[%run_scoped3A_149, %dma_wait3A, %dma_wait3A_179] : memref<2x128x128xf32, #tpu.memory_space<vmem>> -> memref<1x128x128xf32, #tpu.memory_space<vmem>>
      %dma_wait3A_181 = tpu.memref_squeeze %dma_wait3A_180 : memref<1x128x128xf32, #tpu.memory_space<vmem>> -> memref<128x128xf32, #tpu.memory_space<vmem>>
      %dma_wait3A_182 = arith.constant 256 : i32
      %dma_wait3A_183 = arith.constant 0 : i32
      %dma_wait3A_184 = tpu.memref_slice %arg7[%arg0, %arg1, %dma_wait3A_182, %dma_wait3A_183] : memref<2x16x640x128xf32, #tpu.memory_space<hbm>> -> memref<1x1x128x128xf32, #tpu.memory_space<hbm>>
      %dma_wait3A_185 = tpu.memref_squeeze %dma_wait3A_184 : memref<1x1x128x128xf32, #tpu.memory_space<hbm>> -> memref<128x128xf32, #tpu.memory_space<hbm>>
      %dma_wait3A_186 = arith.constant 256 : i32
      %dma_wait3A_187 = arith.constant 0 : i32
      %dma_wait3A_188 = tpu.memref_slice %arg7[%arg0, %arg1, %dma_wait3A_186, %dma_wait3A_187] : memref<2x16x640x128xf32, #tpu.memory_space<hbm>> -> memref<1x1x128x128xf32, #tpu.memory_space<hbm>>
      %dma_wait3A_189 = tpu.memref_squeeze %dma_wait3A_188 : memref<1x1x128x128xf32, #tpu.memory_space<hbm>> -> memref<128x128xf32, #tpu.memory_space<hbm>>
      %dma_wait3A_190 = arith.constant 0 : i32
      %dma_wait3A_191 = arith.constant 0 : i32
      %dma_wait3A_192 = tpu.memref_slice %arg9[%run_scoped3A_149, %dma_wait3A_190, %dma_wait3A_191] : memref<2x128x128xf32, #tpu.memory_space<vmem>> -> memref<1x128x128xf32, #tpu.memory_space<vmem>>
      %dma_wait3A_193 = tpu.memref_squeeze %dma_wait3A_192 : memref<1x128x128xf32, #tpu.memory_space<vmem>> -> memref<128x128xf32, #tpu.memory_space<vmem>>
      tpu.wait_dma2 semaphore(%run_scoped3A_162 : memref<!tpu.dma_semaphore, #tpu.memory_space<semaphore_mem>>) src(%dma_wait3A_193 : memref<128x128xf32, #tpu.memory_space<vmem>>) dst(%dma_wait3A_189 : memref<128x128xf32, #tpu.memory_space<hbm>>)
      tpu.yield
    }) : () -> ()
    %mul3A_150 = arith.constant 640 : i32
    %mul3A_151 = arith.muli %arg1, %mul3A_150 : i32
    %add3A_152 = arith.constant 384 : i32
    %add3A_153 = arith.addi %mul3A_151, %add3A_152 : i32
    %run_scoped3A_154 = arith.constant 0 : i32
    "tpu.region"() ({
      %run_scoped3A_162 = tpu.sem_alloc : memref<!tpu.dma_semaphore, #tpu.memory_space<semaphore_mem>>
      %dma_start3A_163 = arith.constant 0 : i32
      %dma_start3A_164 = arith.constant 0 : i32
      %dma_start3A_165 = tpu.memref_slice %arg9[%run_scoped3A_154, %dma_start3A_163, %dma_start3A_164] : memref<2x128x128xf32, #tpu.memory_space<vmem>> -> memref<1x128x128xf32, #tpu.memory_space<vmem>>
      %dma_start3A_166 = tpu.memref_squeeze %dma_start3A_165 : memref<1x128x128xf32, #tpu.memory_space<vmem>> -> memref<128x128xf32, #tpu.memory_space<vmem>>
      %dma_start3A_167 = arith.constant 0 : i32
      %dma_start3A_168 = tpu.memref_slice %arg10[%add3A_153, %dma_start3A_167] : memref<10240x128xf32, #tpu.memory_space<vmem_shared>> -> memref<128x128xf32, #tpu.memory_space<vmem_shared>>
      %dma_start3A_169 = arith.constant 0 : i32
      %dma_start3A_170 = arith.constant 0 : i32
      %dma_start3A_171 = tpu.memref_slice %arg9[%run_scoped3A_154, %dma_start3A_169, %dma_start3A_170] : memref<2x128x128xf32, #tpu.memory_space<vmem>> -> memref<1x128x128xf32, #tpu.memory_space<vmem>>
      %dma_start3A_172 = tpu.memref_squeeze %dma_start3A_171 : memref<1x128x128xf32, #tpu.memory_space<vmem>> -> memref<128x128xf32, #tpu.memory_space<vmem>>
      %dma_start3A_173 = arith.constant 0 : i32
      %dma_start3A_174 = tpu.memref_slice %arg10[%add3A_153, %dma_start3A_173] : memref<10240x128xf32, #tpu.memory_space<vmem_shared>> -> memref<128x128xf32, #tpu.memory_space<vmem_shared>>
      tpu.enqueue_dma source(%dma_start3A_174 : memref<128x128xf32, #tpu.memory_space<vmem_shared>>) target(%dma_start3A_172 : memref<128x128xf32, #tpu.memory_space<vmem>>) target_semaphore(%run_scoped3A_162 : memref<!tpu.dma_semaphore, #tpu.memory_space<semaphore_mem>>)
      %dma_wait3A = arith.constant 0 : i32
      %dma_wait3A_175 = arith.constant 0 : i32
      %dma_wait3A_176 = tpu.memref_slice %arg9[%run_scoped3A_154, %dma_wait3A, %dma_wait3A_175] : memref<2x128x128xf32, #tpu.memory_space<vmem>> -> memref<1x128x128xf32, #tpu.memory_space<vmem>>
      %dma_wait3A_177 = tpu.memref_squeeze %dma_wait3A_176 : memref<1x128x128xf32, #tpu.memory_space<vmem>> -> memref<128x128xf32, #tpu.memory_space<vmem>>
      %dma_wait3A_178 = arith.constant 0 : i32
      %dma_wait3A_179 = tpu.memref_slice %arg10[%add3A_153, %dma_wait3A_178] : memref<10240x128xf32, #tpu.memory_space<vmem_shared>> -> memref<128x128xf32, #tpu.memory_space<vmem_shared>>
      %dma_wait3A_180 = arith.constant 0 : i32
      %dma_wait3A_181 = arith.constant 0 : i32
      %dma_wait3A_182 = tpu.memref_slice %arg9[%run_scoped3A_154, %dma_wait3A_180, %dma_wait3A_181] : memref<2x128x128xf32, #tpu.memory_space<vmem>> -> memref<1x128x128xf32, #tpu.memory_space<vmem>>
      %dma_wait3A_183 = tpu.memref_squeeze %dma_wait3A_182 : memref<1x128x128xf32, #tpu.memory_space<vmem>> -> memref<128x128xf32, #tpu.memory_space<vmem>>
      %dma_wait3A_184 = arith.constant 0 : i32
      %dma_wait3A_185 = tpu.memref_slice %arg10[%add3A_153, %dma_wait3A_184] : memref<10240x128xf32, #tpu.memory_space<vmem_shared>> -> memref<128x128xf32, #tpu.memory_space<vmem_shared>>
      tpu.wait_dma2 semaphore(%run_scoped3A_162 : memref<!tpu.dma_semaphore, #tpu.memory_space<semaphore_mem>>) src(%dma_wait3A_185 : memref<128x128xf32, #tpu.memory_space<vmem_shared>>) dst(%dma_wait3A_183 : memref<128x128xf32, #tpu.memory_space<vmem>>)
      tpu.yield
    }) : () -> ()
    %run_scoped3A_155 = arith.constant 0 : i32
    "tpu.region"() ({
      %run_scoped3A_162 = tpu.sem_alloc : memref<!tpu.dma_semaphore, #tpu.memory_space<semaphore_mem>>
      %dma_start3A_163 = arith.constant 0 : i32
      %dma_start3A_164 = arith.constant 0 : i32
      %dma_start3A_165 = tpu.memref_slice %arg9[%run_scoped3A_155, %dma_start3A_163, %dma_start3A_164] : memref<2x128x128xf32, #tpu.memory_space<vmem>> -> memref<1x128x128xf32, #tpu.memory_space<vmem>>
      %dma_start3A_166 = tpu.memref_squeeze %dma_start3A_165 : memref<1x128x128xf32, #tpu.memory_space<vmem>> -> memref<128x128xf32, #tpu.memory_space<vmem>>
      %dma_start3A_167 = arith.constant 384 : i32
      %dma_start3A_168 = arith.constant 0 : i32
      %dma_start3A_169 = tpu.memref_slice %arg7[%arg0, %arg1, %dma_start3A_167, %dma_start3A_168] : memref<2x16x640x128xf32, #tpu.memory_space<hbm>> -> memref<1x1x128x128xf32, #tpu.memory_space<hbm>>
      %dma_start3A_170 = tpu.memref_squeeze %dma_start3A_169 : memref<1x1x128x128xf32, #tpu.memory_space<hbm>> -> memref<128x128xf32, #tpu.memory_space<hbm>>
      %dma_start3A_171 = arith.constant 384 : i32
      %dma_start3A_172 = arith.constant 0 : i32
      %dma_start3A_173 = tpu.memref_slice %arg7[%arg0, %arg1, %dma_start3A_171, %dma_start3A_172] : memref<2x16x640x128xf32, #tpu.memory_space<hbm>> -> memref<1x1x128x128xf32, #tpu.memory_space<hbm>>
      %dma_start3A_174 = tpu.memref_squeeze %dma_start3A_173 : memref<1x1x128x128xf32, #tpu.memory_space<hbm>> -> memref<128x128xf32, #tpu.memory_space<hbm>>
      %dma_start3A_175 = arith.constant 0 : i32
      %dma_start3A_176 = arith.constant 0 : i32
      %dma_start3A_177 = tpu.memref_slice %arg9[%run_scoped3A_155, %dma_start3A_175, %dma_start3A_176] : memref<2x128x128xf32, #tpu.memory_space<vmem>> -> memref<1x128x128xf32, #tpu.memory_space<vmem>>
      %dma_start3A_178 = tpu.memref_squeeze %dma_start3A_177 : memref<1x128x128xf32, #tpu.memory_space<vmem>> -> memref<128x128xf32, #tpu.memory_space<vmem>>
      tpu.enqueue_dma source(%dma_start3A_178 : memref<128x128xf32, #tpu.memory_space<vmem>>) target(%dma_start3A_174 : memref<128x128xf32, #tpu.memory_space<hbm>>) target_semaphore(%run_scoped3A_162 : memref<!tpu.dma_semaphore, #tpu.memory_space<semaphore_mem>>)
      %dma_wait3A = arith.constant 0 : i32
      %dma_wait3A_179 = arith.constant 0 : i32
      %dma_wait3A_180 = tpu.memref_slice %arg9[%run_scoped3A_155, %dma_wait3A, %dma_wait3A_179] : memref<2x128x128xf32, #tpu.memory_space<vmem>> -> memref<1x128x128xf32, #tpu.memory_space<vmem>>
      %dma_wait3A_181 = tpu.memref_squeeze %dma_wait3A_180 : memref<1x128x128xf32, #tpu.memory_space<vmem>> -> memref<128x128xf32, #tpu.memory_space<vmem>>
      %dma_wait3A_182 = arith.constant 384 : i32
      %dma_wait3A_183 = arith.constant 0 : i32
      %dma_wait3A_184 = tpu.memref_slice %arg7[%arg0, %arg1, %dma_wait3A_182, %dma_wait3A_183] : memref<2x16x640x128xf32, #tpu.memory_space<hbm>> -> memref<1x1x128x128xf32, #tpu.memory_space<hbm>>
      %dma_wait3A_185 = tpu.memref_squeeze %dma_wait3A_184 : memref<1x1x128x128xf32, #tpu.memory_space<hbm>> -> memref<128x128xf32, #tpu.memory_space<hbm>>
      %dma_wait3A_186 = arith.constant 384 : i32
      %dma_wait3A_187 = arith.constant 0 : i32
      %dma_wait3A_188 = tpu.memref_slice %arg7[%arg0, %arg1, %dma_wait3A_186, %dma_wait3A_187] : memref<2x16x640x128xf32, #tpu.memory_space<hbm>> -> memref<1x1x128x128xf32, #tpu.memory_space<hbm>>
      %dma_wait3A_189 = tpu.memref_squeeze %dma_wait3A_188 : memref<1x1x128x128xf32, #tpu.memory_space<hbm>> -> memref<128x128xf32, #tpu.memory_space<hbm>>
      %dma_wait3A_190 = arith.constant 0 : i32
      %dma_wait3A_191 = arith.constant 0 : i32
      %dma_wait3A_192 = tpu.memref_slice %arg9[%run_scoped3A_155, %dma_wait3A_190, %dma_wait3A_191] : memref<2x128x128xf32, #tpu.memory_space<vmem>> -> memref<1x128x128xf32, #tpu.memory_space<vmem>>
      %dma_wait3A_193 = tpu.memref_squeeze %dma_wait3A_192 : memref<1x128x128xf32, #tpu.memory_space<vmem>> -> memref<128x128xf32, #tpu.memory_space<vmem>>
      tpu.wait_dma2 semaphore(%run_scoped3A_162 : memref<!tpu.dma_semaphore, #tpu.memory_space<semaphore_mem>>) src(%dma_wait3A_193 : memref<128x128xf32, #tpu.memory_space<vmem>>) dst(%dma_wait3A_189 : memref<128x128xf32, #tpu.memory_space<hbm>>)
      tpu.yield
    }) : () -> ()
    %mul3A_156 = arith.constant 640 : i32
    %mul3A_157 = arith.muli %arg1, %mul3A_156 : i32
    %add3A_158 = arith.constant 512 : i32
    %add3A_159 = arith.addi %mul3A_157, %add3A_158 : i32
    %run_scoped3A_160 = arith.constant 0 : i32
    "tpu.region"() ({
      %run_scoped3A_162 = tpu.sem_alloc : memref<!tpu.dma_semaphore, #tpu.memory_space<semaphore_mem>>
      %dma_start3A_163 = arith.constant 0 : i32
      %dma_start3A_164 = arith.constant 0 : i32
      %dma_start3A_165 = tpu.memref_slice %arg9[%run_scoped3A_160, %dma_start3A_163, %dma_start3A_164] : memref<2x128x128xf32, #tpu.memory_space<vmem>> -> memref<1x128x128xf32, #tpu.memory_space<vmem>>
      %dma_start3A_166 = tpu.memref_squeeze %dma_start3A_165 : memref<1x128x128xf32, #tpu.memory_space<vmem>> -> memref<128x128xf32, #tpu.memory_space<vmem>>
      %dma_start3A_167 = arith.constant 0 : i32
      %dma_start3A_168 = tpu.memref_slice %arg10[%add3A_159, %dma_start3A_167] : memref<10240x128xf32, #tpu.memory_space<vmem_shared>> -> memref<128x128xf32, #tpu.memory_space<vmem_shared>>
      %dma_start3A_169 = arith.constant 0 : i32
      %dma_start3A_170 = arith.constant 0 : i32
      %dma_start3A_171 = tpu.memref_slice %arg9[%run_scoped3A_160, %dma_start3A_169, %dma_start3A_170] : memref<2x128x128xf32, #tpu.memory_space<vmem>> -> memref<1x128x128xf32, #tpu.memory_space<vmem>>
      %dma_start3A_172 = tpu.memref_squeeze %dma_start3A_171 : memref<1x128x128xf32, #tpu.memory_space<vmem>> -> memref<128x128xf32, #tpu.memory_space<vmem>>
      %dma_start3A_173 = arith.constant 0 : i32
      %dma_start3A_174 = tpu.memref_slice %arg10[%add3A_159, %dma_start3A_173] : memref<10240x128xf32, #tpu.memory_space<vmem_shared>> -> memref<128x128xf32, #tpu.memory_space<vmem_shared>>
      tpu.enqueue_dma source(%dma_start3A_174 : memref<128x128xf32, #tpu.memory_space<vmem_shared>>) target(%dma_start3A_172 : memref<128x128xf32, #tpu.memory_space<vmem>>) target_semaphore(%run_scoped3A_162 : memref<!tpu.dma_semaphore, #tpu.memory_space<semaphore_mem>>)
      %dma_wait3A = arith.constant 0 : i32
      %dma_wait3A_175 = arith.constant 0 : i32
      %dma_wait3A_176 = tpu.memref_slice %arg9[%run_scoped3A_160, %dma_wait3A, %dma_wait3A_175] : memref<2x128x128xf32, #tpu.memory_space<vmem>> -> memref<1x128x128xf32, #tpu.memory_space<vmem>>
      %dma_wait3A_177 = tpu.memref_squeeze %dma_wait3A_176 : memref<1x128x128xf32, #tpu.memory_space<vmem>> -> memref<128x128xf32, #tpu.memory_space<vmem>>
      %dma_wait3A_178 = arith.constant 0 : i32
      %dma_wait3A_179 = tpu.memref_slice %arg10[%add3A_159, %dma_wait3A_178] : memref<10240x128xf32, #tpu.memory_space<vmem_shared>> -> memref<128x128xf32, #tpu.memory_space<vmem_shared>>
      %dma_wait3A_180 = arith.constant 0 : i32
      %dma_wait3A_181 = arith.constant 0 : i32
      %dma_wait3A_182 = tpu.memref_slice %arg9[%run_scoped3A_160, %dma_wait3A_180, %dma_wait3A_181] : memref<2x128x128xf32, #tpu.memory_space<vmem>> -> memref<1x128x128xf32, #tpu.memory_space<vmem>>
      %dma_wait3A_183 = tpu.memref_squeeze %dma_wait3A_182 : memref<1x128x128xf32, #tpu.memory_space<vmem>> -> memref<128x128xf32, #tpu.memory_space<vmem>>
      %dma_wait3A_184 = arith.constant 0 : i32
      %dma_wait3A_185 = tpu.memref_slice %arg10[%add3A_159, %dma_wait3A_184] : memref<10240x128xf32, #tpu.memory_space<vmem_shared>> -> memref<128x128xf32, #tpu.memory_space<vmem_shared>>
      tpu.wait_dma2 semaphore(%run_scoped3A_162 : memref<!tpu.dma_semaphore, #tpu.memory_space<semaphore_mem>>) src(%dma_wait3A_185 : memref<128x128xf32, #tpu.memory_space<vmem_shared>>) dst(%dma_wait3A_183 : memref<128x128xf32, #tpu.memory_space<vmem>>)
      tpu.yield
    }) : () -> ()
    %run_scoped3A_161 = arith.constant 0 : i32
    "tpu.region"() ({
      %run_scoped3A_162 = tpu.sem_alloc : memref<!tpu.dma_semaphore, #tpu.memory_space<semaphore_mem>>
      %dma_start3A_163 = arith.constant 0 : i32
      %dma_start3A_164 = arith.constant 0 : i32
      %dma_start3A_165 = tpu.memref_slice %arg9[%run_scoped3A_161, %dma_start3A_163, %dma_start3A_164] : memref<2x128x128xf32, #tpu.memory_space<vmem>> -> memref<1x128x128xf32, #tpu.memory_space<vmem>>
      %dma_start3A_166 = tpu.memref_squeeze %dma_start3A_165 : memref<1x128x128xf32, #tpu.memory_space<vmem>> -> memref<128x128xf32, #tpu.memory_space<vmem>>
      %dma_start3A_167 = arith.constant 512 : i32
      %dma_start3A_168 = arith.constant 0 : i32
      %dma_start3A_169 = tpu.memref_slice %arg7[%arg0, %arg1, %dma_start3A_167, %dma_start3A_168] : memref<2x16x640x128xf32, #tpu.memory_space<hbm>> -> memref<1x1x128x128xf32, #tpu.memory_space<hbm>>
      %dma_start3A_170 = tpu.memref_squeeze %dma_start3A_169 : memref<1x1x128x128xf32, #tpu.memory_space<hbm>> -> memref<128x128xf32, #tpu.memory_space<hbm>>
      %dma_start3A_171 = arith.constant 512 : i32
      %dma_start3A_172 = arith.constant 0 : i32
      %dma_start3A_173 = tpu.memref_slice %arg7[%arg0, %arg1, %dma_start3A_171, %dma_start3A_172] : memref<2x16x640x128xf32, #tpu.memory_space<hbm>> -> memref<1x1x128x128xf32, #tpu.memory_space<hbm>>
      %dma_start3A_174 = tpu.memref_squeeze %dma_start3A_173 : memref<1x1x128x128xf32, #tpu.memory_space<hbm>> -> memref<128x128xf32, #tpu.memory_space<hbm>>
      %dma_start3A_175 = arith.constant 0 : i32
      %dma_start3A_176 = arith.constant 0 : i32
      %dma_start3A_177 = tpu.memref_slice %arg9[%run_scoped3A_161, %dma_start3A_175, %dma_start3A_176] : memref<2x128x128xf32, #tpu.memory_space<vmem>> -> memref<1x128x128xf32, #tpu.memory_space<vmem>>
      %dma_start3A_178 = tpu.memref_squeeze %dma_start3A_177 : memref<1x128x128xf32, #tpu.memory_space<vmem>> -> memref<128x128xf32, #tpu.memory_space<vmem>>
      tpu.enqueue_dma source(%dma_start3A_178 : memref<128x128xf32, #tpu.memory_space<vmem>>) target(%dma_start3A_174 : memref<128x128xf32, #tpu.memory_space<hbm>>) target_semaphore(%run_scoped3A_162 : memref<!tpu.dma_semaphore, #tpu.memory_space<semaphore_mem>>)
      %dma_wait3A = arith.constant 0 : i32
      %dma_wait3A_179 = arith.constant 0 : i32
      %dma_wait3A_180 = tpu.memref_slice %arg9[%run_scoped3A_161, %dma_wait3A, %dma_wait3A_179] : memref<2x128x128xf32, #tpu.memory_space<vmem>> -> memref<1x128x128xf32, #tpu.memory_space<vmem>>
      %dma_wait3A_181 = tpu.memref_squeeze %dma_wait3A_180 : memref<1x128x128xf32, #tpu.memory_space<vmem>> -> memref<128x128xf32, #tpu.memory_space<vmem>>
      %dma_wait3A_182 = arith.constant 512 : i32
      %dma_wait3A_183 = arith.constant 0 : i32
      %dma_wait3A_184 = tpu.memref_slice %arg7[%arg0, %arg1, %dma_wait3A_182, %dma_wait3A_183] : memref<2x16x640x128xf32, #tpu.memory_space<hbm>> -> memref<1x1x128x128xf32, #tpu.memory_space<hbm>>
      %dma_wait3A_185 = tpu.memref_squeeze %dma_wait3A_184 : memref<1x1x128x128xf32, #tpu.memory_space<hbm>> -> memref<128x128xf32, #tpu.memory_space<hbm>>
      %dma_wait3A_186 = arith.constant 512 : i32
      %dma_wait3A_187 = arith.constant 0 : i32
      %dma_wait3A_188 = tpu.memref_slice %arg7[%arg0, %arg1, %dma_wait3A_186, %dma_wait3A_187] : memref<2x16x640x128xf32, #tpu.memory_space<hbm>> -> memref<1x1x128x128xf32, #tpu.memory_space<hbm>>
      %dma_wait3A_189 = tpu.memref_squeeze %dma_wait3A_188 : memref<1x1x128x128xf32, #tpu.memory_space<hbm>> -> memref<128x128xf32, #tpu.memory_space<hbm>>
      %dma_wait3A_190 = arith.constant 0 : i32
      %dma_wait3A_191 = arith.constant 0 : i32
      %dma_wait3A_192 = tpu.memref_slice %arg9[%run_scoped3A_161, %dma_wait3A_190, %dma_wait3A_191] : memref<2x128x128xf32, #tpu.memory_space<vmem>> -> memref<1x128x128xf32, #tpu.memory_space<vmem>>
      %dma_wait3A_193 = tpu.memref_squeeze %dma_wait3A_192 : memref<1x128x128xf32, #tpu.memory_space<vmem>> -> memref<128x128xf32, #tpu.memory_space<vmem>>
      tpu.wait_dma2 semaphore(%run_scoped3A_162 : memref<!tpu.dma_semaphore, #tpu.memory_space<semaphore_mem>>) src(%dma_wait3A_193 : memref<128x128xf32, #tpu.memory_space<vmem>>) dst(%dma_wait3A_189 : memref<128x128xf32, #tpu.memory_space<hbm>>)
      tpu.yield
    }) : () -> ()
    return
  }
}

module attributes {stable_mosaic.version = 14 : i64} {
  func.func @_tc_norm(%arg0: i32, %arg1: memref<1024x128xf32, #tpu.memory_space<vmem>>, %arg2: memref<10x2x128xf32, #tpu.memory_space<vmem>>, %arg3: memref<1x128xf32, #tpu.memory_space<vmem>>, %arg4: memref<1x128xf32, #tpu.memory_space<vmem>>, %arg5: memref<1024x128xf32, #tpu.memory_space<vmem>>) attributes {dimension_semantics = [#tpu.dimension_semantics<arbitrary>], iteration_bounds = array<i64: 10>, scalar_prefetch = 0 : i64, scratch_operands = 0 : i64, tpu.core_type = #tpu.core_type<tc>, window_params = [{transform_indices = @transform_0, window_bounds = array<i64: 1024, 128>}, {pipeline_mode = #tpu.pipeline_mode<synchronous>, transform_indices = @transform_1, window_bounds = array<i64: 10, 2, 128>}, {pipeline_mode = #tpu.pipeline_mode<synchronous>, transform_indices = @transform_2, window_bounds = array<i64: 1, 128>}, {pipeline_mode = #tpu.pipeline_mode<synchronous>, transform_indices = @transform_3, window_bounds = array<i64: 1, 128>}, {transform_indices = @transform_4, window_bounds = array<i64: 1024, 128>}]} {
    %get3A = arith.constant 0 : index
    %get3A_0 = arith.constant 0 : index
    %get3A_1 = arith.constant 0 : index
    %get3A_2 = vector.load %arg2[%get3A, %get3A_0, %get3A_1] : memref<10x2x128xf32, #tpu.memory_space<vmem>>, vector<10x2x128xf32>
    %slice3A = vector.extract_strided_slice %get3A_2 {offsets = [0, 0, 0], sizes = [10, 1, 128], strides = [1, 1, 1]} : vector<10x2x128xf32> to vector<10x1x128xf32>
    %squeeze3A = vector.shape_cast %slice3A : vector<10x1x128xf32> to vector<10x128xf32>
    %reduce_sum3A = arith.constant dense<0.000000e+00> : vector<128xf32>
    %reduce_sum3A_3 = vector.multi_reduction <add>, %squeeze3A, %reduce_sum3A [0] : vector<10x128xf32> to vector<128xf32>
    %broadcast_in_dim3A = vector.shape_cast %reduce_sum3A_3 : vector<128xf32> to vector<1x128xf32>
    %mul3A = arith.constant 9.99999974E-5 : f32
    %mul3A_4 = vector.broadcast %mul3A : f32 to vector<1x128xf32>
    %mul3A_5 = arith.mulf %broadcast_in_dim3A, %mul3A_4 : vector<1x128xf32>
    %slice3A_6 = vector.extract_strided_slice %get3A_2 {offsets = [0, 1, 0], sizes = [10, 1, 128], strides = [1, 1, 1]} : vector<10x2x128xf32> to vector<10x1x128xf32>
    %squeeze3A_7 = vector.shape_cast %slice3A_6 : vector<10x1x128xf32> to vector<10x128xf32>
    %reduce_sum3A_8 = arith.constant dense<0.000000e+00> : vector<128xf32>
    %reduce_sum3A_9 = vector.multi_reduction <add>, %squeeze3A_7, %reduce_sum3A_8 [0] : vector<10x128xf32> to vector<128xf32>
    %broadcast_in_dim3A_10 = vector.shape_cast %reduce_sum3A_9 : vector<128xf32> to vector<1x128xf32>
    %mul3A_11 = arith.constant 9.99999974E-5 : f32
    %mul3A_12 = vector.broadcast %mul3A_11 : f32 to vector<1x128xf32>
    %mul3A_13 = arith.mulf %broadcast_in_dim3A_10, %mul3A_12 : vector<1x128xf32>
    %mul3A_14 = arith.mulf %mul3A_5, %mul3A_5 : vector<1x128xf32>
    %sub3A = arith.subf %mul3A_13, %mul3A_14 : vector<1x128xf32>
    %get3A_15 = arith.constant 0 : index
    %get3A_16 = arith.constant 0 : index
    %get3A_17 = vector.load %arg3[%get3A_15, %get3A_16] : memref<1x128xf32, #tpu.memory_space<vmem>>, vector<1x128xf32>
    %add3A = arith.constant 9.99999974E-6 : f32
    %add3A_18 = vector.broadcast %add3A : f32 to vector<1x128xf32>
    %add3A_19 = arith.addf %sub3A, %add3A_18 : vector<1x128xf32>
    %rsqrt3A = math.rsqrt %add3A_19 : vector<1x128xf32>
    %mul3A_20 = arith.mulf %get3A_17, %rsqrt3A : vector<1x128xf32>
    %get3A_21 = arith.constant 0 : index
    %get3A_22 = arith.constant 0 : index
    %get3A_23 = vector.load %arg1[%get3A_21, %get3A_22] : memref<1024x128xf32, #tpu.memory_space<vmem>>, vector<1024x128xf32>
    %sub3A_24 = vector.broadcast %mul3A_5 : vector<1x128xf32> to vector<1024x128xf32>
    %sub3A_25 = arith.subf %get3A_23, %sub3A_24 : vector<1024x128xf32>
    %mul3A_26 = vector.broadcast %mul3A_20 : vector<1x128xf32> to vector<1024x128xf32>
    %mul3A_27 = arith.mulf %sub3A_25, %mul3A_26 : vector<1024x128xf32>
    %get3A_28 = arith.constant 0 : index
    %get3A_29 = arith.constant 0 : index
    %get3A_30 = vector.load %arg4[%get3A_28, %get3A_29] : memref<1x128xf32, #tpu.memory_space<vmem>>, vector<1x128xf32>
    %add3A_31 = vector.broadcast %get3A_30 : vector<1x128xf32> to vector<1024x128xf32>
    %add3A_32 = arith.addf %mul3A_27, %add3A_31 : vector<1024x128xf32>
    %swap3A = arith.constant 0 : index
    %swap3A_33 = arith.constant 0 : index
    %swap3A_34 = vector.load %arg5[%swap3A, %swap3A_33] : memref<1024x128xf32, #tpu.memory_space<vmem>>, vector<1024x128xf32>
    tpu.vector_store %arg5[%swap3A, %swap3A_33], %add3A_32 {strides = array<i32>} : memref<1024x128xf32, #tpu.memory_space<vmem>>, vector<1024x128xf32>,
    return
  }
  func.func @transform_0(%arg0: i32) -> (i32, i32) {
    %c0_i32 = arith.constant 0 : i32
    %c0_i32_0 = arith.constant 0 : i32
    return %arg0, %c0_i32 : i32, i32
  }
  func.func @transform_1(%arg0: i32) -> (i32, i32, i32) {
    %c0_i32 = arith.constant 0 : i32
    %c0_i32_0 = arith.constant 0 : i32
    %c0_i32_1 = arith.constant 0 : i32
    %c0_i32_2 = arith.constant 0 : i32
    return %c0_i32, %c0_i32_0, %c0_i32_1 : i32, i32, i32
  }
  func.func @transform_2(%arg0: i32) -> (i32, i32) {
    %c0_i32 = arith.constant 0 : i32
    %c0_i32_0 = arith.constant 0 : i32
    %c0_i32_1 = arith.constant 0 : i32
    return %c0_i32, %c0_i32_0 : i32, i32
  }
  func.func @transform_3(%arg0: i32) -> (i32, i32) {
    %c0_i32 = arith.constant 0 : i32
    %c0_i32_0 = arith.constant 0 : i32
    %c0_i32_1 = arith.constant 0 : i32
    return %c0_i32, %c0_i32_0 : i32, i32
  }
  func.func @transform_4(%arg0: i32) -> (i32, i32) {
    %c0_i32 = arith.constant 0 : i32
    %c0_i32_0 = arith.constant 0 : i32
    return %arg0, %c0_i32 : i32, i32
  }
}

module attributes {stable_mosaic.version = 14 : i64} {
  func.func @_tc_dense(%arg0: i32, %arg1: memref<2x1024x128xf32, #tpu.memory_space<vmem>>, %arg2: memref<2x1024x128xf32, #tpu.memory_space<vmem>>, %arg3: memref<1024x128xf32, #tpu.memory_space<vmem>>, %arg4: memref<128x128xf32, #tpu.memory_space<vmem>>, %arg5: memref<128x128xf32, #tpu.memory_space<vmem>>, %arg6: memref<1x128xf32, #tpu.memory_space<vmem>>, %arg7: memref<1024x128xf32, #tpu.memory_space<vmem>>, %arg8: memref<1x2x128xf32, #tpu.memory_space<vmem>>) attributes {dimension_semantics = [#tpu.dimension_semantics<arbitrary>], iteration_bounds = array<i64: 10>, scalar_prefetch = 0 : i64, scratch_operands = 0 : i64, tpu.core_type = #tpu.core_type<tc>, window_params = [{transform_indices = @transform_0, window_bounds = array<i64: 2, 1024, 128>}, {transform_indices = @transform_1, window_bounds = array<i64: 2, 1024, 128>}, {transform_indices = @transform_2, window_bounds = array<i64: 1024, 128>}, {pipeline_mode = #tpu.pipeline_mode<synchronous>, transform_indices = @transform_3, window_bounds = array<i64: 128, 128>}, {pipeline_mode = #tpu.pipeline_mode<synchronous>, transform_indices = @transform_4, window_bounds = array<i64: 128, 128>}, {pipeline_mode = #tpu.pipeline_mode<synchronous>, transform_indices = @transform_5, window_bounds = array<i64: 1, 128>}, {transform_indices = @transform_6, window_bounds = array<i64: 1024, 128>}, {transform_indices = @transform_7, window_bounds = array<i64: 1, 2, 128>}]} {
    %get3A = arith.constant 0 : index
    %get3A_0 = arith.constant 0 : index
    %get3A_1 = arith.constant 0 : index
    %get3A_2 = vector.load %arg1[%get3A, %get3A_0, %get3A_1] : memref<2x1024x128xf32, #tpu.memory_space<vmem>>, vector<1x1024x128xf32>
    %get3A_3 = vector.shape_cast %get3A_2 : vector<1x1024x128xf32> to vector<1024x128xf32>
    %get3A_4 = arith.constant 1 : index
    %get3A_5 = arith.constant 0 : index
    %get3A_6 = arith.constant 0 : index
    %get3A_7 = vector.load %arg1[%get3A_4, %get3A_5, %get3A_6] : memref<2x1024x128xf32, #tpu.memory_space<vmem>>, vector<1x1024x128xf32>
    %get3A_8 = vector.shape_cast %get3A_7 : vector<1x1024x128xf32> to vector<1024x128xf32>
    %add3A = arith.addf %get3A_3, %get3A_8 : vector<1024x128xf32>
    %get3A_9 = arith.constant 0 : index
    %get3A_10 = arith.constant 0 : index
    %get3A_11 = arith.constant 0 : index
    %get3A_12 = vector.load %arg2[%get3A_9, %get3A_10, %get3A_11] : memref<2x1024x128xf32, #tpu.memory_space<vmem>>, vector<1x1024x1xf32>
    %get3A_13 = vector.shape_cast %get3A_12 : vector<1x1024x1xf32> to vector<1024x1xf32>
    %get3A_14 = arith.constant 1 : index
    %get3A_15 = arith.constant 0 : index
    %get3A_16 = arith.constant 0 : index
    %get3A_17 = vector.load %arg2[%get3A_14, %get3A_15, %get3A_16] : memref<2x1024x128xf32, #tpu.memory_space<vmem>>, vector<1x1024x1xf32>
    %get3A_18 = vector.shape_cast %get3A_17 : vector<1x1024x1xf32> to vector<1024x1xf32>
    %add3A_19 = arith.addf %get3A_13, %get3A_18 : vector<1024x1xf32>
    %max3A = arith.constant 1.000000e+00 : f32
    %max3A_20 = vector.broadcast %max3A : f32 to vector<1024x1xf32>
    %max3A_21 = arith.maximumf %add3A_19, %max3A_20 : vector<1024x1xf32>
    %div3A = vector.broadcast %max3A_21 : vector<1024x1xf32> to vector<1024x128xf32>
    %div3A_22 = arith.divf %add3A, %div3A : vector<1024x128xf32>
    %get3A_23 = arith.constant 0 : index
    %get3A_24 = arith.constant 0 : index
    %get3A_25 = vector.load %arg4[%get3A_23, %get3A_24] : memref<128x128xf32, #tpu.memory_space<vmem>>, vector<128x128xf32>
    %dot_general3A = arith.constant dense<0.000000e+00> : vector<1024x128xf32>
    %dot_general3A_26 = tpu.matmul %div3A_22, %get3A_25, %dot_general3A {dimension_numbers = #tpu.dot_dimension_numbers<[1], [0], [0], [1], [0, 0, 1, 1], [], []>, transpose_lhs_hint = false} : vector<1024x128xf32>, vector<128x128xf32>, vector<1024x128xf32> -> vector<1024x128xf32>
    %get3A_27 = arith.constant 0 : index
    %get3A_28 = arith.constant 0 : index
    %get3A_29 = vector.load %arg3[%get3A_27, %get3A_28] : memref<1024x128xf32, #tpu.memory_space<vmem>>, vector<1024x128xf32>
    %get3A_30 = arith.constant 0 : index
    %get3A_31 = arith.constant 0 : index
    %get3A_32 = vector.load %arg5[%get3A_30, %get3A_31] : memref<128x128xf32, #tpu.memory_space<vmem>>, vector<128x128xf32>
    %dot_general3A_33 = arith.constant dense<0.000000e+00> : vector<1024x128xf32>
    %dot_general3A_34 = tpu.matmul %get3A_29, %get3A_32, %dot_general3A_33 {dimension_numbers = #tpu.dot_dimension_numbers<[1], [0], [0], [1], [0, 0, 1, 1], [], []>, transpose_lhs_hint = false} : vector<1024x128xf32>, vector<128x128xf32>, vector<1024x128xf32> -> vector<1024x128xf32>
    %add3A_35 = arith.addf %dot_general3A_26, %dot_general3A_34 : vector<1024x128xf32>
    %get3A_36 = arith.constant 0 : index
    %get3A_37 = arith.constant 0 : index
    %get3A_38 = vector.load %arg6[%get3A_36, %get3A_37] : memref<1x128xf32, #tpu.memory_space<vmem>>, vector<1x128xf32>
    %add3A_39 = vector.broadcast %get3A_38 : vector<1x128xf32> to vector<1024x128xf32>
    %add3A_40 = arith.addf %add3A_35, %add3A_39 : vector<1024x128xf32>
    %max3A_41 = arith.constant 0.000000e+00 : f32
    %max3A_42 = vector.broadcast %max3A_41 : f32 to vector<1024x128xf32>
    %max3A_43 = arith.maximumf %add3A_40, %max3A_42 : vector<1024x128xf32>
    %swap3A = arith.constant 0 : index
    %swap3A_44 = arith.constant 0 : index
    %swap3A_45 = vector.load %arg7[%swap3A, %swap3A_44] : memref<1024x128xf32, #tpu.memory_space<vmem>>, vector<1024x128xf32>
    tpu.vector_store %arg7[%swap3A, %swap3A_44], %max3A_43 {strides = array<i32>} : memref<1024x128xf32, #tpu.memory_space<vmem>>, vector<1024x128xf32>,
    %iota3A = tpu.iota {dimensions = array<i32: 0>} : vector<1024x1xi32>
    %mul3A = arith.constant 1024 : i32
    %mul3A_46 = arith.muli %arg0, %mul3A : i32
    %add3A_47 = vector.broadcast %mul3A_46 : i32 to vector<1024x1xi32>
    %add3A_48 = arith.addi %iota3A, %add3A_47 : vector<1024x1xi32>
    %lt3A = arith.constant 10000 : i32
    %lt3A_49 = vector.broadcast %lt3A : i32 to vector<1024x1xi32>
    %lt3A_50 = arith.cmpi slt, %add3A_48, %lt3A_49 : vector<1024x1xi32>
    %jit3A = arith.constant 0.000000e+00 : f32
    %broadcast_in_dim3A = vector.shape_cast %lt3A_50 : vector<1024x1xi1> to vector<1024x1xi1>
    %broadcast_in_dim3A_51 = vector.broadcast %broadcast_in_dim3A : vector<1024x1xi1> to vector<1024x128xi1>
    %broadcast_in_dim3A_52 = vector.broadcast %jit3A : f32 to vector<1024x128xf32>
    %select_n3A = arith.select %broadcast_in_dim3A_51, %max3A_43, %broadcast_in_dim3A_52 : vector<1024x128xi1>, vector<1024x128xf32>
    %reduce_sum3A = arith.constant dense<0.000000e+00> : vector<128xf32>
    %reduce_sum3A_53 = vector.multi_reduction <add>, %select_n3A, %reduce_sum3A [0] : vector<1024x128xf32> to vector<128xf32>
    %broadcast_in_dim3A_54 = vector.shape_cast %reduce_sum3A_53 : vector<128xf32> to vector<1x128xf32>
    %mul3A_55 = arith.mulf %select_n3A, %select_n3A : vector<1024x128xf32>
    %reduce_sum3A_56 = arith.constant dense<0.000000e+00> : vector<128xf32>
    %reduce_sum3A_57 = vector.multi_reduction <add>, %mul3A_55, %reduce_sum3A_56 [0] : vector<1024x128xf32> to vector<128xf32>
    %broadcast_in_dim3A_58 = vector.shape_cast %reduce_sum3A_57 : vector<128xf32> to vector<1x128xf32>
    %concatenate3A = tpu.concatenate %broadcast_in_dim3A_54, %broadcast_in_dim3A_58 in 0 : vector<1x128xf32>, vector<1x128xf32> -> vector<2x128xf32>
    %broadcast_in_dim3A_59 = vector.shape_cast %concatenate3A : vector<2x128xf32> to vector<1x2x128xf32>
    %swap3A_60 = arith.constant 0 : index
    %swap3A_61 = arith.constant 0 : index
    %swap3A_62 = arith.constant 0 : index
    %swap3A_63 = vector.load %arg8[%swap3A_60, %swap3A_61, %swap3A_62] : memref<1x2x128xf32, #tpu.memory_space<vmem>>, vector<1x2x128xf32>
    tpu.vector_store %arg8[%swap3A_60, %swap3A_61, %swap3A_62], %broadcast_in_dim3A_59 {strides = array<i32>} : memref<1x2x128xf32, #tpu.memory_space<vmem>>, vector<1x2x128xf32>,
    return
  }
  func.func @transform_0(%arg0: i32) -> (i32, i32, i32) {
    %c0_i32 = arith.constant 0 : i32
    %c0_i32_0 = arith.constant 0 : i32
    %c0_i32_1 = arith.constant 0 : i32
    return %c0_i32, %arg0, %c0_i32_0 : i32, i32, i32
  }
  func.func @transform_1(%arg0: i32) -> (i32, i32, i32) {
    %c0_i32 = arith.constant 0 : i32
    %c0_i32_0 = arith.constant 0 : i32
    %c0_i32_1 = arith.constant 0 : i32
    return %c0_i32, %arg0, %c0_i32_0 : i32, i32, i32
  }
  func.func @transform_2(%arg0: i32) -> (i32, i32) {
    %c0_i32 = arith.constant 0 : i32
    %c0_i32_0 = arith.constant 0 : i32
    return %arg0, %c0_i32 : i32, i32
  }
  func.func @transform_3(%arg0: i32) -> (i32, i32) {
    %c0_i32 = arith.constant 0 : i32
    %c0_i32_0 = arith.constant 0 : i32
    %c0_i32_1 = arith.constant 0 : i32
    return %c0_i32, %c0_i32_0 : i32, i32
  }
  func.func @transform_4(%arg0: i32) -> (i32, i32) {
    %c0_i32 = arith.constant 0 : i32
    %c0_i32_0 = arith.constant 0 : i32
    %c0_i32_1 = arith.constant 0 : i32
    return %c0_i32, %c0_i32_0 : i32, i32
  }
  func.func @transform_5(%arg0: i32) -> (i32, i32) {
    %c0_i32 = arith.constant 0 : i32
    %c0_i32_0 = arith.constant 0 : i32
    %c0_i32_1 = arith.constant 0 : i32
    return %c0_i32, %c0_i32_0 : i32, i32
  }
  func.func @transform_6(%arg0: i32) -> (i32, i32) {
    %c0_i32 = arith.constant 0 : i32
    %c0_i32_0 = arith.constant 0 : i32
    return %arg0, %c0_i32 : i32, i32
  }
  func.func @transform_7(%arg0: i32) -> (i32, i32, i32) {
    %c0_i32 = arith.constant 0 : i32
    %c0_i32_0 = arith.constant 0 : i32
    %c0_i32_1 = arith.constant 0 : i32
    return %arg0, %c0_i32, %c0_i32_0 : i32, i32, i32
  }
}

</mosaic_0001>

<sc_bundles>
// kernel: kernel.5.cloned.1.call-start
scs
__scs_entry_jumppad:
0x0: {  	(pc) =	sbr.rel $0x88, $3  }
0x1: {  	(tag) =	ssettag $0x0;
	lr =	simm.s32 $0x1  }
0x2: {  	[smem:$0x3F9A] =	sst lr;
	_ =	strace $0xD0000000  }
0x3: {  	_ = 	snop  }
0x4: {  	_ = 	snop  }
0x5: {  	_ = 	snop  }
0x6: {  	_ = 	snop  }
0x7: {  	_ = 	snop  }
__scs_overlays_trampoline_lowered:
0x8: {  	[smem:$0x3FA9] =	sst s0  }
0x9: {  	[smem:$0x3FAA] =	sst s1  }
0xa: {  	[smem:$0x3FAB] =	sst s2  }
0xb: {  	[smem:$0x3FAC] =	sst s3  }
0xc: {  	[smem:$0x3FAD] =	sst s4  }
0xd: {  	[smem:$0x3FAE] =	sst s5  }
0xe: {  	[smem:$0x3FAF] =	sst s6  }
0xf: {  	[smem:$0x3FB0] =	sst s7  }
0x10: {  	[smem:$0x3FB1] =	sst s8  }
0x11: {  	[smem:$0x3FB2] =	sst s9;
	s0 =	simm.s32 @!p0 $0x0  }
0x12: {  	s1 =	sld [smem:$0x3F98];
	s0 =	simm.s32 @p0 $0x1  }
0x13: {  	[smem:$0x3FB3] =	sst s0;
	s0 =	simm.s32 @!p1 $0x0  }
0x14: {  	s2 =	sld [smem:$0x3F97];
	s0 =	simm.s32 @p1 $0x1  }
0x15: {  	[smem:$0x3FB4] =	sst s0;
	s0 =	simm.s32 @!p2 $0x0  }
0x16: {  	s3 =	sld [smem:$0x3FDB];
	s0 =	simm.s32 @p2 $0x1  }
0x17: {  	s4 =	simm.s32 $0x1BF5;
	[smem:$0x3FB6] =	sst s0  }
0x18: {  	s0 =	sld [smem:$0x3F99];
	_ =	swait.ge [sflag:s4], $0x0  }
0x19: {  	s7 =	sld [smem:$0x3F9A]  }
0x1a: {  	s8 =	sadd.s32 $0xFFFFE003, lr  }
0x1b: {  	s9 =	sadd.s32 $0xFFFFFEF7, lr;
	s5 =	simm.s32 $0xFFFFFFFF;
	p2 =	slt.u32 s8, $0xFFFFF086  }
0x1c: {  	p1 =	slt.u32 s9, $0xF7A;
	s5 =	simm.s32 @!p2 $0x0  }
0x1d: {  	s5 =	simm.s32 @p1 $0x1;
	p0 =	seq.s32 s7, s2  }
0x1e: {  	s7 =	smul.u32 @!p0 $0xF7A, s2;
	p2 =	seq.s32 @!p0 s5, $0x0  }
0x1f: {  	s9 =	smul.u32 $0xF7A, s1;
	s8 =	simm.s32 @!p0 $0x1BF5;
	p2 =	por !p2, p0  }
0x20: {  	[sflag:s8] =	ssyncset.s32 @!p0 $0xFFFFF086;
	s6 =	sadd.s32 @!p0 s3, s7;
	s7 =	simm.s32 @!p0 $0x108  }
0x21: {  	s3 =	sadd.s32 s3, s9;
	s6 =	sadd.s32 @!p0 $0x88, s6;
	s7 =	simm.s32 @p2 $0x1082  }
0x22: {  	[simem:s7], [sflag:s8] =	dma.local @!p0 [hbm:s6], $0xF7A  }
0x23: {  	s9 =	sor.u32 $0xD0000000, s2;
	s6 =	simm.s32 $0x108;
	_ =	swait.ge @!p0 [sflag:s8], $0x0  }
0x24: {  	s3 =	sadd.s32 $0x88, s3;
	s6 =	simm.s32 @!p1 $0x1082;
	[sflag:s4] =	ssyncset.s32 $0xFFFFF086  }
0x25: {  	[simem:s6], [sflag:s4] =	dma.local [hbm:s3], $0xF7A  }
0x26: {  	[smem:$0x3F9A] =	sst s1;
	(tag) =	ssettag s2;
	_ =	strace s9  }
0x27: {  	s1 =	sld [smem:$0x3FAA]  }
0x28: {  	s2 =	sld [smem:$0x3FAB]  }
0x29: {  	s4 =	sld [smem:$0x3FAD]  }
0x2a: {  	p0 =	seq.s32 s5, $0x0;
	s5 =	sld [smem:$0x3FAE]  }
0x2b: {  	s6 =	sld [smem:$0x3FAF]  }
0x2c: {  	s7 =	sld [smem:$0x3FB0]  }
0x2d: {  	s3 =	simm.s32 $0x108;
	s8 =	sld [smem:$0x3FB1]  }
0x2e: {  	s3 =	simm.s32 @!p0 $0x1082;
	s9 =	sld [smem:$0x3FB2]  }
0x2f: {  	lr =	sadd.s32 s0, s3;
	s0 =	sld [smem:$0x3FA9]  }
0x30: {  	s3 =	sld [smem:$0x3FAC]  }
0x31: {  	[smem:$0x3FB5] =	sst s10  }
0x32: {  	s10 =	sld [smem:$0x3FB3];
	_ =	sdelay $0x3  }
0x33: {  	p0 =	seq.s32 s10, $0x1;
	s10 =	sld [smem:$0x3FB5];
	_ =	sdelay $0x3  }
0x34: {  	[smem:$0x3FB5] =	sst s10  }
0x35: {  	s10 =	sld [smem:$0x3FB4];
	_ =	sdelay $0x3  }
0x36: {  	p1 =	seq.s32 s10, $0x1;
	s10 =	sld [smem:$0x3FB5];
	_ =	sdelay $0x3  }
0x37: {  	[smem:$0x3FB5] =	sst s10  }
0x38: {  	s10 =	sld [smem:$0x3FB6]  }
0x39: {  	_ = 	snop;
	(pc) =	sbr.ind lr, $3  }
0x3a: {  	_ = 	snop  }
0x3b: {  	_ = 	snop  }
0x3c: {  	p2 =	seq.s32 s10, $0x1;
	s10 =	sld [smem:$0x3FB5]  }
0x3d: {  	_ =	shalt  }
0x3e: {  	_ =	shalt  }
0x3f: {  	_ =	shalt  }
0x40: {  	_ =	shalt  }
0x41: {  	_ =	shalt  }
0x42: {  	_ =	shalt  }
0x43: {  	_ =	shalt  }
0x44: {  	_ =	shalt  }
0x45: {  	_ =	shalt  }
0x46: {  	_ =	shalt  }
0x47: {  	_ =	shalt  }
0x48: {  	_ =	shalt  }
0x49: {  	_ =	shalt  }
0x4a: {  	_ =	shalt  }
0x4b: {  	_ =	shalt  }
0x4c: {  	_ =	shalt  }
0x4d: {  	_ =	shalt  }
0x4e: {  	_ =	shalt  }
0x4f: {  	_ =	shalt  }
0x50: {  	_ =	shalt  }
0x51: {  	_ =	shalt  }
0x52: {  	_ =	shalt  }
0x53: {  	_ =	shalt  }
0x54: {  	_ =	shalt  }
0x55: {  	_ =	shalt  }
0x56: {  	_ =	shalt  }
0x57: {  	_ =	shalt  }
0x58: {  	_ =	shalt  }
0x59: {  	_ =	shalt  }
0x5a: {  	_ =	shalt  }
0x5b: {  	_ =	shalt  }
0x5c: {  	_ =	shalt  }
0x5d: {  	_ =	shalt  }
0x5e: {  	_ =	shalt  }
0x5f: {  	_ =	shalt  }
0x60: {  	_ =	shalt  }
0x61: {  	_ =	shalt  }
0x62: {  	_ =	shalt  }
0x63: {  	_ =	shalt  }
0x64: {  	_ =	shalt  }
0x65: {  	_ =	shalt  }
0x66: {  	_ =	shalt  }
0x67: {  	_ =	shalt  }
0x68: {  	_ =	shalt  }
0x69: {  	_ =	shalt  }
0x6a: {  	_ =	shalt  }
0x6b: {  	_ =	shalt  }
0x6c: {  	_ =	shalt  }
0x6d: {  	_ =	shalt  }
0x6e: {  	_ =	shalt  }
0x6f: {  	_ =	shalt  }
0x70: {  	_ =	shalt  }
0x71: {  	_ =	shalt  }
0x72: {  	_ =	shalt  }
0x73: {  	_ =	shalt  }
0x74: {  	_ =	shalt  }
0x75: {  	_ =	shalt  }
0x76: {  	_ =	shalt  }
0x77: {  	_ =	shalt  }
0x78: {  	_ =	shalt  }
0x79: {  	_ =	shalt  }
0x7a: {  	_ =	shalt  }
0x7b: {  	_ =	shalt  }
0x7c: {  	_ =	shalt  }
0x7d: {  	_ =	shalt  }
0x7e: {  	_ =	shalt  }
0x7f: {  	_ =	shalt  }
0x80: {  	_ =	shalt  }
0x81: {  	_ =	shalt  }
0x82: {  	_ =	shalt  }
0x83: {  	_ =	shalt  }
0x84: {  	_ =	shalt  }
0x85: {  	_ =	shalt  }
0x86: {  	_ =	shalt  }
0x87: {  	_ =	shalt  }
.Lfunc_end0:
.L_simem_size_0:
called_computation_lowered:
.L_overlay_start_0:
0x88: {  	s2 =	sld [smem:$0x3FD9]  }
0x89: {  	s3 =	sld [smem:$0x3FFE];
	_ =	sdelay $0x1  }
0x8a: {  	s1 =	srdreg.scid  }
0x8b: {  	s0 =	sand.u32 $0x1, s1  }
0x8c: {  	s17 =	sshll.u32 s0, $0xA;
	s2 =	sadd.s32 s3, s2  }
0x8d: {  	s2 =	sadd.s32 s2, s17  }
0x8e: {  	[smem:$0x3FC1] =	sst s2  }
0x8f: {  	_ = 	snop  }
0x90: {  	s2 =	sld [smem:$0x3FC9]  }
0x91: {  	s18 =	sld [smem:$0x3FC8]  }
0x92: {  	s4 =	sld [smem:$0x3FD0];
	(tm) =	ssettm $0x1  }
0x93: {  	s5 =	sld [smem:$0x3FFB];
	_ =	sdelay $0x3  }
0x94: {  	_ =	strace s5  }
0x95: {  	s5 =	sld [smem:$0x3FFC];
	_ =	sdelay $0x3  }
0x96: {  	_ =	strace s5  }
0x97: {  	s5 =	sld [smem:$0x3FFD];
	_ =	sdelay $0x3  }
0x98: {  	_ =	strace s5  }
0x99: {  	_ =	strace $0x8FFFFFFF  }
0x9a: {  	s19 =	sld [smem:$0x3FDB];
	_ =	sdelay $0x1  }
0x9b: {  	s6 =	simm.s32 $_scs_section_size  }
0x9c: {  	s7 =	simm.s32 $_size__tile_overlayer_lowered;
	s8 =	simm.s32 $_tile_overlayer_lowered  }
0x9d: {  	s22 =	simm.s32 $0x1BFF;
	s21 =	sshll.u32 s8, $0x1;
	s5 =	sadd.s32 s6, s19  }
0x9e: {  	s9 =	simm.s32 $0x0;
	s20 =	sshll.u32 s7, $0x1;
	s7 =	sadd.s32 s21, s5  }
0x9f: {  	[timem:s9], [sflag:s22] =	dma.local [hbm:s7], s20  }
0xa0: {  	_ =	swait.ge [sflag:s22], s20  }
0xa1: {  	s6 =	ssub.s32 $0x0, s20;
	[sflag:s22] =	ssyncset.done $0x0  }
0xa2: {  	[sflag:s22] =	ssyncadd.s32 s6;
	_ =	sdelay $0x1  }
0xa3: {  	s23 =	simm.s32 $0x1B8B  }
0xa4: {  	_ =	swait.ge [sflag:s23], $0x1  }
0xa5: {  	[sflag:s23] =	ssyncset.done $0x0  }
0xa6: {  	s25 =	simm.s32 $0x1B8E;
	s24 =	sld [smem:$0x3FFE];
	[sflag:s23] =	ssyncadd.s32 $0xFFFFFFFF  }
0xa7: {  	s26 =	simm.s32 $execute0_lowered;
	[smem:$0x3FD2] =	sst s25  }
0xa8: {  	s7 =	sshll.u32 s26, $0x1;
	_ =	strace $0x80000046;
	[dreg:$0x1] =	wrdreg $0xFFFFFFFF  }
0xa9: {  	s28 =	simm.s32 $_size_execute0_lowered;
	s5 =	sadd.s32 s5, s7;
	[dreg:$0x0] =	wrdreg $0x0  }
0xaa: {  	s7 =	sshll.u32 s28, $0x1;
	[dreg:$0x2] =	wrdreg s5  }
0xab: {  	[dreg:$0x3] =	wrdreg s7  }
0xac: {  	[dreg:$0x4] =	wrdreg $0xC0  }
0xad: {  	_ =	task [dreg:s9], $0x5FFFF  }
0xae: {  	[dreg:$0x1] =	wrdreg $0xFFFFFFFF  }
0xaf: {  	[dreg:$0x0] =	wrdreg $0x60  }
0xb0: {  	[dreg:$0x2] =	wrdreg s18  }
0xb1: {  	[dreg:$0x3] =	wrdreg s2  }
0xb2: {  	[dreg:$0x4] =	wrdreg s4  }
0xb3: {  	[dreg:$0x5] =	wrdreg s24  }
0xb4: {  	[dreg:$0x6] =	wrdreg $0x82000  }
0xb5: {  	[dreg:$0x7] =	wrdreg $0x9  }
0xb6: {  	_ =	task.clear_ibuf [dreg:s9], $0x8FFFF;
	_ =	strace $0x90000046  }
0xb7: {  	s29 =	simm.s32 $0x9;
	_ =	strace $0x80000048  }
0xb8: {  	_ =	swait.ge [sflag:s29], $0x1  }
0xb9: {  	[sflag:s29] =	ssyncadd.s32 $0xFFFFFFFF  }
0xba: {  	_ =	strace $0x90000048  }
0xbb: {  	_ =	sfence  }
0xbc: {  	s30 =	sld [smem:$0x0];
	_ =	sdelay $0x2  }
0xbd: {  	s31 =	sshll.u32 s1, $0xD;
	s1 =	sshrl.u32 s1, $0x2  }
0xbe: {  	s3 =	sand.u32 $0x4000, s31;
	s1 =	sadd.s32 s1, s30  }
0xbf: {  	s0 =	sor.u32 s3, s0;
	s1 =	sshll.u32 s1, $0x11  }
0xc0: {  	s0 =	sor.u32 s1, s0  }
0xc1: {  	s0 =	sadd.s32 $0x8F2B, s0  }
0xc2: {  	[sflag:s0] =	ssyncadd.remote.s32 $0x1  }
0xc3: {  	_ =	sfence.sel $0xFFFF  }
0xc4: {  	[dreg:$0x0] =	wrdreg $0xFFFFFFFF;
	(pc) =	sbr.abs _section_cstart, $3  }
0xc5: {  	[dreg:$0x1] =	wrdreg $0xFFFFFFFF  }
0xc6: {  	_ =	task.clear_ibuf [dreg:s9], $0x2FFFF;
	_ =	strace $0x9FFFFFFF  }
0xc7: {  	(tm) =	ssettm $0x7FFFFFFF  }
tec
execute0_lowered:
.L_overlay_start_1:
0x0: {  	(tag) =	ssettag $0x1  }
0x1: {  	s1 =	rddreg [dreg:$0x0]  }
0x2: {  	s2 =	rddreg [dreg:$0x1]  }
0x3: {  	s31 =	rddreg [dreg:$0x2]  }
0x4: {  	s0 =	rddreg [dreg:$0x3]  }
0x5: {  	s4 =	rddreg [dreg:$0x4]  }
0x6: {  	s5 =	simm.s32 $0x0;
	s3 =	srdreg.scid;
	s17 =	stileid.u32  }
0x7: {  	s8 =	simm.s32 $0x4F;
	[smem:$0x7FF] =	sst s5;
	s6 =	sadd.s32 $0x1800, s0  }
0x8: {  	s3 =	sand.u32 $0x1, s3;
	s26 =	sadd.s32 $0x2000, s0;
	s9 =	smul.u32 $0x50000, s17  }
0x9: {  	s0 =	sadd.s32 $0x52000, s0;
	p0 =	slt.u32 s17, $0x2;
	s12 =	smul.u32 $0x14000, s17  }
0xa: {  	s19 =	sshll.u32 s17, $0x6;
	_ =	strace $0x80000047;
	[dreg:$0x6] =	wrdreg s6  }
0xb: {  	s7 =	ssub.s32 $0x2, s3;
	s11 =	smul.u32 $0x140000, s3;
	s8 =	simm.s32 @!p0 $0x4E  }
0xc: {  	s13 =	sshll.u32 s3, $0x5;
	s3 =	sshll.u32 s3, $0x8;
	s10 =	sshrl.u32 s7, $0x1  }
0xd: {  	s9 =	sshrl.u32 s9, $0x2;
	s16 =	sand.u32 $0x1, s8;
	s7 =	ssub.s32 s7, s10  }
0xe: {  	s11 =	sadd.s32 s12, s11;
	s9 =	sadd.s32 s9, s4;
	s10 =	sor.u32 s13, s19  }
0xf: {  	p0 =	seq.s32 s16, $0x1;
	s12 =	simm.s32 $0x0;
	s11 =	sshrl.u32 s11, $0x3  }
0x10: {  	s10 =	sadd.s32 s1, s10;
	s28 =	sadd.s32 $0x8000, s9;
	s29 =	sadd.s32 $0xC000, s9  }
0x11: {  	s30 =	sadd.s32 $0x10000, s9;
	s20 =	sadd.s32 $0x800, s11;
	s14 =	sadd.s32 s26, s11  }
0x12: {  	s21 =	sadd.s32 $0x1000, s11;
	s25 =	sadd.s32 s0, s11;
	[dreg:$0x7] =	wrdreg s14  }
0x13: {  	s24 =	sadd.s32 $0x1800, s11;
	s22 =	sadd.s32 s26, s20;
	[dreg:$0xc] =	wrdreg s25  }
0x14: {  	s15 =	sadd.s32 $0x2000, s11;
	s23 =	sadd.s32 s26, s21;
	[dreg:$0x8] =	wrdreg s22  }
0x15: {  	s11 =	simm.s32 $0x4200;
	s18 =	sadd.s32 s26, s24;
	[dreg:$0x9] =	wrdreg s23  }
0x16: {  	s6 =	sadd.s32 s26, s15;
	s26 =	sshll.u32 s17, $0x9;
	[dreg:$0xa] =	wrdreg s18  }
0x17: {  	s16 =	sadd.s32 s0, s20;
	s17 =	sadd.s32 s0, s21;
	[dreg:$0xb] =	wrdreg s6  }
0x18: {  	s20 =	smax.u32 s7, $0x1;
	s25 =	sadd.s32 $0x400, s10;
	[dreg:$0xd] =	wrdreg s16  }
0x19: {  	s7 =	simm.s32 $0x80;
	[dreg:$0xe] =	wrdreg s17;
	s3 =	sor.u32 s3, s26  }
0x1a: {  	s18 =	sadd.s32 s0, s24;
	s0 =	sadd.s32 s0, s15;
	[dreg:$0x11] =	wrdreg s20  }
0x1b: {  	s22 =	simm.s32 $0x3;
	s26 =	sadd.s32 $0x4000, s9;
	[dreg:$0x13] =	wrdreg s25  }
0x1c: {  	s6 =	simm.s32 $0x200;
	[dreg:$0xf] =	wrdreg s18;
	s19 =	sor.u32 $0x6000, s3  }
0x1d: {  	[dreg:$0x10] =	wrdreg s0;
	s22 =	simm.s32 @!p0 $0x4;
	s0 =	sshrl.u32 s19, $0x3  }
0x1e: {  	s21 =	sor.u32 $0x4000, s3;
	s23 =	sor.u32 $0x2000, s3;
	s0 =	sadd.s32 s0, s1  }
0x1f: {  	s3 =	simm.s32 $0x5;
	s24 =	sshrl.u32 s21, $0x3;
	s0 =	ssub.s32 $0x400, s0  }
0x20: {  	s15 =	sadd.s32 s24, s1;
	[dreg:$0x12] =	wrdreg s0;
	s0 =	sadd.s32 $0xFFFFFFFF, s8  }
.LBB2_1:
0x21: {  	[tilespmem:s6], [sflag:$0x5] =	stream.linear.gather [hbm4b:s31+s5], $0x4000, $0x38;
	[tilespmem:$0x1C200] =	vst v63  }
0x22: {  	_ =	swait.ge [sflag:s3], $0x4000  }
0x23: {  	[sflag:s3] =	ssyncset.done $0x0  }
0x24: {  	[sflag:s3] =	ssyncadd.s32 $0xFFFFC000  }
0x25: {  	[spmem:s9] =	stream.linear.scatter [tilespmem:s6], [sflag:$0x5], $0x4000, $0x38;
	[tilespmem:$0x1C200] =	vst v63  }
0x26: {  	_ =	swait.ge [sflag:s3], $0x4000  }
0x27: {  	[sflag:s3] =	ssyncset.done $0x0  }
0x28: {  	[sflag:s3] =	ssyncadd.s32 $0xFFFFC000  }
0x29: {  	[spmem:s26] =	stream.linear.scatter [tilespmem:s6], [sflag:$0x5], $0x4000, $0x38;
	[tilespmem:$0x1C200] =	vst v63  }
0x2a: {  	_ =	swait.ge [sflag:s3], $0x4000  }
0x2b: {  	[sflag:s3] =	ssyncset.done $0x0  }
0x2c: {  	[sflag:s3] =	ssyncadd.s32 $0xFFFFC000  }
0x2d: {  	[spmem:s28] =	stream.linear.scatter [tilespmem:s6], [sflag:$0x5], $0x4000, $0x38;
	[tilespmem:$0x1C200] =	vst v63  }
0x2e: {  	_ =	swait.ge [sflag:s3], $0x4000  }
0x2f: {  	[sflag:s3] =	ssyncset.done $0x0  }
0x30: {  	[sflag:s3] =	ssyncadd.s32 $0xFFFFC000  }
0x31: {  	[spmem:s29] =	stream.linear.scatter [tilespmem:s6], [sflag:$0x5], $0x4000, $0x38;
	[tilespmem:$0x1C200] =	vst v63  }
0x32: {  	_ =	swait.ge [sflag:s3], $0x4000  }
0x33: {  	[sflag:s3] =	ssyncset.done $0x0  }
0x34: {  	[sflag:s3] =	ssyncadd.s32 $0xFFFFC000  }
0x35: {  	[spmem:s30] =	stream.linear.scatter [tilespmem:s6], [sflag:$0x5], $0x4000, $0x38;
	[tilespmem:$0x1C200] =	vst v63  }
0x36: {  	_ =	swait.ge [sflag:s3], $0x4000  }
0x37: {  	[sflag:s3] =	ssyncset.done $0x0  }
0x38: {  	[sflag:s3] =	ssyncadd.s32 $0xFFFFC000  }
0x39: {  	p2 =	sne.s32 s0, $0x1;
	[bflag:$0x0] =	sbarrier.arrive $0xFFFF  }
0x3a: {  	[tilespmem:s5], [sflag:$0x5] =	stream.linear.gather [hbm4b:s10+s5], $0x100, $0x38;
	[tilespmem:$0x1C200] =	vst v63  }
.Ltmp0:
0x3b: {  	_ = 	snop;
	(pc) =	sbr.rel @!p2 .LBB2_2-.Ltmp0, $4  }
0x3c: {  	s16 =	simm.s32 $0x1;
	_ =	swait.ge [sflag:s3], $0x100  }
0x3d: {  	s13 =	sand.u32 $0x1, s5;
	p0 =	por $0x0, $0x0;
	[sflag:s3] =	ssyncset.done $0x0  }
0x3e: {  	s17 =	sshll.u32 s13, $0xA;
	p1 =	seq.s32 s13, $0x1;
	[sflag:s3] =	ssyncadd.s32 $0xFFFFFF00  }
0x3f: {  	[tilespmem:s6], [sflag:$0x1] =	stream.indirect.gather [hbm4b:s2+s7], $0x80, s5, s7, $0xb8;
	[tilespmem:$0x1C200] =	vst v63  }
0x40: {  	s17 =	sshrl.u32 s17, $0x2;
	s14 =	sshrl.u32 s23, $0x3  }
0x41: {  	s18 =	sxor.u32 $0x100, s17;
	s14 =	sadd.s32 s1, s14  }
0x42: {  	[tilespmem:s18], [sflag:$0x5] =	stream.linear.gather [hbm4b:s14+s5], $0x100, $0x38;
	[tilespmem:$0x1C200] =	vst v63  }
0x43: {  	p2 =	seq.s32 s13, $0x0;
	s24 =	sshll.u32 s13, $0xE;
	_ =	swait.ge [sflag:s3], $0x100  }
0x44: {  	s13 =	sand.u32 $0x1, s16;
	s25 =	simm.s32 @p2 $0x4200;
	[sflag:s3] =	ssyncset.done $0x0  }
0x45: {  	s14 =	simm.s32 @p2 $0x80;
	s18 =	simm.s32 @p2 $0x100;
	[sflag:s3] =	ssyncadd.s32 $0xFFFFFF00  }
0x46: {  	[tilespmem:s25], [sflag:$0x2] =	stream.indirect.gather @p2 [hbm4b:s2+s14], $0x80, s18, s14, $0xb8;
	[tilespmem:$0x1C200] =	vst v63  }
0x47: {  	p3 =	sne.s32 s0, $0x2;
	s19 =	simm.s32 @!p2 $0x0;
	s18 =	simm.s32 $0x2  }
0x48: {  	s14 =	simm.s32 @!p2 $0x200;
	s25 =	simm.s32 @!p2 $0x80;
	s18 =	simm.s32 @!p1 $0x1  }
0x49: {  	[tilespmem:s14], [sflag:$0x1] =	stream.indirect.gather @!p2 [hbm4b:s2+s25], $0x80, s19, s25, $0xb8;
	[tilespmem:$0x1C200] =	vst v63  }
.Ltmp1:
0x4a: {  	s17 =	sadd.s32 $0x80, s17;
	_ =	swait.ge [sflag:s18], $0x4000;
	(pc) =	sbr.rel @!p3 .LBB2_4-.Ltmp1, $4  }
0x4b: {  	p1 =	seq.s32 s13, $0x1;
	s14 =	simm.s32 $0x2;
	[sflag:s18] =	ssyncset.done $0x0  }
0x4c: {  	s25 =	sor.u32 $0x200, s24;
	p2 =	por $0x1, $0x1;
	[sflag:s18] =	ssyncadd.s32 $0xFFFFC000  }
0x4d: {  	[spmem:s4] =	stream.indirect.scatter.add.f32 [tilespmem:s25], [sflag:$0x5], $0x80, s17, s7, $0xb8;
	[tilespmem:$0x1C200] =	vst v63  }
0x4e: {  	s25 =	sadd.s32 $0x2000, s23;
	s17 =	sshll.u32 s13, $0xA;
	_ =	swait.ge [sflag:s3], $0x4000  }
.LBB2_5:
0x4f: {  	s16 =	sshrl.u32 s17, $0x2  }
0x50: {  	s17 =	sshrl.u32 s25, $0x3;
	[sflag:s3] =	ssyncset.done $0x0;
	s18 =	smov.u32 s14  }
0x51: {  	s19 =	sxor.u32 $0x100, s16;
	s17 =	sadd.s32 s1, s17;
	[sflag:s3] =	ssyncadd.s32 $0xFFFFC000  }
0x52: {  	[tilespmem:s19], [sflag:$0x5] =	stream.linear.gather [hbm4b:s17+s5], $0x100, $0x38;
	[tilespmem:$0x1C200] =	vst v63  }
0x53: {  	s14 =	sadd.s32 $0x1, s14;
	s17 =	sshll.u32 s13, $0xE;
	_ =	swait.ge [sflag:s3], $0x100  }
0x54: {  	p4 =	seq.s32 s13, $0x0;
	p3 =	sne.s32 s0, s14;
	[sflag:s3] =	ssyncset.done $0x0  }
0x55: {  	s13 =	simm.s32 @p4 $0x80;
	s19 =	simm.s32 @!p4 $0x200;
	[sflag:s3] =	ssyncadd.s32 $0xFFFFFF00  }
0x56: {  	s20 =	simm.s32 @p4 $0x100;
	s21 =	simm.s32 @p4 $0x4200;
	s24 =	simm.s32 @!p4 $0x80  }
0x57: {  	[tilespmem:s21], [sflag:$0x2] =	stream.indirect.gather @p4 [hbm4b:s2+s13], $0x80, s20, s13, $0xb8;
	[tilespmem:$0x1C200] =	vst v63  }
0x58: {  	s20 =	simm.s32 $0x2  }
0x59: {  	s13 =	simm.s32 @!p4 $0x0;
	s20 =	simm.s32 @!p1 $0x1  }
0x5a: {  	[tilespmem:s19], [sflag:$0x1] =	stream.indirect.gather @!p4 [hbm4b:s2+s24], $0x80, s13, s24, $0xb8;
	[tilespmem:$0x1C200] =	vst v63  }
.Ltmp2:
0x5b: {  	_ =	swait.ge [sflag:s20], $0x4000;
	(pc) =	sbr.rel @p3 .LBB2_5-.Ltmp2, $4  }
0x5c: {  	s16 =	sadd.s32 $0x80, s16;
	s17 =	sor.u32 $0x200, s17;
	[sflag:s20] =	ssyncset.done $0x0  }
0x5d: {  	s25 =	sadd.s32 $0x2000, s25;
	s13 =	sand.u32 $0x1, s18;
	[sflag:s20] =	ssyncadd.s32 $0xFFFFC000  }
0x5e: {  	[spmem:s4] =	stream.indirect.scatter.add.f32 [tilespmem:s17], [sflag:$0x5], $0x80, s16, s7, $0xb8;
	[tilespmem:$0x1C200] =	vst v63  }
0x5f: {  	p1 =	seq.s32 s13, $0x1;
	s17 =	sshll.u32 s13, $0xA;
	_ =	swait.ge [sflag:s3], $0x4000  }
0x60: {  	s16 =	smov.u32 s14  }
.LBB2_7:
0x61: {  	s14 =	sshrl.u32 s17, $0x2;
	s20 =	sshrl.u32 s25, $0x3;
	[sflag:s3] =	ssyncset.done @p2 $0x0  }
0x62: {  	s18 =	sxor.u32 $0x100, s14;
	s17 =	sadd.s32 s1, s20;
	[sflag:s3] =	ssyncadd.s32 @p2 $0xFFFFC000  }
0x63: {  	[tilespmem:s18], [sflag:$0x5] =	stream.linear.gather [hbm4b:s17+s5], $0x100, $0x38;
	[tilespmem:$0x1C200] =	vst v63  }
0x64: {  	p2 =	seq.s32 s13, $0x0;
	_ =	swait.ge [sflag:s3], $0x100  }
0x65: {  	s17 =	simm.s32 @p2 $0x80;
	[sflag:s3] =	ssyncset.done $0x0  }
0x66: {  	s18 =	simm.s32 @p2 $0x100;
	s19 =	simm.s32 @p2 $0x4200;
	[sflag:s3] =	ssyncadd.s32 $0xFFFFFF00  }
0x67: {  	[tilespmem:s19], [sflag:$0x2] =	stream.indirect.gather @p2 [hbm4b:s2+s17], $0x80, s18, s17, $0xb8;
	[tilespmem:$0x1C200] =	vst v63  }
0x68: {  	s17 =	simm.s32 @!p2 $0x200;
	s18 =	simm.s32 @!p2 $0x80;
	s19 =	simm.s32 @!p2 $0x0  }
0x69: {  	[tilespmem:s17], [sflag:$0x1] =	stream.indirect.gather @!p2 [hbm4b:s2+s18], $0x80, s19, s18, $0xb8;
	[tilespmem:$0x1C200] =	vst v63  }
0x6a: {  	s17 =	simm.s32 $0x2  }
0x6b: {  	s17 =	simm.s32 @!p1 $0x1  }
0x6c: {  	_ =	swait.ge [sflag:s17], $0x4000  }
0x6d: {  	s21 =	sshll.u32 s13, $0xE;
	[sflag:s17] =	ssyncset.done $0x0  }
0x6e: {  	s13 =	sor.u32 $0x200, s21;
	s14 =	sadd.s32 $0x80, s14;
	[sflag:s17] =	ssyncadd.s32 $0xFFFFC000  }
0x6f: {  	[spmem:s4] =	stream.indirect.scatter.add.f32 [tilespmem:s13], [sflag:$0x5], $0x80, s14, s7, $0xb8;
	[tilespmem:$0x1C200] =	vst v63  }
0x70: {  	s24 =	sand.u32 $0x1, s16;
	_ =	swait.ge [sflag:s3], $0x4000  }
0x71: {  	p1 =	seq.s32 s24, $0x1;
	s14 =	simm.s32 $0x2;
	[sflag:s3] =	ssyncset.done $0x0  }
0x72: {  	s14 =	simm.s32 @!p1 $0x1;
	[sflag:s3] =	ssyncadd.s32 $0xFFFFC000  }
0x73: {  	_ =	swait.ge [sflag:s14], $0x4000  }
0x74: {  	s16 =	sshll.u32 s24, $0xE;
	s13 =	sshll.u32 s24, $0x8;
	[sflag:s14] =	ssyncset.done $0x0  }
0x75: {  	s25 =	sor.u32 $0x200, s16;
	s13 =	sor.u32 $0x80, s13;
	[sflag:s14] =	ssyncadd.s32 $0xFFFFC000  }
0x76: {  	[spmem:s4] =	stream.indirect.scatter.add.f32 [tilespmem:s25], [sflag:$0x5], $0x80, s13, s7, $0xb8;
	[tilespmem:$0x1C200] =	vst v63  }
0x77: {  	_ =	swait.ge [sflag:s3], $0x4000  }
0x78: {  	[sflag:s3] =	ssyncset.done $0x0  }
0x79: {  	[sflag:s3] =	ssyncadd.s32 $0xFFFFC000  }
0x7a: {  	[bflag:$0x0] =	sbarrier.arrive $0xFFFF  }
0x7b: {  	[tilespmem:s11], [sflag:$0x5] =	stream.linear.gather [hbm4b:s31+s5], $0x4000, $0x38;
	[tilespmem:$0x1C200] =	vst v63  }
0x7c: {  	_ =	swait.ge [sflag:s3], $0x4000  }
0x7d: {  	[sflag:s3] =	ssyncset.done $0x0  }
0x7e: {  	[sflag:s3] =	ssyncadd.s32 $0xFFFFC000  }
0x7f: {  	[tilespmem:s6], [sflag:$0x5] =	stream.linear.gather [spmem:s9], $0x4000, $0x38;
	[tilespmem:$0x1C200] =	vst v63  }
0x80: {  	_ =	swait.ge [sflag:s3], $0x4000  }
0x81: {  	[sflag:s3] =	ssyncset.done $0x0  }
0x82: {  	s16 =	rddreg [dreg:$0x7];
	[sflag:s3] =	ssyncadd.s32 $0xFFFFC000  }
0x83: {  	[hbm4b:s16+s5] =	stream.linear.scatter [tilespmem:s6], [sflag:$0x5], $0x4000, $0x38;
	[tilespmem:$0x1C200] =	vst v63  }
0x84: {  	_ =	swait.ge [sflag:s3], $0x4000  }
0x85: {  	[sflag:s3] =	ssyncset.done $0x0  }
0x86: {  	[sflag:s3] =	ssyncadd.s32 $0xFFFFC000  }
0x87: {  	[spmem:s9] =	stream.linear.scatter [tilespmem:s11], [sflag:$0x5], $0x4000, $0x38;
	[tilespmem:$0x1C200] =	vst v63  }
0x88: {  	_ =	swait.ge [sflag:s3], $0x4000  }
0x89: {  	[sflag:s3] =	ssyncset.done $0x0  }
0x8a: {  	[sflag:s3] =	ssyncadd.s32 $0xFFFFC000  }
0x8b: {  	[tilespmem:s6], [sflag:$0x5] =	stream.linear.gather [spmem:s26], $0x4000, $0x38;
	[tilespmem:$0x1C200] =	vst v63  }
0x8c: {  	_ =	swait.ge [sflag:s3], $0x4000  }
0x8d: {  	[sflag:s3] =	ssyncset.done $0x0  }
0x8e: {  	s17 =	rddreg [dreg:$0x8];
	[sflag:s3] =	ssyncadd.s32 $0xFFFFC000  }
0x8f: {  	[hbm4b:s17+s5] =	stream.linear.scatter [tilespmem:s6], [sflag:$0x5], $0x4000, $0x38;
	[tilespmem:$0x1C200] =	vst v63  }
0x90: {  	_ =	swait.ge [sflag:s3], $0x4000  }
0x91: {  	[sflag:s3] =	ssyncset.done $0x0  }
0x92: {  	[sflag:s3] =	ssyncadd.s32 $0xFFFFC000  }
0x93: {  	[spmem:s26] =	stream.linear.scatter [tilespmem:s11], [sflag:$0x5], $0x4000, $0x38;
	[tilespmem:$0x1C200] =	vst v63  }
0x94: {  	_ =	swait.ge [sflag:s3], $0x4000  }
0x95: {  	[sflag:s3] =	ssyncset.done $0x0  }
0x96: {  	[sflag:s3] =	ssyncadd.s32 $0xFFFFC000  }
0x97: {  	[tilespmem:s6], [sflag:$0x5] =	stream.linear.gather [spmem:s28], $0x4000, $0x38;
	[tilespmem:$0x1C200] =	vst v63  }
0x98: {  	_ =	swait.ge [sflag:s3], $0x4000  }
0x99: {  	[sflag:s3] =	ssyncset.done $0x0  }
0x9a: {  	s18 =	rddreg [dreg:$0x9];
	[sflag:s3] =	ssyncadd.s32 $0xFFFFC000  }
0x9b: {  	[hbm4b:s18+s5] =	stream.linear.scatter [tilespmem:s6], [sflag:$0x5], $0x4000, $0x38;
	[tilespmem:$0x1C200] =	vst v63  }
0x9c: {  	_ =	swait.ge [sflag:s3], $0x4000  }
0x9d: {  	[sflag:s3] =	ssyncset.done $0x0  }
0x9e: {  	[sflag:s3] =	ssyncadd.s32 $0xFFFFC000  }
0x9f: {  	[spmem:s28] =	stream.linear.scatter [tilespmem:s11], [sflag:$0x5], $0x4000, $0x38;
	[tilespmem:$0x1C200] =	vst v63  }
0xa0: {  	_ =	swait.ge [sflag:s3], $0x4000  }
0xa1: {  	[sflag:s3] =	ssyncset.done $0x0  }
0xa2: {  	[sflag:s3] =	ssyncadd.s32 $0xFFFFC000  }
0xa3: {  	[tilespmem:s6], [sflag:$0x5] =	stream.linear.gather [spmem:s29], $0x4000, $0x38;
	[tilespmem:$0x1C200] =	vst v63  }
0xa4: {  	_ =	swait.ge [sflag:s3], $0x4000  }
0xa5: {  	[sflag:s3] =	ssyncset.done $0x0  }
0xa6: {  	s19 =	rddreg [dreg:$0xa];
	[sflag:s3] =	ssyncadd.s32 $0xFFFFC000  }
0xa7: {  	[hbm4b:s19+s5] =	stream.linear.scatter [tilespmem:s6], [sflag:$0x5], $0x4000, $0x38;
	[tilespmem:$0x1C200] =	vst v63  }
0xa8: {  	_ =	swait.ge [sflag:s3], $0x4000  }
0xa9: {  	[sflag:s3] =	ssyncset.done $0x0  }
0xaa: {  	[sflag:s3] =	ssyncadd.s32 $0xFFFFC000  }
0xab: {  	[spmem:s29] =	stream.linear.scatter [tilespmem:s11], [sflag:$0x5], $0x4000, $0x38;
	[tilespmem:$0x1C200] =	vst v63  }
0xac: {  	_ =	swait.ge [sflag:s3], $0x4000  }
0xad: {  	[sflag:s3] =	ssyncset.done $0x0  }
0xae: {  	[sflag:s3] =	ssyncadd.s32 $0xFFFFC000  }
0xaf: {  	[tilespmem:s6], [sflag:$0x5] =	stream.linear.gather [spmem:s30], $0x4000, $0x38;
	[tilespmem:$0x1C200] =	vst v63  }
0xb0: {  	_ =	swait.ge [sflag:s3], $0x4000  }
0xb1: {  	[sflag:s3] =	ssyncset.done $0x0  }
0xb2: {  	s20 =	rddreg [dreg:$0xb];
	[sflag:s3] =	ssyncadd.s32 $0xFFFFC000  }
0xb3: {  	[hbm4b:s20+s5] =	stream.linear.scatter [tilespmem:s6], [sflag:$0x5], $0x4000, $0x38;
	[tilespmem:$0x1C200] =	vst v63  }
0xb4: {  	_ =	swait.ge [sflag:s3], $0x4000  }
0xb5: {  	[sflag:s3] =	ssyncset.done $0x0  }
0xb6: {  	[sflag:s3] =	ssyncadd.s32 $0xFFFFC000  }
0xb7: {  	[spmem:s30] =	stream.linear.scatter [tilespmem:s11], [sflag:$0x5], $0x4000, $0x38;
	[tilespmem:$0x1C200] =	vst v63  }
0xb8: {  	_ =	swait.ge [sflag:s3], $0x4000  }
0xb9: {  	[sflag:s3] =	ssyncset.done $0x0  }
0xba: {  	[sflag:s3] =	ssyncadd.s32 $0xFFFFC000  }
0xbb: {  	[bflag:$0x0] =	sbarrier.arrive $0xFFFF  }
0xbc: {  	s21 =	rddreg [dreg:$0x6]  }
0xbd: {  	[tilespmem:s6], [sflag:$0x5] =	stream.linear.gather [hbm4b:s21+s5], $0x4000, $0x38;
	[tilespmem:$0x1C200] =	vst v63  }
0xbe: {  	_ =	swait.ge [sflag:s3], $0x4000  }
0xbf: {  	[sflag:s3] =	ssyncset.done $0x0  }
0xc0: {  	[sflag:s3] =	ssyncadd.s32 $0xFFFFC000  }
0xc1: {  	[tilespmem:s5], [sflag:$0x5] =	stream.linear.gather [hbm4b:s10+s5], $0x100, $0x38;
	[tilespmem:$0x1C200] =	vst v63  }
0xc2: {  	_ =	swait.ge [sflag:s3], $0x100  }
0xc3: {  	p1 =	sne.s32 s8, $0x3;
	[sflag:s3] =	ssyncset.done $0x0  }
0xc4: {  	s13 =	simm.s32 $0x100;
	s24 =	rddreg [dreg:$0x13];
	[sflag:s3] =	ssyncadd.s32 $0xFFFFFF00  }
0xc5: {  	[tilespmem:s13], [sflag:$0x5] =	stream.linear.gather [hbm4b:s24+s5], $0x100, $0x38;
	[tilespmem:$0x1C200] =	vst v63  }
.Ltmp3:
0xc6: {  	_ = 	snop;
	(pc) =	sbr.rel @!p1 .LBB2_8-.Ltmp3, $4  }
0xc7: {  	_ =	swait.ge [sflag:s3], $0x100  }
0xc8: {  	s25 =	simm.s32 $0x2;
	[sflag:s3] =	ssyncset.done $0x0  }
0xc9: {  	s14 =	sand.u32 $0x1, s25;
	s18 =	simm.s32 $0x3;
	[sflag:s3] =	ssyncadd.s32 $0xFFFFFF00  }
0xca: {  	[spmem:s4] =	stream.indirect.scatter.add.f32 [tilespmem:s6], [sflag:$0x3], $0x80, s7, s7, $0xb8;
	[tilespmem:$0x1C200] =	vst v63  }
0xcb: {  	p0 =	seq.s32 s14, $0x1;
	s16 =	simm.s32 $0x4  }
0xcc: {  	s13 =	sxor.u32 $0xFFFFFFFF, s13;
	s16 =	simm.s32 @!p0 $0x3  }
0xcd: {  	p2 =	sne.s32 s8, $0x4;
	s25 =	sadd.s32 $0x400, s15;
	_ =	swait.ge [sflag:s16], $0x4000  }
0xce: {  	p1 =	seq.s32 s14, $0x0;
	s14 =	sand.u32 $0x1, s18;
	[sflag:s16] =	ssyncset.done $0x0  }
.Ltmp4:
0xcf: {  	s13 =	sand.u32 $0x100, s13;
	[sflag:s16] =	ssyncadd.s32 $0xFFFFC000;
	(pc) =	sbr.rel @!p2 .LBB2_11-.Ltmp4, $4  }
0xd0: {  	[tilespmem:s13], [sflag:$0x5] =	stream.linear.gather [hbm4b:s15+s5], $0x100, $0x38;
	[tilespmem:$0x1C200] =	vst v63  }
0xd1: {  	s18 =	simm.s32 @p1 $0x80;
	p0 =	por $0x1, $0x1;
	_ =	swait.ge [sflag:s3], $0x100  }
0xd2: {  	s16 =	simm.s32 $0x4;
	[sflag:s3] =	ssyncset.done $0x0;
	s24 =	rddreg [dreg:$0x12]  }
0xd3: {  	s13 =	simm.s32 $0x200;
	s17 =	sadd.s32 $0xFFFFFC00, s24;
	[sflag:s3] =	ssyncadd.s32 $0xFFFFFF00  }
.LBB2_10:
0xd4: {  	p2 =	seq.s32 s14, $0x1;
	s19 =	simm.s32 @p1 $0x180;
	s20 =	simm.s32 @p1 $0x200  }
0xd5: {  	[spmem:s4] =	stream.indirect.scatter.add.f32 @p1 [tilespmem:s20], [sflag:$0x4], $0x80, s19, s18, $0xb8;
	[tilespmem:$0x1C200] =	vst v63  }
0xd6: {  	s18 =	simm.s32 $0x4  }
0xd7: {  	s19 =	simm.s32 @!p1 $0x80;
	s20 =	simm.s32 @!p1 $0x200;
	s18 =	simm.s32 @!p2 $0x3  }
0xd8: {  	[spmem:s4] =	stream.indirect.scatter.add.f32 @!p1 [tilespmem:s20], [sflag:$0x3], $0x80, s19, s19, $0xb8;
	[tilespmem:$0x1C200] =	vst v63  }
0xd9: {  	s19 =	smov.u32 s16;
	s16 =	sadd.s32 $0x1, s16;
	_ =	swait.ge [sflag:s18], $0x4000  }
0xda: {  	s20 =	sxor.u32 $0xFFFFFFFF, s13;
	p2 =	sne.s32 s8, s16;
	[sflag:s18] =	ssyncset.done $0x0  }
.Ltmp5:
0xdb: {  	[sflag:s18] =	ssyncadd.s32 $0xFFFFC000;
	s18 =	sand.u32 $0x100, s20;
	(pc) =	sbr.rel @p2 .LBB2_10-.Ltmp5, $4  }
0xdc: {  	[tilespmem:s18], [sflag:$0x5] =	stream.linear.gather [hbm4b:s25+s5], $0x100, $0x38;
	[tilespmem:$0x1C200] =	vst v63  }
0xdd: {  	s13 =	sadd.s32 $0x100, s13;
	s25 =	sadd.s32 $0x400, s25;
	_ =	swait.ge [sflag:s3], $0x100  }
0xde: {  	s17 =	sadd.s32 $0xFFFFFC00, s17;
	p1 =	seq.s32 s14, $0x0;
	[sflag:s3] =	ssyncset.done $0x0  }
0xdf: {  	s14 =	sand.u32 $0x1, s19;
	s18 =	simm.s32 @p1 $0x80;
	[sflag:s3] =	ssyncadd.s32 $0xFFFFFF00  }
.LBB2_11:
0xe0: {  	p2 =	por !p1, !p0  }
0xe1: {  	s16 =	simm.s32 @!p2 $0x180;
	s17 =	simm.s32 @!p2 $0x200  }
0xe2: {  	[spmem:s4] =	stream.indirect.scatter.add.f32 @!p2 [tilespmem:s17], [sflag:$0x4], $0x80, s16, s18, $0xb8;
	[tilespmem:$0x1C200] =	vst v63  }
0xe3: {  	p0 =	por p1, !p0;
	p2 =	seq.s32 s14, $0x1;
	s16 =	simm.s32 $0x4  }
0xe4: {  	s17 =	simm.s32 @!p0 $0x80;
	s18 =	simm.s32 @!p0 $0x200;
	s16 =	simm.s32 @!p2 $0x3  }
0xe5: {  	[spmem:s4] =	stream.indirect.scatter.add.f32 @!p0 [tilespmem:s18], [sflag:$0x3], $0x80, s17, s17, $0xb8;
	[tilespmem:$0x1C200] =	vst v63  }
0xe6: {  	_ =	swait.ge [sflag:s16], $0x4000  }
0xe7: {  	s13 =	sxor.u32 $0xFFFFFFFF, s13;
	[sflag:s16] =	ssyncset.done $0x0  }
0xe8: {  	s13 =	sand.u32 $0x100, s13;
	[sflag:s16] =	ssyncadd.s32 $0xFFFFC000  }
0xe9: {  	[tilespmem:s13], [sflag:$0x5] =	stream.linear.gather [hbm4b:s25+s5], $0x100, $0x38;
	[tilespmem:$0x1C200] =	vst v63  }
0xea: {  	p0 =	seq.s32 s14, $0x0;
	_ =	swait.ge [sflag:s3], $0x100  }
0xeb: {  	s14 =	simm.s32 @p0 $0x180;
	[sflag:s3] =	ssyncset.done $0x0  }
0xec: {  	s16 =	simm.s32 @p0 $0x200;
	s13 =	simm.s32 @p0 $0x80;
	[sflag:s3] =	ssyncadd.s32 $0xFFFFFF00  }
0xed: {  	[spmem:s4] =	stream.indirect.scatter.add.f32 @p0 [tilespmem:s16], [sflag:$0x4], $0x80, s14, s13, $0xb8;
	[tilespmem:$0x1C200] =	vst v63  }
0xee: {  	s13 =	simm.s32 @!p0 $0x80;
	s14 =	simm.s32 @!p0 $0x200  }
0xef: {  	[spmem:s4] =	stream.indirect.scatter.add.f32 @!p0 [tilespmem:s14], [sflag:$0x3], $0x80, s13, s13, $0xb8;
	[tilespmem:$0x1C200] =	vst v63  }
0xf0: {  	s13 =	simm.s32 $0x3  }
0xf1: {  	s13 =	simm.s32 @!p2 $0x4  }
0xf2: {  	_ =	swait.ge [sflag:s13], $0x4000  }
0xf3: {  	s16 =	simm.s32 @p2 $0x200;
	[sflag:s13] =	ssyncset.done $0x0  }
0xf4: {  	s14 =	simm.s32 @p2 $0x180;
	[sflag:s13] =	ssyncadd.s32 $0xFFFFC000;
	s13 =	simm.s32 @p2 $0x80  }
0xf5: {  	[spmem:s4] =	stream.indirect.scatter.add.f32 @p2 [tilespmem:s16], [sflag:$0x4], $0x80, s14, s13, $0xb8;
	[tilespmem:$0x1C200] =	vst v63  }
0xf6: {  	s13 =	simm.s32 @!p2 $0x80;
	s14 =	simm.s32 @!p2 $0x200  }
0xf7: {  	[spmem:s4] =	stream.indirect.scatter.add.f32 @!p2 [tilespmem:s14], [sflag:$0x3], $0x80, s13, s13, $0xb8;
	[tilespmem:$0x1C200] =	vst v63  }
0xf8: {  	_ =	swait.ge [sflag:s22], $0x4000  }
0xf9: {  	[sflag:s22] =	ssyncset.done $0x0  }
0xfa: {  	[sflag:s22] =	ssyncadd.s32 $0xFFFFC000  }
0xfb: {  	[bflag:$0x0] =	sbarrier.arrive $0xFFFF  }
0xfc: {  	[tilespmem:s6], [sflag:$0x5] =	stream.linear.gather [spmem:s9], $0x4000, $0x38;
	[tilespmem:$0x1C200] =	vst v63  }
0xfd: {  	_ =	swait.ge [sflag:s3], $0x4000  }
0xfe: {  	[sflag:s3] =	ssyncset.done $0x0  }
0xff: {  	s18 =	rddreg [dreg:$0xc];
	[sflag:s3] =	ssyncadd.s32 $0xFFFFC000  }
0x100: {  	[hbm4b:s18+s5] =	stream.linear.scatter [tilespmem:s6], [sflag:$0x5], $0x4000, $0x38;
	[tilespmem:$0x1C200] =	vst v63  }
0x101: {  	_ =	swait.ge [sflag:s3], $0x4000  }
0x102: {  	[sflag:s3] =	ssyncset.done $0x0  }
0x103: {  	[sflag:s3] =	ssyncadd.s32 $0xFFFFC000  }
0x104: {  	[tilespmem:s6], [sflag:$0x5] =	stream.linear.gather [spmem:s26], $0x4000, $0x38;
	[tilespmem:$0x1C200] =	vst v63  }
0x105: {  	_ =	swait.ge [sflag:s3], $0x4000  }
0x106: {  	[sflag:s3] =	ssyncset.done $0x0  }
0x107: {  	s19 =	rddreg [dreg:$0xd];
	[sflag:s3] =	ssyncadd.s32 $0xFFFFC000  }
0x108: {  	[hbm4b:s19+s5] =	stream.linear.scatter [tilespmem:s6], [sflag:$0x5], $0x4000, $0x38;
	[tilespmem:$0x1C200] =	vst v63  }
0x109: {  	_ =	swait.ge [sflag:s3], $0x4000  }
0x10a: {  	[sflag:s3] =	ssyncset.done $0x0  }
0x10b: {  	[sflag:s3] =	ssyncadd.s32 $0xFFFFC000  }
0x10c: {  	[tilespmem:s6], [sflag:$0x5] =	stream.linear.gather [spmem:s28], $0x4000, $0x38;
	[tilespmem:$0x1C200] =	vst v63  }
0x10d: {  	_ =	swait.ge [sflag:s3], $0x4000  }
0x10e: {  	[sflag:s3] =	ssyncset.done $0x0  }
0x10f: {  	s20 =	rddreg [dreg:$0xe];
	[sflag:s3] =	ssyncadd.s32 $0xFFFFC000  }
0x110: {  	[hbm4b:s20+s5] =	stream.linear.scatter [tilespmem:s6], [sflag:$0x5], $0x4000, $0x38;
	[tilespmem:$0x1C200] =	vst v63  }
0x111: {  	_ =	swait.ge [sflag:s3], $0x4000  }
0x112: {  	[sflag:s3] =	ssyncset.done $0x0  }
0x113: {  	[sflag:s3] =	ssyncadd.s32 $0xFFFFC000  }
0x114: {  	[tilespmem:s6], [sflag:$0x5] =	stream.linear.gather [spmem:s29], $0x4000, $0x38;
	[tilespmem:$0x1C200] =	vst v63  }
0x115: {  	_ =	swait.ge [sflag:s3], $0x4000  }
0x116: {  	[sflag:s3] =	ssyncset.done $0x0  }
0x117: {  	s21 =	rddreg [dreg:$0xf];
	[sflag:s3] =	ssyncadd.s32 $0xFFFFC000  }
0x118: {  	[hbm4b:s21+s5] =	stream.linear.scatter [tilespmem:s6], [sflag:$0x5], $0x4000, $0x38;
	[tilespmem:$0x1C200] =	vst v63  }
0x119: {  	_ =	swait.ge [sflag:s3], $0x4000  }
0x11a: {  	[sflag:s3] =	ssyncset.done $0x0  }
0x11b: {  	[sflag:s3] =	ssyncadd.s32 $0xFFFFC000  }
0x11c: {  	[tilespmem:s6], [sflag:$0x5] =	stream.linear.gather [spmem:s30], $0x4000, $0x38;
	[tilespmem:$0x1C200] =	vst v63  }
0x11d: {  	_ =	swait.ge [sflag:s3], $0x4000  }
0x11e: {  	[sflag:s3] =	ssyncset.done $0x0  }
0x11f: {  	s24 =	rddreg [dreg:$0x10];
	[sflag:s3] =	ssyncadd.s32 $0xFFFFC000  }
0x120: {  	[hbm4b:s24+s5] =	stream.linear.scatter [tilespmem:s6], [sflag:$0x5], $0x4000, $0x38;
	[tilespmem:$0x1C200] =	vst v63  }
0x121: {  	_ =	swait.ge [sflag:s3], $0x4000  }
0x122: {  	s12 =	sadd.s32 $0x1, s12;
	s25 =	rddreg [dreg:$0x11]  }
0x123: {  	p0 =	sne.s32 s12, s25  }
.Ltmp6:
0x124: {  	_ = 	snop;
	(pc) =	sbr.rel @p0 .LBB2_1-.Ltmp6, $4  }
.Ltmp7:
0x125: {  	_ = 	snop;
	(pc) =	sbr.rel @!p0 .LBB2_12-.Ltmp7, $4  }
0x126: {  	_ = 	snop  }
0x127: {  	[sflag:s3] =	ssyncset.done $0x0  }
0x128: {  	[sflag:s3] =	ssyncadd.s32 $0xFFFFC000  }
0x129: {  	_ = 	snop  }
.LBB2_2:
.Ltmp8:
0x12a: {  	(pc) =	sbr.rel .LBB2_7-.Ltmp8, $2  }
0x12b: {  	_ =	sdelay $0x2  }
0x12c: {  	s25 =	smov.u32 s23;
	p2 =	por $0x0, $0x0  }
.LBB2_8:
.Ltmp9:
0x12d: {  	(pc) =	sbr.rel .LBB2_11-.Ltmp9, $2  }
0x12e: {  	_ =	sdelay $0x2  }
0x12f: {  	s25 =	smov.u32 s15  }
.LBB2_4:
.Ltmp10:
0x130: {  	(pc) =	sbr.rel .LBB2_7-.Ltmp10, $2  }
0x131: {  	_ =	sdelay $0x2  }
0x132: {  	s16 =	simm.s32 $0x2  }
.LBB2_12:
0x133: {  	_ =	sfence.sel $0x180000  }
0x134: {  	[bflag:$0x0] =	sbarrier.arrive $0xFFFF  }
0x135: {  	_ =	strace $0x90000047  }
0x136: {  	s0 =	stileid.u32;
	[bflag:$0x2] =	sbarrier.arrive $0xFFFF  }
0x137: {  	p0 =	sne.s32 s0, $0x0;
	s0 =	rddreg [dreg:$0x5]  }
0x138: {  	s0 =	sadd.s32 @!p0 $0x100000, s0  }
0x139: {  	[sflag:s0] =	ssyncadd.tile.s32 @!p0 $0x1;
	_ =	shalt  }
.Lfunc_end2:
_tile_overlayer_lowered:
.L_overlay_start_2:
0x13a: {  	(tag) =	ssettag $0x2  }
0x13b: {  	s0 =	rddreg [dreg:$0x0];
	s2 =	stileid.u32  }
0x13c: {  	s1 =	rddreg [dreg:$0x1];
	p0 =	sne.s32 s2, $0x0  }
0x13d: {  	s3 =	rddreg [dreg:$0x2];
	[bflag:$0x3] =	sbarrier.arrive $0xFFFF;
	s2 =	simm.s32 @!p0 $0x1C05  }
0x13e: {  	[timem:s3], [sflag:s2] =	dma.local @!p0 [hbm:s0], s1  }
0x13f: {  	s0 =	simm.s32 @!p0 $0x5  }
0x140: {  	_ =	swait.ge @!p0 [sflag:s0], s1  }
0x141: {  	s1 =	ssub.s32 @!p0 $0x0, s1;
	[sflag:s0] =	ssyncset.done @!p0 $0x0  }
0x142: {  	[sflag:s0] =	ssyncadd.s32 @!p0 s1  }
0x143: {  	[bflag:$0x3] =	sbarrier.arrive $0xFFFF  }
0x144: {  	_ =	shalt  }

</sc_bundles>
